<compile_context>
chip_gen: v7x
topology: tpu7x:2x2x1
jax: 0.10.2.dev20260603
libtpu: 0.0.44.dev20260713+nightly
codegen_flags: <defaults>
</compile_context>

<pallas_src>
import functools

import jax
import jax.numpy as jnp
from jax.experimental import pallas as pl
from jax.experimental.pallas import tpu as pltpu
from jax.experimental.pallas import tpu_sc as plsc

NCLS = 80
MAX_DET = 300
CONF = 0.25
IOU_THR = 0.45
NA = 20000
CHUNK = 2048
NCHUNK = (NA + CHUNK - 1) // CHUNK
AP = NCHUNK * CHUNK
HALF = AP // 2
NF = 5
NB = 16
KCAP = 512
PCAP = 512
PTOT = 2 * PCAP
PMAX = 480
NEG = float("-inf")
INV = 1.0 / 640.0


def _prep_kernel(pred_ref, out_ref):
    j = pl.program_id(1)
    p = pred_ref[0]
    cs = p[4:4 + NCLS]
    score = jnp.max(cs, axis=0, keepdims=True)
    riota = jax.lax.broadcasted_iota(jnp.int32, (NCLS, CHUNK), 0)
    clsi = jnp.min(jnp.where(cs == score, riota, NCLS), axis=0, keepdims=True)
    clsf = clsi.astype(jnp.float32)
    hx = p[2:3] * 0.5
    hy = p[3:4] * 0.5
    inv = jnp.float32(INV)
    nx1 = (p[0:1] - hx) * inv + clsf
    ny1 = (p[1:2] - hy) * inv + clsf
    nx2 = (p[0:1] + hx) * inv + clsf
    ny2 = (p[1:2] + hy) * inv + clsf
    aidx = j * CHUNK + jax.lax.broadcasted_iota(jnp.int32, (1, CHUNK), 1)
    ok = (aidx < NA) & (score > CONF)
    s0 = jnp.where(ok, score, NEG)
    out_ref[0] = jnp.concatenate([s0, nx1, ny1, nx2, ny2], axis=0)


def _tau_kernel(f_ref, tau_ref):
    s = f_ref[:, 0, :]
    iota_l = jax.lax.broadcasted_iota(jnp.int32, (NB, AP), 1)
    in_a = iota_l < HALF

    def body(_, lohi):
        lo, hi = lohi
        mid = (lo + hi) * 0.5
        gt = s > mid
        ca = jnp.sum(jnp.where(gt & in_a, 1.0, 0.0), axis=1, keepdims=True)
        cb = jnp.sum(jnp.where(gt & jnp.logical_not(in_a), 1.0, 0.0),
                     axis=1, keepdims=True)
        fits = jnp.maximum(ca, cb) <= float(PMAX)
        return jnp.where(fits, lo, mid), jnp.where(fits, mid, hi)

    lo0 = jnp.zeros((NB, 1), jnp.float32)
    hi0 = jnp.ones((NB, 1), jnp.float32)
    _, hi = jax.lax.fori_loop(0, 32, body, (lo0, hi0))
    tau_ref[...] = jnp.broadcast_to(hi, (NB, 16))


def _sc_compact(feats_hbm, tau_hbm, pool_hbm, s_v, f1_v, f2_v, f3_v, f4_v,
                tau_v, p0_v, p1_v, p2_v, p3_v, p4_v):
    c = jax.lax.axis_index("c")
    sub = jax.lax.axis_index("s")
    wid = sub * 2 + c
    img = wid // 2
    h = wid % 2
    base = img * NF * AP + h * HALF
    pltpu.sync_copy(feats_hbm.at[pl.ds(base + 0 * AP, HALF)], s_v)
    pltpu.sync_copy(feats_hbm.at[pl.ds(base + 1 * AP, HALF)], f1_v)
    pltpu.sync_copy(feats_hbm.at[pl.ds(base + 2 * AP, HALF)], f2_v)
    pltpu.sync_copy(feats_hbm.at[pl.ds(base + 3 * AP, HALF)], f3_v)
    pltpu.sync_copy(feats_hbm.at[pl.ds(base + 4 * AP, HALF)], f4_v)
    pltpu.sync_copy(tau_hbm.at[pl.ds(img * 16, 16)], tau_v)
    tau = tau_v[...]
    neg = jnp.full((16,), NEG, jnp.float32)
    zero = jnp.zeros((16,), jnp.float32)
    for j in range(PCAP // 16):
        sl0 = pl.ds(j * 16, 16)
        p0_v[sl0] = neg
        p1_v[sl0] = zero
        p2_v[sl0] = zero
        p3_v[sl0] = zero
        p4_v[sl0] = zero

    def body(i, off):
        sl = pl.ds(i * 16, 16)
        sv = s_v[sl]
        msk = sv > tau
        cs = plsc.cumsum(msk.astype(jnp.int32))
        dst = off + cs - 1
        plsc.store_scatter(p0_v, [dst], sv, mask=msk)
        plsc.store_scatter(p1_v, [dst], f1_v[sl], mask=msk)
        plsc.store_scatter(p2_v, [dst], f2_v[sl], mask=msk)
        plsc.store_scatter(p3_v, [dst], f3_v[sl], mask=msk)
        plsc.store_scatter(p4_v, [dst], f4_v[sl], mask=msk)
        return off + jnp.sum(msk.astype(jnp.int32))

    jax.lax.fori_loop(0, HALF // 16, body, jnp.int32(0))
    pbase = (img * 2 + h) * NF * PCAP
    pltpu.sync_copy(p0_v, pool_hbm.at[pl.ds(pbase + 0 * PCAP, PCAP)])
    pltpu.sync_copy(p1_v, pool_hbm.at[pl.ds(pbase + 1 * PCAP, PCAP)])
    pltpu.sync_copy(p2_v, pool_hbm.at[pl.ds(pbase + 2 * PCAP, PCAP)])
    pltpu.sync_copy(p3_v, pool_hbm.at[pl.ds(pbase + 3 * PCAP, PCAP)])
    pltpu.sync_copy(p4_v, pool_hbm.at[pl.ds(pbase + 4 * PCAP, PCAP)])


@functools.cache
def _sc_compact_call():
    return functools.partial(
        pl.kernel,
        mesh=plsc.VectorSubcoreMesh(core_axis_name="c", subcore_axis_name="s"),
        compiler_params=pltpu.CompilerParams(needs_layout_passes=False),
        out_type=jax.ShapeDtypeStruct((NB * 2 * NF * PCAP,), jnp.float32),
        scratch_types=[
            pltpu.VMEM((HALF,), jnp.float32),
            pltpu.VMEM((HALF,), jnp.float32),
            pltpu.VMEM((HALF,), jnp.float32),
            pltpu.VMEM((HALF,), jnp.float32),
            pltpu.VMEM((HALF,), jnp.float32),
            pltpu.VMEM((16,), jnp.float32),
            pltpu.VMEM((PCAP,), jnp.float32),
            pltpu.VMEM((PCAP,), jnp.float32),
            pltpu.VMEM((PCAP,), jnp.float32),
            pltpu.VMEM((PCAP,), jnp.float32),
            pltpu.VMEM((PCAP,), jnp.float32),
        ],
    )(_sc_compact)


def _nms_kernel(f_ref, tau_ref, pool_ref, out_ref, s_ref, sp_ref, pf_ref,
                kb_ref):
    out_ref[...] = jnp.zeros((6, NB, KCAP), jnp.float32)
    kb_ref[0:4] = jnp.full((4, NB, KCAP), 4096.0, jnp.float32)
    kb_ref[4:5] = jnp.zeros((1, NB, KCAP), jnp.float32)
    sp_ref[:, 0:PCAP] = pool_ref[:, 0, 0, :]
    sp_ref[:, PCAP:PTOT] = pool_ref[:, 1, 0, :]
    for k in range(4):
        pf_ref[k, :, 0:PCAP] = pool_ref[:, 0, k + 1, :]
        pf_ref[k, :, PCAP:PTOT] = pool_ref[:, 1, k + 1, :]

    iota_p = jax.lax.broadcasted_iota(jnp.int32, (NB, PTOT), 1)
    iota_l = jax.lax.broadcasted_iota(jnp.int32, (NB, AP), 1)
    iota_k = jax.lax.broadcasted_iota(jnp.int32, (NB, KCAP), 1)

    def check_and_append(cnt, m, px1, py1, px2, py2):
        pcls = jnp.floor(px1 + jnp.float32(INV))
        pa = jnp.maximum(px2 - px1, 0.0) * jnp.maximum(py2 - py1, 0.0)
        kx1 = kb_ref[0]
        ky1 = kb_ref[1]
        kx2 = kb_ref[2]
        ky2 = kb_ref[3]
        ka = kb_ref[4]
        inter = (jnp.maximum(jnp.minimum(px2, kx2) - jnp.maximum(px1, kx1),
                             0.0)
                 * jnp.maximum(jnp.minimum(py2, ky2) - jnp.maximum(py1, ky1),
                               0.0))
        iou = inter / (ka + pa - inter + 1e-7)
        sup = jnp.max(jnp.where(iou > IOU_THR, 1.0, 0.0), axis=1,
                      keepdims=True) > 0.0
        accept = (m > NEG) & jnp.logical_not(sup) & (cnt < MAX_DET)
        ohk = (iota_k == cnt) & accept
        kb_ref[0] = jnp.where(ohk, px1, kx1)
        kb_ref[1] = jnp.where(ohk, py1, ky1)
        kb_ref[2] = jnp.where(ohk, px2, kx2)
        kb_ref[3] = jnp.where(ohk, py2, ky2)
        kb_ref[4] = jnp.where(ohk, pa, ka)
        out_ref[0] = jnp.where(ohk, (px1 - pcls) * 640.0, out_ref[0])
        out_ref[1] = jnp.where(ohk, (py1 - pcls) * 640.0, out_ref[1])
        out_ref[2] = jnp.where(ohk, (px2 - pcls) * 640.0, out_ref[2])
        out_ref[3] = jnp.where(ohk, (py2 - pcls) * 640.0, out_ref[3])
        out_ref[4] = jnp.where(ohk, m, out_ref[4])
        out_ref[5] = jnp.where(ohk, pcls, out_ref[5])
        return cnt + accept.astype(jnp.int32)

    def cond1(carry):
        _, alive = carry
        return alive

    def kept_sup(px1, py1, px2, py2, pa):
        inter = (jnp.maximum(jnp.minimum(px2, kb_ref[2]) -
                             jnp.maximum(px1, kb_ref[0]), 0.0)
                 * jnp.maximum(jnp.minimum(py2, kb_ref[3]) -
                               jnp.maximum(py1, kb_ref[1]), 0.0))
        iou = inter / (kb_ref[4] + pa - inter + 1e-7)
        return jnp.max(jnp.where(iou > IOU_THR, 1.0, 0.0), axis=1,
                       keepdims=True) > 0.0

    def append(cnt, accept, m, px1, py1, px2, py2, pa):
        pcls = jnp.floor(px1 + jnp.float32(INV))
        ohk = (iota_k == cnt) & accept
        kb_ref[0] = jnp.where(ohk, px1, kb_ref[0])
        kb_ref[1] = jnp.where(ohk, py1, kb_ref[1])
        kb_ref[2] = jnp.where(ohk, px2, kb_ref[2])
        kb_ref[3] = jnp.where(ohk, py2, kb_ref[3])
        kb_ref[4] = jnp.where(ohk, pa, kb_ref[4])
        out_ref[0] = jnp.where(ohk, (px1 - pcls) * 640.0, out_ref[0])
        out_ref[1] = jnp.where(ohk, (py1 - pcls) * 640.0, out_ref[1])
        out_ref[2] = jnp.where(ohk, (px2 - pcls) * 640.0, out_ref[2])
        out_ref[3] = jnp.where(ohk, (py2 - pcls) * 640.0, out_ref[3])
        out_ref[4] = jnp.where(ohk, m, out_ref[4])
        out_ref[5] = jnp.where(ohk, pcls, out_ref[5])
        return cnt + accept.astype(jnp.int32)

    def body1(carry):
        cnt, _ = carry
        s = sp_ref[...]
        m1 = jnp.max(s, axis=1, keepdims=True)
        i1 = jnp.min(jnp.where(s == m1, iota_p, PTOT), axis=1, keepdims=True)
        oh1 = iota_p == i1
        s2 = jnp.where(oh1, NEG, s)
        m2 = jnp.max(s2, axis=1, keepdims=True)
        i2 = jnp.min(jnp.where(s2 == m2, iota_p, PTOT), axis=1, keepdims=True)
        oh2 = iota_p == i2
        sp_ref[...] = jnp.where(oh1 | oh2, NEG, s)

        def pick(r, oh):
            return jnp.sum(jnp.where(oh, r, 0.0), axis=1, keepdims=True)

        ax1 = pick(pf_ref[0], oh1)
        ay1 = pick(pf_ref[1], oh1)
        ax2 = pick(pf_ref[2], oh1)
        ay2 = pick(pf_ref[3], oh1)
        bx1 = pick(pf_ref[0], oh2)
        by1 = pick(pf_ref[1], oh2)
        bx2 = pick(pf_ref[2], oh2)
        by2 = pick(pf_ref[3], oh2)
        aa = jnp.maximum(ax2 - ax1, 0.0) * jnp.maximum(ay2 - ay1, 0.0)
        ba = jnp.maximum(bx2 - bx1, 0.0) * jnp.maximum(by2 - by1, 0.0)
        supa = kept_sup(ax1, ay1, ax2, ay2, aa)
        supb = kept_sup(bx1, by1, bx2, by2, ba)
        acc1 = (m1 > NEG) & jnp.logical_not(supa) & (cnt < MAX_DET)
        iab = (jnp.maximum(jnp.minimum(bx2, ax2) - jnp.maximum(bx1, ax1), 0.0)
               * jnp.maximum(jnp.minimum(by2, ay2) - jnp.maximum(by1, ay1),
                             0.0))
        iou_ab = iab / (aa + ba - iab + 1e-7)
        supb = supb | (acc1 & (iou_ab > IOU_THR))
        cnt = append(cnt, acc1, m1, ax1, ay1, ax2, ay2, aa)
        acc2 = (m2 > NEG) & jnp.logical_not(supb) & (cnt < MAX_DET)
        cnt = append(cnt, acc2, m2, bx1, by1, bx2, by2, ba)
        alive = jnp.any((cnt < MAX_DET) & (m2 > NEG))
        return cnt, alive

    cnt, _ = jax.lax.while_loop(
        cond1, body1, (jnp.zeros((NB, 1), jnp.int32), jnp.bool_(True)))

    tau = tau_ref[:, 0:1]
    s_full = f_ref[:, 0, :]
    s_ref[...] = jnp.where(s_full > tau, NEG, s_full)

    def cond2(carry):
        _, alive = carry
        return alive

    def body2(carry):
        cnt, _ = carry
        s = s_ref[...]
        m = jnp.max(s, axis=1, keepdims=True)
        idx = jnp.min(jnp.where(s == m, iota_l, AP), axis=1, keepdims=True)
        oh = iota_l == idx
        s_ref[...] = jnp.where(oh, NEG, s)

        def pick(r):
            return jnp.sum(jnp.where(oh, r, 0.0), axis=1, keepdims=True)

        cnt = check_and_append(cnt, m, pick(f_ref[:, 1, :]),
                               pick(f_ref[:, 2, :]), pick(f_ref[:, 3, :]),
                               pick(f_ref[:, 4, :]))
        alive = jnp.any((cnt < MAX_DET) & (m > NEG))
        return cnt, alive

    alive0 = jnp.any(cnt < MAX_DET)
    jax.lax.while_loop(cond2, body2, (cnt, alive0))


def kernel(x, pred):
    del x
    feats = pl.pallas_call(
        _prep_kernel,
        grid=(NB, NCHUNK),
        in_specs=[pl.BlockSpec((1, 4 + NCLS, CHUNK), lambda i, j: (i, 0, j))],
        out_specs=pl.BlockSpec((1, NF, CHUNK), lambda i, j: (i, 0, j)),
        out_shape=jax.ShapeDtypeStruct((NB, NF, AP), jnp.float32),
    )(pred)
    tau = pl.pallas_call(
        _tau_kernel,
        out_shape=jax.ShapeDtypeStruct((NB, 16), jnp.float32),
    )(feats)
    pool = _sc_compact_call()(feats.reshape(-1), tau.reshape(-1))
    pool = pool.reshape(NB, 2, NF, PCAP)
    res = pl.pallas_call(
        _nms_kernel,
        out_shape=jax.ShapeDtypeStruct((6, NB, KCAP), jnp.float32),
        scratch_shapes=[pltpu.VMEM((NB, AP), jnp.float32),
                        pltpu.VMEM((NB, PTOT), jnp.float32),
                        pltpu.VMEM((4, NB, PTOT), jnp.float32),
                        pltpu.VMEM((NF, NB, KCAP), jnp.float32)],
    )(feats, tau, pool)
    return res.transpose(1, 2, 0)[:, :MAX_DET, :]

# --- scband reference (transcript-rebuilt; emitter-appended) ---
"""Pipeline reference for scband-nmsmodel-30837865185870 (READ-ONLY COPY).

The authoritative reference and input builder live on the scoring server;
editing this copy changes nothing except your own understanding.
"""

import jax, jax.numpy as jnp
import numpy as np

NC = 80
MAX_DET = 300
CONF = 0.25
IOU_THR = 0.45

def setup_inputs(seed: int = 0) -> dict:
    key = jax.random.key(seed)
    k1, k2 = jax.random.split(key)
    pred = jax.random.uniform(k1, (16, 4 + NC, 20000), dtype=jnp.float32)
    x = jax.random.normal(k2, (16, 3, 640, 640), dtype=jnp.float32)
    return {"x": x, "pred": pred}

def xywh2xyxy(b):
    xy = b[..., :2]
    wh = b[..., 2:4] / 2.0
    return jnp.concatenate([xy - wh, xy + wh], axis=-1)

def _iou_one_vs_all(box, boxes):
    lt = jnp.maximum(box[:2], boxes[:, :2])
    rb = jnp.minimum(box[2:], boxes[:, 2:])
    wh = jnp.clip(rb - lt, 0.0, None)
    inter = wh[:, 0] * wh[:, 1]
    a1 = jnp.clip(box[2] - box[0], 0.0, None) * jnp.clip(box[3] - box[1], 0.0, None)
    a2 = jnp.clip(boxes[:, 2] - boxes[:, 0], 0.0, None) * jnp.clip(boxes[:, 3] - boxes[:, 1], 0.0, None)
    return inter / (a1 + a2 - inter + 1e-7)

def _greedy_nms(nmsbox, score, valid):
    # Greedy NMS keeping up to MAX_DET indices; suppressed/low-conf -> -inf score.
    s0 = jnp.where(valid, score, -jnp.inf)
    def step(s, _):
        idx = jnp.argmax(s)
        ok = s[idx] > -jnp.inf
        kept = jnp.where(ok, idx.astype(jnp.int32), jnp.int32(-1))
        iou = _iou_one_vs_all(nmsbox[idx], nmsbox)
        s = jnp.where(iou > IOU_THR, -jnp.inf, s)
        s = s.at[idx].set(-jnp.inf)
        return s, kept
    _, keep = jax.lax.scan(step, s0, None, length=MAX_DET)
    return keep

def _postprocess_one(p, img_max):
    # p: [A, 4+NC]
    box = p[:, :4]
    cls_scores = p[:, 4:4 + NC]
    score = jnp.max(cls_scores, axis=-1)
    cls = jnp.argmax(cls_scores, axis=-1).astype(p.dtype)
    valid = score > CONF  # conf-threshold mask (torch boolean-indexes; here mask via -inf)
    box = xywh2xyxy(box)
    nmsbox = box / img_max  # multiplier=1 (non-OBB), normalize by max image side
    nmsbox = nmsbox + cls[:, None]  # per-class offset (agnostic_nms=False), end=4
    keep = _greedy_nms(jax.lax.stop_gradient(nmsbox), jax.lax.stop_gradient(score), valid)
    safe = jnp.maximum(keep, 0)
    kmask = (keep >= 0).astype(p.dtype)[:, None]
    dets = jnp.concatenate([box[safe], score[safe][:, None], cls[safe][:, None]], axis=-1)
    return dets * kmask  # zero-pad rows beyond kept detections

def reference(x, pred):
    img_max = float(max(x.shape[2], x.shape[3]))
    p = jnp.swapaxes(pred, -1, -2)  # [B, A, 4+NC], mirrors pred.transpose(-1, -2)
    out = jax.vmap(lambda pi: _postprocess_one(pi, img_max))(p)
    return out  # [B, MAX_DET, 6] = boxes(4) + score(1) + class(1)

if __name__ == "__main__":
    import jax
    _d = setup_inputs()
    print(jax.jit(kernel)(*tuple(_d.values())))

</pallas_src>

<mosaic_0001>
#map = affine_map<(d0, d1) -> (0)>
module attributes {stable_mosaic.version = 14 : i64} {
  func.func @_sc_compact(%arg0: i32, %arg1: i32, %arg2: memref<1638400xf32, #tpu.memory_space<hbm>>, %arg3: memref<256xf32, #tpu.memory_space<hbm>>, %arg4: memref<81920xf32, #tpu.memory_space<hbm>>, %arg5: memref<10240xf32, #tpu.memory_space<vmem>>, %arg6: memref<10240xf32, #tpu.memory_space<vmem>>, %arg7: memref<10240xf32, #tpu.memory_space<vmem>>, %arg8: memref<10240xf32, #tpu.memory_space<vmem>>, %arg9: memref<10240xf32, #tpu.memory_space<vmem>>, %arg10: memref<16xf32, #tpu.memory_space<vmem>>, %arg11: memref<512xf32, #tpu.memory_space<vmem>>, %arg12: memref<512xf32, #tpu.memory_space<vmem>>, %arg13: memref<512xf32, #tpu.memory_space<vmem>>, %arg14: memref<512xf32, #tpu.memory_space<vmem>>, %arg15: memref<512xf32, #tpu.memory_space<vmem>>) attributes {dimension_semantics = [#tpu.dimension_semantics<core_parallel>, #tpu.dimension_semantics<subcore_parallel>], iteration_bounds = array<i64: 2, 16>, scalar_prefetch = 0 : i64, scratch_operands = 11 : i64, tpu.core_type = #tpu.core_type<sc_vector_subcore>, window_params = [{transform_indices = #map}, {transform_indices = #map}, {transform_indices = #map}]} {
    %mul3A = arith.constant 2 : i32
    %mul3A_0 = arith.muli %arg1, %mul3A : i32
    %add3A = arith.addi %mul3A_0, %arg0 : i32
    %jit3A = arith.constant 2 : i32
    %div3A = arith.divsi %add3A, %jit3A : i32
    %sign3A = arith.constant 0 : i32
    %sign3A_1 = arith.cmpi sgt, %add3A, %sign3A : i32
    %sign3A_2 = arith.extui %sign3A_1 : i1 to i32
    %sign3A_3 = arith.constant 0 : i32
    %sign3A_4 = arith.cmpi slt, %add3A, %sign3A_3 : i32
    %sign3A_5 = arith.extui %sign3A_4 : i1 to i32
    %sign3A_6 = arith.subi %sign3A_2, %sign3A_5 : i32
    %sign3A_7 = arith.constant 0 : i32
    %sign3A_8 = arith.cmpi sgt, %jit3A, %sign3A_7 : i32
    %sign3A_9 = arith.extui %sign3A_8 : i1 to i32
    %sign3A_10 = arith.constant 0 : i32
    %sign3A_11 = arith.cmpi slt, %jit3A, %sign3A_10 : i32
    %sign3A_12 = arith.extui %sign3A_11 : i1 to i32
    %sign3A_13 = arith.subi %sign3A_9, %sign3A_12 : i32
    %ne3A = arith.cmpi ne, %sign3A_6, %sign3A_13 : i32
    %rem3A = arith.remsi %add3A, %jit3A : i32
    %ne3A_14 = arith.constant 0 : i32
    %ne3A_15 = arith.cmpi ne, %rem3A, %ne3A_14 : i32
    %and3A = arith.andi %ne3A, %ne3A_15 : i1
    %sub3A = arith.constant 1 : i32
    %sub3A_16 = arith.subi %div3A, %sub3A : i32
    %select_n3A = arith.select %and3A, %sub3A_16, %div3A : i32
    %jit3A_17 = arith.constant 2 : i32
    %eq3A = arith.constant 0 : i32
    %eq3A_18 = arith.cmpi eq, %jit3A_17, %eq3A : i32
    %jit3A_19 = arith.constant 1 : i32
    %select_n3A_20 = arith.select %eq3A_18, %jit3A_19, %jit3A_17 : i32
    %rem3A_21 = arith.remsi %add3A, %select_n3A_20 : i32
    %ne3A_22 = arith.constant 0 : i32
    %ne3A_23 = arith.cmpi ne, %rem3A_21, %ne3A_22 : i32
    %lt3A = arith.constant 0 : i32
    %lt3A_24 = arith.cmpi slt, %rem3A_21, %lt3A : i32
    %lt3A_25 = arith.constant 0 : i32
    %lt3A_26 = arith.cmpi slt, %select_n3A_20, %lt3A_25 : i32
    %ne3A_27 = arith.xori %lt3A_24, %lt3A_26 : i1
    %and3A_28 = arith.andi %ne3A_27, %ne3A_23 : i1
    %add3A_29 = arith.addi %rem3A_21, %select_n3A_20 : i32
    %select_n3A_30 = arith.select %and3A_28, %add3A_29, %rem3A_21 : i32
    %mul3A_31 = arith.constant 5 : i32
    %mul3A_32 = arith.muli %select_n3A, %mul3A_31 : i32
    %mul3A_33 = arith.constant 20480 : i32
    %mul3A_34 = arith.muli %mul3A_32, %mul3A_33 : i32
    %mul3A_35 = arith.constant 10240 : i32
    %mul3A_36 = arith.muli %select_n3A_30, %mul3A_35 : i32
    %add3A_37 = arith.addi %mul3A_34, %mul3A_36 : i32
    %add3A_38 = arith.constant 0 : i32
    %add3A_39 = arith.addi %add3A_37, %add3A_38 : i32
    "tpu.region"() ({
      %run_scoped3A = tpu.sem_alloc : memref<!tpu.dma_semaphore, #tpu.memory_space<semaphore_mem>>
      %dma_start3A = tpu.memref_slice %arg2[%add3A_39] : memref<1638400xf32, #tpu.memory_space<hbm>> -> memref<10240xf32, #tpu.memory_space<hbm>>
      %dma_start3A_396 = tpu.memref_slice %arg2[%add3A_39] : memref<1638400xf32, #tpu.memory_space<hbm>> -> memref<10240xf32, #tpu.memory_space<hbm>>
      tpu.enqueue_dma source(%dma_start3A_396 : memref<10240xf32, #tpu.memory_space<hbm>>) target(%arg5 : memref<10240xf32, #tpu.memory_space<vmem>>) target_semaphore(%run_scoped3A : memref<!tpu.dma_semaphore, #tpu.memory_space<semaphore_mem>>)
      %dma_wait3A = tpu.memref_slice %arg2[%add3A_39] : memref<1638400xf32, #tpu.memory_space<hbm>> -> memref<10240xf32, #tpu.memory_space<hbm>>
      %dma_wait3A_397 = tpu.memref_slice %arg2[%add3A_39] : memref<1638400xf32, #tpu.memory_space<hbm>> -> memref<10240xf32, #tpu.memory_space<hbm>>
      tpu.wait_dma2 semaphore(%run_scoped3A : memref<!tpu.dma_semaphore, #tpu.memory_space<semaphore_mem>>) src(%dma_wait3A_397 : memref<10240xf32, #tpu.memory_space<hbm>>) dst(%arg5 : memref<10240xf32, #tpu.memory_space<vmem>>)
      tpu.yield
    }) : () -> ()
    %add3A_40 = arith.constant 20480 : i32
    %add3A_41 = arith.addi %add3A_37, %add3A_40 : i32
    "tpu.region"() ({
      %run_scoped3A = tpu.sem_alloc : memref<!tpu.dma_semaphore, #tpu.memory_space<semaphore_mem>>
      %dma_start3A = tpu.memref_slice %arg2[%add3A_41] : memref<1638400xf32, #tpu.memory_space<hbm>> -> memref<10240xf32, #tpu.memory_space<hbm>>
      %dma_start3A_396 = tpu.memref_slice %arg2[%add3A_41] : memref<1638400xf32, #tpu.memory_space<hbm>> -> memref<10240xf32, #tpu.memory_space<hbm>>
      tpu.enqueue_dma source(%dma_start3A_396 : memref<10240xf32, #tpu.memory_space<hbm>>) target(%arg6 : memref<10240xf32, #tpu.memory_space<vmem>>) target_semaphore(%run_scoped3A : memref<!tpu.dma_semaphore, #tpu.memory_space<semaphore_mem>>)
      %dma_wait3A = tpu.memref_slice %arg2[%add3A_41] : memref<1638400xf32, #tpu.memory_space<hbm>> -> memref<10240xf32, #tpu.memory_space<hbm>>
      %dma_wait3A_397 = tpu.memref_slice %arg2[%add3A_41] : memref<1638400xf32, #tpu.memory_space<hbm>> -> memref<10240xf32, #tpu.memory_space<hbm>>
      tpu.wait_dma2 semaphore(%run_scoped3A : memref<!tpu.dma_semaphore, #tpu.memory_space<semaphore_mem>>) src(%dma_wait3A_397 : memref<10240xf32, #tpu.memory_space<hbm>>) dst(%arg6 : memref<10240xf32, #tpu.memory_space<vmem>>)
      tpu.yield
    }) : () -> ()
    %add3A_42 = arith.constant 40960 : i32
    %add3A_43 = arith.addi %add3A_37, %add3A_42 : i32
    "tpu.region"() ({
      %run_scoped3A = tpu.sem_alloc : memref<!tpu.dma_semaphore, #tpu.memory_space<semaphore_mem>>
      %dma_start3A = tpu.memref_slice %arg2[%add3A_43] : memref<1638400xf32, #tpu.memory_space<hbm>> -> memref<10240xf32, #tpu.memory_space<hbm>>
      %dma_start3A_396 = tpu.memref_slice %arg2[%add3A_43] : memref<1638400xf32, #tpu.memory_space<hbm>> -> memref<10240xf32, #tpu.memory_space<hbm>>
      tpu.enqueue_dma source(%dma_start3A_396 : memref<10240xf32, #tpu.memory_space<hbm>>) target(%arg7 : memref<10240xf32, #tpu.memory_space<vmem>>) target_semaphore(%run_scoped3A : memref<!tpu.dma_semaphore, #tpu.memory_space<semaphore_mem>>)
      %dma_wait3A = tpu.memref_slice %arg2[%add3A_43] : memref<1638400xf32, #tpu.memory_space<hbm>> -> memref<10240xf32, #tpu.memory_space<hbm>>
      %dma_wait3A_397 = tpu.memref_slice %arg2[%add3A_43] : memref<1638400xf32, #tpu.memory_space<hbm>> -> memref<10240xf32, #tpu.memory_space<hbm>>
      tpu.wait_dma2 semaphore(%run_scoped3A : memref<!tpu.dma_semaphore, #tpu.memory_space<semaphore_mem>>) src(%dma_wait3A_397 : memref<10240xf32, #tpu.memory_space<hbm>>) dst(%arg7 : memref<10240xf32, #tpu.memory_space<vmem>>)
      tpu.yield
    }) : () -> ()
    %add3A_44 = arith.constant 61440 : i32
    %add3A_45 = arith.addi %add3A_37, %add3A_44 : i32
    "tpu.region"() ({
      %run_scoped3A = tpu.sem_alloc : memref<!tpu.dma_semaphore, #tpu.memory_space<semaphore_mem>>
      %dma_start3A = tpu.memref_slice %arg2[%add3A_45] : memref<1638400xf32, #tpu.memory_space<hbm>> -> memref<10240xf32, #tpu.memory_space<hbm>>
      %dma_start3A_396 = tpu.memref_slice %arg2[%add3A_45] : memref<1638400xf32, #tpu.memory_space<hbm>> -> memref<10240xf32, #tpu.memory_space<hbm>>
      tpu.enqueue_dma source(%dma_start3A_396 : memref<10240xf32, #tpu.memory_space<hbm>>) target(%arg8 : memref<10240xf32, #tpu.memory_space<vmem>>) target_semaphore(%run_scoped3A : memref<!tpu.dma_semaphore, #tpu.memory_space<semaphore_mem>>)
      %dma_wait3A = tpu.memref_slice %arg2[%add3A_45] : memref<1638400xf32, #tpu.memory_space<hbm>> -> memref<10240xf32, #tpu.memory_space<hbm>>
      %dma_wait3A_397 = tpu.memref_slice %arg2[%add3A_45] : memref<1638400xf32, #tpu.memory_space<hbm>> -> memref<10240xf32, #tpu.memory_space<hbm>>
      tpu.wait_dma2 semaphore(%run_scoped3A : memref<!tpu.dma_semaphore, #tpu.memory_space<semaphore_mem>>) src(%dma_wait3A_397 : memref<10240xf32, #tpu.memory_space<hbm>>) dst(%arg8 : memref<10240xf32, #tpu.memory_space<vmem>>)
      tpu.yield
    }) : () -> ()
    %add3A_46 = arith.constant 81920 : i32
    %add3A_47 = arith.addi %add3A_37, %add3A_46 : i32
    "tpu.region"() ({
      %run_scoped3A = tpu.sem_alloc : memref<!tpu.dma_semaphore, #tpu.memory_space<semaphore_mem>>
      %dma_start3A = tpu.memref_slice %arg2[%add3A_47] : memref<1638400xf32, #tpu.memory_space<hbm>> -> memref<10240xf32, #tpu.memory_space<hbm>>
      %dma_start3A_396 = tpu.memref_slice %arg2[%add3A_47] : memref<1638400xf32, #tpu.memory_space<hbm>> -> memref<10240xf32, #tpu.memory_space<hbm>>
      tpu.enqueue_dma source(%dma_start3A_396 : memref<10240xf32, #tpu.memory_space<hbm>>) target(%arg9 : memref<10240xf32, #tpu.memory_space<vmem>>) target_semaphore(%run_scoped3A : memref<!tpu.dma_semaphore, #tpu.memory_space<semaphore_mem>>)
      %dma_wait3A = tpu.memref_slice %arg2[%add3A_47] : memref<1638400xf32, #tpu.memory_space<hbm>> -> memref<10240xf32, #tpu.memory_space<hbm>>
      %dma_wait3A_397 = tpu.memref_slice %arg2[%add3A_47] : memref<1638400xf32, #tpu.memory_space<hbm>> -> memref<10240xf32, #tpu.memory_space<hbm>>
      tpu.wait_dma2 semaphore(%run_scoped3A : memref<!tpu.dma_semaphore, #tpu.memory_space<semaphore_mem>>) src(%dma_wait3A_397 : memref<10240xf32, #tpu.memory_space<hbm>>) dst(%arg9 : memref<10240xf32, #tpu.memory_space<vmem>>)
      tpu.yield
    }) : () -> ()
    %mul3A_48 = arith.constant 16 : i32
    %mul3A_49 = arith.muli %select_n3A, %mul3A_48 : i32
    "tpu.region"() ({
      %run_scoped3A = tpu.sem_alloc : memref<!tpu.dma_semaphore, #tpu.memory_space<semaphore_mem>>
      %dma_start3A = tpu.memref_slice %arg3[%mul3A_49] : memref<256xf32, #tpu.memory_space<hbm>> -> memref<16xf32, #tpu.memory_space<hbm>>
      %dma_start3A_396 = tpu.memref_slice %arg3[%mul3A_49] : memref<256xf32, #tpu.memory_space<hbm>> -> memref<16xf32, #tpu.memory_space<hbm>>
      tpu.enqueue_dma source(%dma_start3A_396 : memref<16xf32, #tpu.memory_space<hbm>>) target(%arg10 : memref<16xf32, #tpu.memory_space<vmem>>) target_semaphore(%run_scoped3A : memref<!tpu.dma_semaphore, #tpu.memory_space<semaphore_mem>>)
      %dma_wait3A = tpu.memref_slice %arg3[%mul3A_49] : memref<256xf32, #tpu.memory_space<hbm>> -> memref<16xf32, #tpu.memory_space<hbm>>
      %dma_wait3A_397 = tpu.memref_slice %arg3[%mul3A_49] : memref<256xf32, #tpu.memory_space<hbm>> -> memref<16xf32, #tpu.memory_space<hbm>>
      tpu.wait_dma2 semaphore(%run_scoped3A : memref<!tpu.dma_semaphore, #tpu.memory_space<semaphore_mem>>) src(%dma_wait3A_397 : memref<16xf32, #tpu.memory_space<hbm>>) dst(%arg10 : memref<16xf32, #tpu.memory_space<vmem>>)
      tpu.yield
    }) : () -> ()
    %get3A = arith.constant 0 : index
    %get3A_50 = tpu.vector_load %arg10[%get3A] {strides = array<i32>} : memref<16xf32, #tpu.memory_space<vmem>>, vector<16xf32>,
    %broadcast_in_dim3A = arith.constant 0xFF800000 : f32
    %broadcast_in_dim3A_51 = vector.broadcast %broadcast_in_dim3A : f32 to vector<16xf32>
    %broadcast_in_dim3A_52 = arith.constant 0.000000e+00 : f32
    %broadcast_in_dim3A_53 = vector.broadcast %broadcast_in_dim3A_52 : f32 to vector<16xf32>
    %swap3A = arith.constant 0 : index
    %swap3A_54 = tpu.vector_load %arg11[%swap3A] {strides = array<i32>} : memref<512xf32, #tpu.memory_space<vmem>>, vector<16xf32>,
    tpu.vector_store %arg11[%swap3A], %broadcast_in_dim3A_51 {strides = array<i32>} : memref<512xf32, #tpu.memory_space<vmem>>, vector<16xf32>,
    %swap3A_55 = arith.constant 0 : index
    %swap3A_56 = tpu.vector_load %arg12[%swap3A_55] {strides = array<i32>} : memref<512xf32, #tpu.memory_space<vmem>>, vector<16xf32>,
    tpu.vector_store %arg12[%swap3A_55], %broadcast_in_dim3A_53 {strides = array<i32>} : memref<512xf32, #tpu.memory_space<vmem>>, vector<16xf32>,
    %swap3A_57 = arith.constant 0 : index
    %swap3A_58 = tpu.vector_load %arg13[%swap3A_57] {strides = array<i32>} : memref<512xf32, #tpu.memory_space<vmem>>, vector<16xf32>,
    tpu.vector_store %arg13[%swap3A_57], %broadcast_in_dim3A_53 {strides = array<i32>} : memref<512xf32, #tpu.memory_space<vmem>>, vector<16xf32>,
    %swap3A_59 = arith.constant 0 : index
    %swap3A_60 = tpu.vector_load %arg14[%swap3A_59] {strides = array<i32>} : memref<512xf32, #tpu.memory_space<vmem>>, vector<16xf32>,
    tpu.vector_store %arg14[%swap3A_59], %broadcast_in_dim3A_53 {strides = array<i32>} : memref<512xf32, #tpu.memory_space<vmem>>, vector<16xf32>,
    %swap3A_61 = arith.constant 0 : index
    %swap3A_62 = tpu.vector_load %arg15[%swap3A_61] {strides = array<i32>} : memref<512xf32, #tpu.memory_space<vmem>>, vector<16xf32>,
    tpu.vector_store %arg15[%swap3A_61], %broadcast_in_dim3A_53 {strides = array<i32>} : memref<512xf32, #tpu.memory_space<vmem>>, vector<16xf32>,
    %swap3A_63 = arith.constant 16 : index
    %swap3A_64 = tpu.vector_load %arg11[%swap3A_63] {strides = array<i32>} : memref<512xf32, #tpu.memory_space<vmem>>, vector<16xf32>,
    tpu.vector_store %arg11[%swap3A_63], %broadcast_in_dim3A_51 {strides = array<i32>} : memref<512xf32, #tpu.memory_space<vmem>>, vector<16xf32>,
    %swap3A_65 = arith.constant 16 : index
    %swap3A_66 = tpu.vector_load %arg12[%swap3A_65] {strides = array<i32>} : memref<512xf32, #tpu.memory_space<vmem>>, vector<16xf32>,
    tpu.vector_store %arg12[%swap3A_65], %broadcast_in_dim3A_53 {strides = array<i32>} : memref<512xf32, #tpu.memory_space<vmem>>, vector<16xf32>,
    %swap3A_67 = arith.constant 16 : index
    %swap3A_68 = tpu.vector_load %arg13[%swap3A_67] {strides = array<i32>} : memref<512xf32, #tpu.memory_space<vmem>>, vector<16xf32>,
    tpu.vector_store %arg13[%swap3A_67], %broadcast_in_dim3A_53 {strides = array<i32>} : memref<512xf32, #tpu.memory_space<vmem>>, vector<16xf32>,
    %swap3A_69 = arith.constant 16 : index
    %swap3A_70 = tpu.vector_load %arg14[%swap3A_69] {strides = array<i32>} : memref<512xf32, #tpu.memory_space<vmem>>, vector<16xf32>,
    tpu.vector_store %arg14[%swap3A_69], %broadcast_in_dim3A_53 {strides = array<i32>} : memref<512xf32, #tpu.memory_space<vmem>>, vector<16xf32>,
    %swap3A_71 = arith.constant 16 : index
    %swap3A_72 = tpu.vector_load %arg15[%swap3A_71] {strides = array<i32>} : memref<512xf32, #tpu.memory_space<vmem>>, vector<16xf32>,
    tpu.vector_store %arg15[%swap3A_71], %broadcast_in_dim3A_53 {strides = array<i32>} : memref<512xf32, #tpu.memory_space<vmem>>, vector<16xf32>,
    %swap3A_73 = arith.constant 32 : index
    %swap3A_74 = tpu.vector_load %arg11[%swap3A_73] {strides = array<i32>} : memref<512xf32, #tpu.memory_space<vmem>>, vector<16xf32>,
    tpu.vector_store %arg11[%swap3A_73], %broadcast_in_dim3A_51 {strides = array<i32>} : memref<512xf32, #tpu.memory_space<vmem>>, vector<16xf32>,
    %swap3A_75 = arith.constant 32 : index
    %swap3A_76 = tpu.vector_load %arg12[%swap3A_75] {strides = array<i32>} : memref<512xf32, #tpu.memory_space<vmem>>, vector<16xf32>,
    tpu.vector_store %arg12[%swap3A_75], %broadcast_in_dim3A_53 {strides = array<i32>} : memref<512xf32, #tpu.memory_space<vmem>>, vector<16xf32>,
    %swap3A_77 = arith.constant 32 : index
    %swap3A_78 = tpu.vector_load %arg13[%swap3A_77] {strides = array<i32>} : memref<512xf32, #tpu.memory_space<vmem>>, vector<16xf32>,
    tpu.vector_store %arg13[%swap3A_77], %broadcast_in_dim3A_53 {strides = array<i32>} : memref<512xf32, #tpu.memory_space<vmem>>, vector<16xf32>,
    %swap3A_79 = arith.constant 32 : index
    %swap3A_80 = tpu.vector_load %arg14[%swap3A_79] {strides = array<i32>} : memref<512xf32, #tpu.memory_space<vmem>>, vector<16xf32>,
    tpu.vector_store %arg14[%swap3A_79], %broadcast_in_dim3A_53 {strides = array<i32>} : memref<512xf32, #tpu.memory_space<vmem>>, vector<16xf32>,
    %swap3A_81 = arith.constant 32 : index
    %swap3A_82 = tpu.vector_load %arg15[%swap3A_81] {strides = array<i32>} : memref<512xf32, #tpu.memory_space<vmem>>, vector<16xf32>,
    tpu.vector_store %arg15[%swap3A_81], %broadcast_in_dim3A_53 {strides = array<i32>} : memref<512xf32, #tpu.memory_space<vmem>>, vector<16xf32>,
    %swap3A_83 = arith.constant 48 : index
    %swap3A_84 = tpu.vector_load %arg11[%swap3A_83] {strides = array<i32>} : memref<512xf32, #tpu.memory_space<vmem>>, vector<16xf32>,
    tpu.vector_store %arg11[%swap3A_83], %broadcast_in_dim3A_51 {strides = array<i32>} : memref<512xf32, #tpu.memory_space<vmem>>, vector<16xf32>,
    %swap3A_85 = arith.constant 48 : index
    %swap3A_86 = tpu.vector_load %arg12[%swap3A_85] {strides = array<i32>} : memref<512xf32, #tpu.memory_space<vmem>>, vector<16xf32>,
    tpu.vector_store %arg12[%swap3A_85], %broadcast_in_dim3A_53 {strides = array<i32>} : memref<512xf32, #tpu.memory_space<vmem>>, vector<16xf32>,
    %swap3A_87 = arith.constant 48 : index
    %swap3A_88 = tpu.vector_load %arg13[%swap3A_87] {strides = array<i32>} : memref<512xf32, #tpu.memory_space<vmem>>, vector<16xf32>,
    tpu.vector_store %arg13[%swap3A_87], %broadcast_in_dim3A_53 {strides = array<i32>} : memref<512xf32, #tpu.memory_space<vmem>>, vector<16xf32>,
    %swap3A_89 = arith.constant 48 : index
    %swap3A_90 = tpu.vector_load %arg14[%swap3A_89] {strides = array<i32>} : memref<512xf32, #tpu.memory_space<vmem>>, vector<16xf32>,
    tpu.vector_store %arg14[%swap3A_89], %broadcast_in_dim3A_53 {strides = array<i32>} : memref<512xf32, #tpu.memory_space<vmem>>, vector<16xf32>,
    %swap3A_91 = arith.constant 48 : index
    %swap3A_92 = tpu.vector_load %arg15[%swap3A_91] {strides = array<i32>} : memref<512xf32, #tpu.memory_space<vmem>>, vector<16xf32>,
    tpu.vector_store %arg15[%swap3A_91], %broadcast_in_dim3A_53 {strides = array<i32>} : memref<512xf32, #tpu.memory_space<vmem>>, vector<16xf32>,
    %swap3A_93 = arith.constant 64 : index
    %swap3A_94 = tpu.vector_load %arg11[%swap3A_93] {strides = array<i32>} : memref<512xf32, #tpu.memory_space<vmem>>, vector<16xf32>,
    tpu.vector_store %arg11[%swap3A_93], %broadcast_in_dim3A_51 {strides = array<i32>} : memref<512xf32, #tpu.memory_space<vmem>>, vector<16xf32>,
    %swap3A_95 = arith.constant 64 : index
    %swap3A_96 = tpu.vector_load %arg12[%swap3A_95] {strides = array<i32>} : memref<512xf32, #tpu.memory_space<vmem>>, vector<16xf32>,
    tpu.vector_store %arg12[%swap3A_95], %broadcast_in_dim3A_53 {strides = array<i32>} : memref<512xf32, #tpu.memory_space<vmem>>, vector<16xf32>,
    %swap3A_97 = arith.constant 64 : index
    %swap3A_98 = tpu.vector_load %arg13[%swap3A_97] {strides = array<i32>} : memref<512xf32, #tpu.memory_space<vmem>>, vector<16xf32>,
    tpu.vector_store %arg13[%swap3A_97], %broadcast_in_dim3A_53 {strides = array<i32>} : memref<512xf32, #tpu.memory_space<vmem>>, vector<16xf32>,
    %swap3A_99 = arith.constant 64 : index
    %swap3A_100 = tpu.vector_load %arg14[%swap3A_99] {strides = array<i32>} : memref<512xf32, #tpu.memory_space<vmem>>, vector<16xf32>,
    tpu.vector_store %arg14[%swap3A_99], %broadcast_in_dim3A_53 {strides = array<i32>} : memref<512xf32, #tpu.memory_space<vmem>>, vector<16xf32>,
    %swap3A_101 = arith.constant 64 : index
    %swap3A_102 = tpu.vector_load %arg15[%swap3A_101] {strides = array<i32>} : memref<512xf32, #tpu.memory_space<vmem>>, vector<16xf32>,
    tpu.vector_store %arg15[%swap3A_101], %broadcast_in_dim3A_53 {strides = array<i32>} : memref<512xf32, #tpu.memory_space<vmem>>, vector<16xf32>,
    %swap3A_103 = arith.constant 80 : index
    %swap3A_104 = tpu.vector_load %arg11[%swap3A_103] {strides = array<i32>} : memref<512xf32, #tpu.memory_space<vmem>>, vector<16xf32>,
    tpu.vector_store %arg11[%swap3A_103], %broadcast_in_dim3A_51 {strides = array<i32>} : memref<512xf32, #tpu.memory_space<vmem>>, vector<16xf32>,
    %swap3A_105 = arith.constant 80 : index
    %swap3A_106 = tpu.vector_load %arg12[%swap3A_105] {strides = array<i32>} : memref<512xf32, #tpu.memory_space<vmem>>, vector<16xf32>,
    tpu.vector_store %arg12[%swap3A_105], %broadcast_in_dim3A_53 {strides = array<i32>} : memref<512xf32, #tpu.memory_space<vmem>>, vector<16xf32>,
    %swap3A_107 = arith.constant 80 : index
    %swap3A_108 = tpu.vector_load %arg13[%swap3A_107] {strides = array<i32>} : memref<512xf32, #tpu.memory_space<vmem>>, vector<16xf32>,
    tpu.vector_store %arg13[%swap3A_107], %broadcast_in_dim3A_53 {strides = array<i32>} : memref<512xf32, #tpu.memory_space<vmem>>, vector<16xf32>,
    %swap3A_109 = arith.constant 80 : index
    %swap3A_110 = tpu.vector_load %arg14[%swap3A_109] {strides = array<i32>} : memref<512xf32, #tpu.memory_space<vmem>>, vector<16xf32>,
    tpu.vector_store %arg14[%swap3A_109], %broadcast_in_dim3A_53 {strides = array<i32>} : memref<512xf32, #tpu.memory_space<vmem>>, vector<16xf32>,
    %swap3A_111 = arith.constant 80 : index
    %swap3A_112 = tpu.vector_load %arg15[%swap3A_111] {strides = array<i32>} : memref<512xf32, #tpu.memory_space<vmem>>, vector<16xf32>,
    tpu.vector_store %arg15[%swap3A_111], %broadcast_in_dim3A_53 {strides = array<i32>} : memref<512xf32, #tpu.memory_space<vmem>>, vector<16xf32>,
    %swap3A_113 = arith.constant 96 : index
    %swap3A_114 = tpu.vector_load %arg11[%swap3A_113] {strides = array<i32>} : memref<512xf32, #tpu.memory_space<vmem>>, vector<16xf32>,
    tpu.vector_store %arg11[%swap3A_113], %broadcast_in_dim3A_51 {strides = array<i32>} : memref<512xf32, #tpu.memory_space<vmem>>, vector<16xf32>,
    %swap3A_115 = arith.constant 96 : index
    %swap3A_116 = tpu.vector_load %arg12[%swap3A_115] {strides = array<i32>} : memref<512xf32, #tpu.memory_space<vmem>>, vector<16xf32>,
    tpu.vector_store %arg12[%swap3A_115], %broadcast_in_dim3A_53 {strides = array<i32>} : memref<512xf32, #tpu.memory_space<vmem>>, vector<16xf32>,
    %swap3A_117 = arith.constant 96 : index
    %swap3A_118 = tpu.vector_load %arg13[%swap3A_117] {strides = array<i32>} : memref<512xf32, #tpu.memory_space<vmem>>, vector<16xf32>,
    tpu.vector_store %arg13[%swap3A_117], %broadcast_in_dim3A_53 {strides = array<i32>} : memref<512xf32, #tpu.memory_space<vmem>>, vector<16xf32>,
    %swap3A_119 = arith.constant 96 : index
    %swap3A_120 = tpu.vector_load %arg14[%swap3A_119] {strides = array<i32>} : memref<512xf32, #tpu.memory_space<vmem>>, vector<16xf32>,
    tpu.vector_store %arg14[%swap3A_119], %broadcast_in_dim3A_53 {strides = array<i32>} : memref<512xf32, #tpu.memory_space<vmem>>, vector<16xf32>,
    %swap3A_121 = arith.constant 96 : index
    %swap3A_122 = tpu.vector_load %arg15[%swap3A_121] {strides = array<i32>} : memref<512xf32, #tpu.memory_space<vmem>>, vector<16xf32>,
    tpu.vector_store %arg15[%swap3A_121], %broadcast_in_dim3A_53 {strides = array<i32>} : memref<512xf32, #tpu.memory_space<vmem>>, vector<16xf32>,
    %swap3A_123 = arith.constant 112 : index
    %swap3A_124 = tpu.vector_load %arg11[%swap3A_123] {strides = array<i32>} : memref<512xf32, #tpu.memory_space<vmem>>, vector<16xf32>,
    tpu.vector_store %arg11[%swap3A_123], %broadcast_in_dim3A_51 {strides = array<i32>} : memref<512xf32, #tpu.memory_space<vmem>>, vector<16xf32>,
    %swap3A_125 = arith.constant 112 : index
    %swap3A_126 = tpu.vector_load %arg12[%swap3A_125] {strides = array<i32>} : memref<512xf32, #tpu.memory_space<vmem>>, vector<16xf32>,
    tpu.vector_store %arg12[%swap3A_125], %broadcast_in_dim3A_53 {strides = array<i32>} : memref<512xf32, #tpu.memory_space<vmem>>, vector<16xf32>,
    %swap3A_127 = arith.constant 112 : index
    %swap3A_128 = tpu.vector_load %arg13[%swap3A_127] {strides = array<i32>} : memref<512xf32, #tpu.memory_space<vmem>>, vector<16xf32>,
    tpu.vector_store %arg13[%swap3A_127], %broadcast_in_dim3A_53 {strides = array<i32>} : memref<512xf32, #tpu.memory_space<vmem>>, vector<16xf32>,
    %swap3A_129 = arith.constant 112 : index
    %swap3A_130 = tpu.vector_load %arg14[%swap3A_129] {strides = array<i32>} : memref<512xf32, #tpu.memory_space<vmem>>, vector<16xf32>,
    tpu.vector_store %arg14[%swap3A_129], %broadcast_in_dim3A_53 {strides = array<i32>} : memref<512xf32, #tpu.memory_space<vmem>>, vector<16xf32>,
    %swap3A_131 = arith.constant 112 : index
    %swap3A_132 = tpu.vector_load %arg15[%swap3A_131] {strides = array<i32>} : memref<512xf32, #tpu.memory_space<vmem>>, vector<16xf32>,
    tpu.vector_store %arg15[%swap3A_131], %broadcast_in_dim3A_53 {strides = array<i32>} : memref<512xf32, #tpu.memory_space<vmem>>, vector<16xf32>,
    %swap3A_133 = arith.constant 128 : index
    %swap3A_134 = tpu.vector_load %arg11[%swap3A_133] {strides = array<i32>} : memref<512xf32, #tpu.memory_space<vmem>>, vector<16xf32>,
    tpu.vector_store %arg11[%swap3A_133], %broadcast_in_dim3A_51 {strides = array<i32>} : memref<512xf32, #tpu.memory_space<vmem>>, vector<16xf32>,
    %swap3A_135 = arith.constant 128 : index
    %swap3A_136 = tpu.vector_load %arg12[%swap3A_135] {strides = array<i32>} : memref<512xf32, #tpu.memory_space<vmem>>, vector<16xf32>,
    tpu.vector_store %arg12[%swap3A_135], %broadcast_in_dim3A_53 {strides = array<i32>} : memref<512xf32, #tpu.memory_space<vmem>>, vector<16xf32>,
    %swap3A_137 = arith.constant 128 : index
    %swap3A_138 = tpu.vector_load %arg13[%swap3A_137] {strides = array<i32>} : memref<512xf32, #tpu.memory_space<vmem>>, vector<16xf32>,
    tpu.vector_store %arg13[%swap3A_137], %broadcast_in_dim3A_53 {strides = array<i32>} : memref<512xf32, #tpu.memory_space<vmem>>, vector<16xf32>,
    %swap3A_139 = arith.constant 128 : index
    %swap3A_140 = tpu.vector_load %arg14[%swap3A_139] {strides = array<i32>} : memref<512xf32, #tpu.memory_space<vmem>>, vector<16xf32>,
    tpu.vector_store %arg14[%swap3A_139], %broadcast_in_dim3A_53 {strides = array<i32>} : memref<512xf32, #tpu.memory_space<vmem>>, vector<16xf32>,
    %swap3A_141 = arith.constant 128 : index
    %swap3A_142 = tpu.vector_load %arg15[%swap3A_141] {strides = array<i32>} : memref<512xf32, #tpu.memory_space<vmem>>, vector<16xf32>,
    tpu.vector_store %arg15[%swap3A_141], %broadcast_in_dim3A_53 {strides = array<i32>} : memref<512xf32, #tpu.memory_space<vmem>>, vector<16xf32>,
    %swap3A_143 = arith.constant 144 : index
    %swap3A_144 = tpu.vector_load %arg11[%swap3A_143] {strides = array<i32>} : memref<512xf32, #tpu.memory_space<vmem>>, vector<16xf32>,
    tpu.vector_store %arg11[%swap3A_143], %broadcast_in_dim3A_51 {strides = array<i32>} : memref<512xf32, #tpu.memory_space<vmem>>, vector<16xf32>,
    %swap3A_145 = arith.constant 144 : index
    %swap3A_146 = tpu.vector_load %arg12[%swap3A_145] {strides = array<i32>} : memref<512xf32, #tpu.memory_space<vmem>>, vector<16xf32>,
    tpu.vector_store %arg12[%swap3A_145], %broadcast_in_dim3A_53 {strides = array<i32>} : memref<512xf32, #tpu.memory_space<vmem>>, vector<16xf32>,
    %swap3A_147 = arith.constant 144 : index
    %swap3A_148 = tpu.vector_load %arg13[%swap3A_147] {strides = array<i32>} : memref<512xf32, #tpu.memory_space<vmem>>, vector<16xf32>,
    tpu.vector_store %arg13[%swap3A_147], %broadcast_in_dim3A_53 {strides = array<i32>} : memref<512xf32, #tpu.memory_space<vmem>>, vector<16xf32>,
    %swap3A_149 = arith.constant 144 : index
    %swap3A_150 = tpu.vector_load %arg14[%swap3A_149] {strides = array<i32>} : memref<512xf32, #tpu.memory_space<vmem>>, vector<16xf32>,
    tpu.vector_store %arg14[%swap3A_149], %broadcast_in_dim3A_53 {strides = array<i32>} : memref<512xf32, #tpu.memory_space<vmem>>, vector<16xf32>,
    %swap3A_151 = arith.constant 144 : index
    %swap3A_152 = tpu.vector_load %arg15[%swap3A_151] {strides = array<i32>} : memref<512xf32, #tpu.memory_space<vmem>>, vector<16xf32>,
    tpu.vector_store %arg15[%swap3A_151], %broadcast_in_dim3A_53 {strides = array<i32>} : memref<512xf32, #tpu.memory_space<vmem>>, vector<16xf32>,
    %swap3A_153 = arith.constant 160 : index
    %swap3A_154 = tpu.vector_load %arg11[%swap3A_153] {strides = array<i32>} : memref<512xf32, #tpu.memory_space<vmem>>, vector<16xf32>,
    tpu.vector_store %arg11[%swap3A_153], %broadcast_in_dim3A_51 {strides = array<i32>} : memref<512xf32, #tpu.memory_space<vmem>>, vector<16xf32>,
    %swap3A_155 = arith.constant 160 : index
    %swap3A_156 = tpu.vector_load %arg12[%swap3A_155] {strides = array<i32>} : memref<512xf32, #tpu.memory_space<vmem>>, vector<16xf32>,
    tpu.vector_store %arg12[%swap3A_155], %broadcast_in_dim3A_53 {strides = array<i32>} : memref<512xf32, #tpu.memory_space<vmem>>, vector<16xf32>,
    %swap3A_157 = arith.constant 160 : index
    %swap3A_158 = tpu.vector_load %arg13[%swap3A_157] {strides = array<i32>} : memref<512xf32, #tpu.memory_space<vmem>>, vector<16xf32>,
    tpu.vector_store %arg13[%swap3A_157], %broadcast_in_dim3A_53 {strides = array<i32>} : memref<512xf32, #tpu.memory_space<vmem>>, vector<16xf32>,
    %swap3A_159 = arith.constant 160 : index
    %swap3A_160 = tpu.vector_load %arg14[%swap3A_159] {strides = array<i32>} : memref<512xf32, #tpu.memory_space<vmem>>, vector<16xf32>,
    tpu.vector_store %arg14[%swap3A_159], %broadcast_in_dim3A_53 {strides = array<i32>} : memref<512xf32, #tpu.memory_space<vmem>>, vector<16xf32>,
    %swap3A_161 = arith.constant 160 : index
    %swap3A_162 = tpu.vector_load %arg15[%swap3A_161] {strides = array<i32>} : memref<512xf32, #tpu.memory_space<vmem>>, vector<16xf32>,
    tpu.vector_store %arg15[%swap3A_161], %broadcast_in_dim3A_53 {strides = array<i32>} : memref<512xf32, #tpu.memory_space<vmem>>, vector<16xf32>,
    %swap3A_163 = arith.constant 176 : index
    %swap3A_164 = tpu.vector_load %arg11[%swap3A_163] {strides = array<i32>} : memref<512xf32, #tpu.memory_space<vmem>>, vector<16xf32>,
    tpu.vector_store %arg11[%swap3A_163], %broadcast_in_dim3A_51 {strides = array<i32>} : memref<512xf32, #tpu.memory_space<vmem>>, vector<16xf32>,
    %swap3A_165 = arith.constant 176 : index
    %swap3A_166 = tpu.vector_load %arg12[%swap3A_165] {strides = array<i32>} : memref<512xf32, #tpu.memory_space<vmem>>, vector<16xf32>,
    tpu.vector_store %arg12[%swap3A_165], %broadcast_in_dim3A_53 {strides = array<i32>} : memref<512xf32, #tpu.memory_space<vmem>>, vector<16xf32>,
    %swap3A_167 = arith.constant 176 : index
    %swap3A_168 = tpu.vector_load %arg13[%swap3A_167] {strides = array<i32>} : memref<512xf32, #tpu.memory_space<vmem>>, vector<16xf32>,
    tpu.vector_store %arg13[%swap3A_167], %broadcast_in_dim3A_53 {strides = array<i32>} : memref<512xf32, #tpu.memory_space<vmem>>, vector<16xf32>,
    %swap3A_169 = arith.constant 176 : index
    %swap3A_170 = tpu.vector_load %arg14[%swap3A_169] {strides = array<i32>} : memref<512xf32, #tpu.memory_space<vmem>>, vector<16xf32>,
    tpu.vector_store %arg14[%swap3A_169], %broadcast_in_dim3A_53 {strides = array<i32>} : memref<512xf32, #tpu.memory_space<vmem>>, vector<16xf32>,
    %swap3A_171 = arith.constant 176 : index
    %swap3A_172 = tpu.vector_load %arg15[%swap3A_171] {strides = array<i32>} : memref<512xf32, #tpu.memory_space<vmem>>, vector<16xf32>,
    tpu.vector_store %arg15[%swap3A_171], %broadcast_in_dim3A_53 {strides = array<i32>} : memref<512xf32, #tpu.memory_space<vmem>>, vector<16xf32>,
    %swap3A_173 = arith.constant 192 : index
    %swap3A_174 = tpu.vector_load %arg11[%swap3A_173] {strides = array<i32>} : memref<512xf32, #tpu.memory_space<vmem>>, vector<16xf32>,
    tpu.vector_store %arg11[%swap3A_173], %broadcast_in_dim3A_51 {strides = array<i32>} : memref<512xf32, #tpu.memory_space<vmem>>, vector<16xf32>,
    %swap3A_175 = arith.constant 192 : index
    %swap3A_176 = tpu.vector_load %arg12[%swap3A_175] {strides = array<i32>} : memref<512xf32, #tpu.memory_space<vmem>>, vector<16xf32>,
    tpu.vector_store %arg12[%swap3A_175], %broadcast_in_dim3A_53 {strides = array<i32>} : memref<512xf32, #tpu.memory_space<vmem>>, vector<16xf32>,
    %swap3A_177 = arith.constant 192 : index
    %swap3A_178 = tpu.vector_load %arg13[%swap3A_177] {strides = array<i32>} : memref<512xf32, #tpu.memory_space<vmem>>, vector<16xf32>,
    tpu.vector_store %arg13[%swap3A_177], %broadcast_in_dim3A_53 {strides = array<i32>} : memref<512xf32, #tpu.memory_space<vmem>>, vector<16xf32>,
    %swap3A_179 = arith.constant 192 : index
    %swap3A_180 = tpu.vector_load %arg14[%swap3A_179] {strides = array<i32>} : memref<512xf32, #tpu.memory_space<vmem>>, vector<16xf32>,
    tpu.vector_store %arg14[%swap3A_179], %broadcast_in_dim3A_53 {strides = array<i32>} : memref<512xf32, #tpu.memory_space<vmem>>, vector<16xf32>,
    %swap3A_181 = arith.constant 192 : index
    %swap3A_182 = tpu.vector_load %arg15[%swap3A_181] {strides = array<i32>} : memref<512xf32, #tpu.memory_space<vmem>>, vector<16xf32>,
    tpu.vector_store %arg15[%swap3A_181], %broadcast_in_dim3A_53 {strides = array<i32>} : memref<512xf32, #tpu.memory_space<vmem>>, vector<16xf32>,
    %swap3A_183 = arith.constant 208 : index
    %swap3A_184 = tpu.vector_load %arg11[%swap3A_183] {strides = array<i32>} : memref<512xf32, #tpu.memory_space<vmem>>, vector<16xf32>,
    tpu.vector_store %arg11[%swap3A_183], %broadcast_in_dim3A_51 {strides = array<i32>} : memref<512xf32, #tpu.memory_space<vmem>>, vector<16xf32>,
    %swap3A_185 = arith.constant 208 : index
    %swap3A_186 = tpu.vector_load %arg12[%swap3A_185] {strides = array<i32>} : memref<512xf32, #tpu.memory_space<vmem>>, vector<16xf32>,
    tpu.vector_store %arg12[%swap3A_185], %broadcast_in_dim3A_53 {strides = array<i32>} : memref<512xf32, #tpu.memory_space<vmem>>, vector<16xf32>,
    %swap3A_187 = arith.constant 208 : index
    %swap3A_188 = tpu.vector_load %arg13[%swap3A_187] {strides = array<i32>} : memref<512xf32, #tpu.memory_space<vmem>>, vector<16xf32>,
    tpu.vector_store %arg13[%swap3A_187], %broadcast_in_dim3A_53 {strides = array<i32>} : memref<512xf32, #tpu.memory_space<vmem>>, vector<16xf32>,
    %swap3A_189 = arith.constant 208 : index
    %swap3A_190 = tpu.vector_load %arg14[%swap3A_189] {strides = array<i32>} : memref<512xf32, #tpu.memory_space<vmem>>, vector<16xf32>,
    tpu.vector_store %arg14[%swap3A_189], %broadcast_in_dim3A_53 {strides = array<i32>} : memref<512xf32, #tpu.memory_space<vmem>>, vector<16xf32>,
    %swap3A_191 = arith.constant 208 : index
    %swap3A_192 = tpu.vector_load %arg15[%swap3A_191] {strides = array<i32>} : memref<512xf32, #tpu.memory_space<vmem>>, vector<16xf32>,
    tpu.vector_store %arg15[%swap3A_191], %broadcast_in_dim3A_53 {strides = array<i32>} : memref<512xf32, #tpu.memory_space<vmem>>, vector<16xf32>,
    %swap3A_193 = arith.constant 224 : index
    %swap3A_194 = tpu.vector_load %arg11[%swap3A_193] {strides = array<i32>} : memref<512xf32, #tpu.memory_space<vmem>>, vector<16xf32>,
    tpu.vector_store %arg11[%swap3A_193], %broadcast_in_dim3A_51 {strides = array<i32>} : memref<512xf32, #tpu.memory_space<vmem>>, vector<16xf32>,
    %swap3A_195 = arith.constant 224 : index
    %swap3A_196 = tpu.vector_load %arg12[%swap3A_195] {strides = array<i32>} : memref<512xf32, #tpu.memory_space<vmem>>, vector<16xf32>,
    tpu.vector_store %arg12[%swap3A_195], %broadcast_in_dim3A_53 {strides = array<i32>} : memref<512xf32, #tpu.memory_space<vmem>>, vector<16xf32>,
    %swap3A_197 = arith.constant 224 : index
    %swap3A_198 = tpu.vector_load %arg13[%swap3A_197] {strides = array<i32>} : memref<512xf32, #tpu.memory_space<vmem>>, vector<16xf32>,
    tpu.vector_store %arg13[%swap3A_197], %broadcast_in_dim3A_53 {strides = array<i32>} : memref<512xf32, #tpu.memory_space<vmem>>, vector<16xf32>,
    %swap3A_199 = arith.constant 224 : index
    %swap3A_200 = tpu.vector_load %arg14[%swap3A_199] {strides = array<i32>} : memref<512xf32, #tpu.memory_space<vmem>>, vector<16xf32>,
    tpu.vector_store %arg14[%swap3A_199], %broadcast_in_dim3A_53 {strides = array<i32>} : memref<512xf32, #tpu.memory_space<vmem>>, vector<16xf32>,
    %swap3A_201 = arith.constant 224 : index
    %swap3A_202 = tpu.vector_load %arg15[%swap3A_201] {strides = array<i32>} : memref<512xf32, #tpu.memory_space<vmem>>, vector<16xf32>,
    tpu.vector_store %arg15[%swap3A_201], %broadcast_in_dim3A_53 {strides = array<i32>} : memref<512xf32, #tpu.memory_space<vmem>>, vector<16xf32>,
    %swap3A_203 = arith.constant 240 : index
    %swap3A_204 = tpu.vector_load %arg11[%swap3A_203] {strides = array<i32>} : memref<512xf32, #tpu.memory_space<vmem>>, vector<16xf32>,
    tpu.vector_store %arg11[%swap3A_203], %broadcast_in_dim3A_51 {strides = array<i32>} : memref<512xf32, #tpu.memory_space<vmem>>, vector<16xf32>,
    %swap3A_205 = arith.constant 240 : index
    %swap3A_206 = tpu.vector_load %arg12[%swap3A_205] {strides = array<i32>} : memref<512xf32, #tpu.memory_space<vmem>>, vector<16xf32>,
    tpu.vector_store %arg12[%swap3A_205], %broadcast_in_dim3A_53 {strides = array<i32>} : memref<512xf32, #tpu.memory_space<vmem>>, vector<16xf32>,
    %swap3A_207 = arith.constant 240 : index
    %swap3A_208 = tpu.vector_load %arg13[%swap3A_207] {strides = array<i32>} : memref<512xf32, #tpu.memory_space<vmem>>, vector<16xf32>,
    tpu.vector_store %arg13[%swap3A_207], %broadcast_in_dim3A_53 {strides = array<i32>} : memref<512xf32, #tpu.memory_space<vmem>>, vector<16xf32>,
    %swap3A_209 = arith.constant 240 : index
    %swap3A_210 = tpu.vector_load %arg14[%swap3A_209] {strides = array<i32>} : memref<512xf32, #tpu.memory_space<vmem>>, vector<16xf32>,
    tpu.vector_store %arg14[%swap3A_209], %broadcast_in_dim3A_53 {strides = array<i32>} : memref<512xf32, #tpu.memory_space<vmem>>, vector<16xf32>,
    %swap3A_211 = arith.constant 240 : index
    %swap3A_212 = tpu.vector_load %arg15[%swap3A_211] {strides = array<i32>} : memref<512xf32, #tpu.memory_space<vmem>>, vector<16xf32>,
    tpu.vector_store %arg15[%swap3A_211], %broadcast_in_dim3A_53 {strides = array<i32>} : memref<512xf32, #tpu.memory_space<vmem>>, vector<16xf32>,
    %swap3A_213 = arith.constant 256 : index
    %swap3A_214 = tpu.vector_load %arg11[%swap3A_213] {strides = array<i32>} : memref<512xf32, #tpu.memory_space<vmem>>, vector<16xf32>,
    tpu.vector_store %arg11[%swap3A_213], %broadcast_in_dim3A_51 {strides = array<i32>} : memref<512xf32, #tpu.memory_space<vmem>>, vector<16xf32>,
    %swap3A_215 = arith.constant 256 : index
    %swap3A_216 = tpu.vector_load %arg12[%swap3A_215] {strides = array<i32>} : memref<512xf32, #tpu.memory_space<vmem>>, vector<16xf32>,
    tpu.vector_store %arg12[%swap3A_215], %broadcast_in_dim3A_53 {strides = array<i32>} : memref<512xf32, #tpu.memory_space<vmem>>, vector<16xf32>,
    %swap3A_217 = arith.constant 256 : index
    %swap3A_218 = tpu.vector_load %arg13[%swap3A_217] {strides = array<i32>} : memref<512xf32, #tpu.memory_space<vmem>>, vector<16xf32>,
    tpu.vector_store %arg13[%swap3A_217], %broadcast_in_dim3A_53 {strides = array<i32>} : memref<512xf32, #tpu.memory_space<vmem>>, vector<16xf32>,
    %swap3A_219 = arith.constant 256 : index
    %swap3A_220 = tpu.vector_load %arg14[%swap3A_219] {strides = array<i32>} : memref<512xf32, #tpu.memory_space<vmem>>, vector<16xf32>,
    tpu.vector_store %arg14[%swap3A_219], %broadcast_in_dim3A_53 {strides = array<i32>} : memref<512xf32, #tpu.memory_space<vmem>>, vector<16xf32>,
    %swap3A_221 = arith.constant 256 : index
    %swap3A_222 = tpu.vector_load %arg15[%swap3A_221] {strides = array<i32>} : memref<512xf32, #tpu.memory_space<vmem>>, vector<16xf32>,
    tpu.vector_store %arg15[%swap3A_221], %broadcast_in_dim3A_53 {strides = array<i32>} : memref<512xf32, #tpu.memory_space<vmem>>, vector<16xf32>,
    %swap3A_223 = arith.constant 272 : index
    %swap3A_224 = tpu.vector_load %arg11[%swap3A_223] {strides = array<i32>} : memref<512xf32, #tpu.memory_space<vmem>>, vector<16xf32>,
    tpu.vector_store %arg11[%swap3A_223], %broadcast_in_dim3A_51 {strides = array<i32>} : memref<512xf32, #tpu.memory_space<vmem>>, vector<16xf32>,
    %swap3A_225 = arith.constant 272 : index
    %swap3A_226 = tpu.vector_load %arg12[%swap3A_225] {strides = array<i32>} : memref<512xf32, #tpu.memory_space<vmem>>, vector<16xf32>,
    tpu.vector_store %arg12[%swap3A_225], %broadcast_in_dim3A_53 {strides = array<i32>} : memref<512xf32, #tpu.memory_space<vmem>>, vector<16xf32>,
    %swap3A_227 = arith.constant 272 : index
    %swap3A_228 = tpu.vector_load %arg13[%swap3A_227] {strides = array<i32>} : memref<512xf32, #tpu.memory_space<vmem>>, vector<16xf32>,
    tpu.vector_store %arg13[%swap3A_227], %broadcast_in_dim3A_53 {strides = array<i32>} : memref<512xf32, #tpu.memory_space<vmem>>, vector<16xf32>,
    %swap3A_229 = arith.constant 272 : index
    %swap3A_230 = tpu.vector_load %arg14[%swap3A_229] {strides = array<i32>} : memref<512xf32, #tpu.memory_space<vmem>>, vector<16xf32>,
    tpu.vector_store %arg14[%swap3A_229], %broadcast_in_dim3A_53 {strides = array<i32>} : memref<512xf32, #tpu.memory_space<vmem>>, vector<16xf32>,
    %swap3A_231 = arith.constant 272 : index
    %swap3A_232 = tpu.vector_load %arg15[%swap3A_231] {strides = array<i32>} : memref<512xf32, #tpu.memory_space<vmem>>, vector<16xf32>,
    tpu.vector_store %arg15[%swap3A_231], %broadcast_in_dim3A_53 {strides = array<i32>} : memref<512xf32, #tpu.memory_space<vmem>>, vector<16xf32>,
    %swap3A_233 = arith.constant 288 : index
    %swap3A_234 = tpu.vector_load %arg11[%swap3A_233] {strides = array<i32>} : memref<512xf32, #tpu.memory_space<vmem>>, vector<16xf32>,
    tpu.vector_store %arg11[%swap3A_233], %broadcast_in_dim3A_51 {strides = array<i32>} : memref<512xf32, #tpu.memory_space<vmem>>, vector<16xf32>,
    %swap3A_235 = arith.constant 288 : index
    %swap3A_236 = tpu.vector_load %arg12[%swap3A_235] {strides = array<i32>} : memref<512xf32, #tpu.memory_space<vmem>>, vector<16xf32>,
    tpu.vector_store %arg12[%swap3A_235], %broadcast_in_dim3A_53 {strides = array<i32>} : memref<512xf32, #tpu.memory_space<vmem>>, vector<16xf32>,
    %swap3A_237 = arith.constant 288 : index
    %swap3A_238 = tpu.vector_load %arg13[%swap3A_237] {strides = array<i32>} : memref<512xf32, #tpu.memory_space<vmem>>, vector<16xf32>,
    tpu.vector_store %arg13[%swap3A_237], %broadcast_in_dim3A_53 {strides = array<i32>} : memref<512xf32, #tpu.memory_space<vmem>>, vector<16xf32>,
    %swap3A_239 = arith.constant 288 : index
    %swap3A_240 = tpu.vector_load %arg14[%swap3A_239] {strides = array<i32>} : memref<512xf32, #tpu.memory_space<vmem>>, vector<16xf32>,
    tpu.vector_store %arg14[%swap3A_239], %broadcast_in_dim3A_53 {strides = array<i32>} : memref<512xf32, #tpu.memory_space<vmem>>, vector<16xf32>,
    %swap3A_241 = arith.constant 288 : index
    %swap3A_242 = tpu.vector_load %arg15[%swap3A_241] {strides = array<i32>} : memref<512xf32, #tpu.memory_space<vmem>>, vector<16xf32>,
    tpu.vector_store %arg15[%swap3A_241], %broadcast_in_dim3A_53 {strides = array<i32>} : memref<512xf32, #tpu.memory_space<vmem>>, vector<16xf32>,
    %swap3A_243 = arith.constant 304 : index
    %swap3A_244 = tpu.vector_load %arg11[%swap3A_243] {strides = array<i32>} : memref<512xf32, #tpu.memory_space<vmem>>, vector<16xf32>,
    tpu.vector_store %arg11[%swap3A_243], %broadcast_in_dim3A_51 {strides = array<i32>} : memref<512xf32, #tpu.memory_space<vmem>>, vector<16xf32>,
    %swap3A_245 = arith.constant 304 : index
    %swap3A_246 = tpu.vector_load %arg12[%swap3A_245] {strides = array<i32>} : memref<512xf32, #tpu.memory_space<vmem>>, vector<16xf32>,
    tpu.vector_store %arg12[%swap3A_245], %broadcast_in_dim3A_53 {strides = array<i32>} : memref<512xf32, #tpu.memory_space<vmem>>, vector<16xf32>,
    %swap3A_247 = arith.constant 304 : index
    %swap3A_248 = tpu.vector_load %arg13[%swap3A_247] {strides = array<i32>} : memref<512xf32, #tpu.memory_space<vmem>>, vector<16xf32>,
    tpu.vector_store %arg13[%swap3A_247], %broadcast_in_dim3A_53 {strides = array<i32>} : memref<512xf32, #tpu.memory_space<vmem>>, vector<16xf32>,
    %swap3A_249 = arith.constant 304 : index
    %swap3A_250 = tpu.vector_load %arg14[%swap3A_249] {strides = array<i32>} : memref<512xf32, #tpu.memory_space<vmem>>, vector<16xf32>,
    tpu.vector_store %arg14[%swap3A_249], %broadcast_in_dim3A_53 {strides = array<i32>} : memref<512xf32, #tpu.memory_space<vmem>>, vector<16xf32>,
    %swap3A_251 = arith.constant 304 : index
    %swap3A_252 = tpu.vector_load %arg15[%swap3A_251] {strides = array<i32>} : memref<512xf32, #tpu.memory_space<vmem>>, vector<16xf32>,
    tpu.vector_store %arg15[%swap3A_251], %broadcast_in_dim3A_53 {strides = array<i32>} : memref<512xf32, #tpu.memory_space<vmem>>, vector<16xf32>,
    %swap3A_253 = arith.constant 320 : index
    %swap3A_254 = tpu.vector_load %arg11[%swap3A_253] {strides = array<i32>} : memref<512xf32, #tpu.memory_space<vmem>>, vector<16xf32>,
    tpu.vector_store %arg11[%swap3A_253], %broadcast_in_dim3A_51 {strides = array<i32>} : memref<512xf32, #tpu.memory_space<vmem>>, vector<16xf32>,
    %swap3A_255 = arith.constant 320 : index
    %swap3A_256 = tpu.vector_load %arg12[%swap3A_255] {strides = array<i32>} : memref<512xf32, #tpu.memory_space<vmem>>, vector<16xf32>,
    tpu.vector_store %arg12[%swap3A_255], %broadcast_in_dim3A_53 {strides = array<i32>} : memref<512xf32, #tpu.memory_space<vmem>>, vector<16xf32>,
    %swap3A_257 = arith.constant 320 : index
    %swap3A_258 = tpu.vector_load %arg13[%swap3A_257] {strides = array<i32>} : memref<512xf32, #tpu.memory_space<vmem>>, vector<16xf32>,
    tpu.vector_store %arg13[%swap3A_257], %broadcast_in_dim3A_53 {strides = array<i32>} : memref<512xf32, #tpu.memory_space<vmem>>, vector<16xf32>,
    %swap3A_259 = arith.constant 320 : index
    %swap3A_260 = tpu.vector_load %arg14[%swap3A_259] {strides = array<i32>} : memref<512xf32, #tpu.memory_space<vmem>>, vector<16xf32>,
    tpu.vector_store %arg14[%swap3A_259], %broadcast_in_dim3A_53 {strides = array<i32>} : memref<512xf32, #tpu.memory_space<vmem>>, vector<16xf32>,
    %swap3A_261 = arith.constant 320 : index
    %swap3A_262 = tpu.vector_load %arg15[%swap3A_261] {strides = array<i32>} : memref<512xf32, #tpu.memory_space<vmem>>, vector<16xf32>,
    tpu.vector_store %arg15[%swap3A_261], %broadcast_in_dim3A_53 {strides = array<i32>} : memref<512xf32, #tpu.memory_space<vmem>>, vector<16xf32>,
    %swap3A_263 = arith.constant 336 : index
    %swap3A_264 = tpu.vector_load %arg11[%swap3A_263] {strides = array<i32>} : memref<512xf32, #tpu.memory_space<vmem>>, vector<16xf32>,
    tpu.vector_store %arg11[%swap3A_263], %broadcast_in_dim3A_51 {strides = array<i32>} : memref<512xf32, #tpu.memory_space<vmem>>, vector<16xf32>,
    %swap3A_265 = arith.constant 336 : index
    %swap3A_266 = tpu.vector_load %arg12[%swap3A_265] {strides = array<i32>} : memref<512xf32, #tpu.memory_space<vmem>>, vector<16xf32>,
    tpu.vector_store %arg12[%swap3A_265], %broadcast_in_dim3A_53 {strides = array<i32>} : memref<512xf32, #tpu.memory_space<vmem>>, vector<16xf32>,
    %swap3A_267 = arith.constant 336 : index
    %swap3A_268 = tpu.vector_load %arg13[%swap3A_267] {strides = array<i32>} : memref<512xf32, #tpu.memory_space<vmem>>, vector<16xf32>,
    tpu.vector_store %arg13[%swap3A_267], %broadcast_in_dim3A_53 {strides = array<i32>} : memref<512xf32, #tpu.memory_space<vmem>>, vector<16xf32>,
    %swap3A_269 = arith.constant 336 : index
    %swap3A_270 = tpu.vector_load %arg14[%swap3A_269] {strides = array<i32>} : memref<512xf32, #tpu.memory_space<vmem>>, vector<16xf32>,
    tpu.vector_store %arg14[%swap3A_269], %broadcast_in_dim3A_53 {strides = array<i32>} : memref<512xf32, #tpu.memory_space<vmem>>, vector<16xf32>,
    %swap3A_271 = arith.constant 336 : index
    %swap3A_272 = tpu.vector_load %arg15[%swap3A_271] {strides = array<i32>} : memref<512xf32, #tpu.memory_space<vmem>>, vector<16xf32>,
    tpu.vector_store %arg15[%swap3A_271], %broadcast_in_dim3A_53 {strides = array<i32>} : memref<512xf32, #tpu.memory_space<vmem>>, vector<16xf32>,
    %swap3A_273 = arith.constant 352 : index
    %swap3A_274 = tpu.vector_load %arg11[%swap3A_273] {strides = array<i32>} : memref<512xf32, #tpu.memory_space<vmem>>, vector<16xf32>,
    tpu.vector_store %arg11[%swap3A_273], %broadcast_in_dim3A_51 {strides = array<i32>} : memref<512xf32, #tpu.memory_space<vmem>>, vector<16xf32>,
    %swap3A_275 = arith.constant 352 : index
    %swap3A_276 = tpu.vector_load %arg12[%swap3A_275] {strides = array<i32>} : memref<512xf32, #tpu.memory_space<vmem>>, vector<16xf32>,
    tpu.vector_store %arg12[%swap3A_275], %broadcast_in_dim3A_53 {strides = array<i32>} : memref<512xf32, #tpu.memory_space<vmem>>, vector<16xf32>,
    %swap3A_277 = arith.constant 352 : index
    %swap3A_278 = tpu.vector_load %arg13[%swap3A_277] {strides = array<i32>} : memref<512xf32, #tpu.memory_space<vmem>>, vector<16xf32>,
    tpu.vector_store %arg13[%swap3A_277], %broadcast_in_dim3A_53 {strides = array<i32>} : memref<512xf32, #tpu.memory_space<vmem>>, vector<16xf32>,
    %swap3A_279 = arith.constant 352 : index
    %swap3A_280 = tpu.vector_load %arg14[%swap3A_279] {strides = array<i32>} : memref<512xf32, #tpu.memory_space<vmem>>, vector<16xf32>,
    tpu.vector_store %arg14[%swap3A_279], %broadcast_in_dim3A_53 {strides = array<i32>} : memref<512xf32, #tpu.memory_space<vmem>>, vector<16xf32>,
    %swap3A_281 = arith.constant 352 : index
    %swap3A_282 = tpu.vector_load %arg15[%swap3A_281] {strides = array<i32>} : memref<512xf32, #tpu.memory_space<vmem>>, vector<16xf32>,
    tpu.vector_store %arg15[%swap3A_281], %broadcast_in_dim3A_53 {strides = array<i32>} : memref<512xf32, #tpu.memory_space<vmem>>, vector<16xf32>,
    %swap3A_283 = arith.constant 368 : index
    %swap3A_284 = tpu.vector_load %arg11[%swap3A_283] {strides = array<i32>} : memref<512xf32, #tpu.memory_space<vmem>>, vector<16xf32>,
    tpu.vector_store %arg11[%swap3A_283], %broadcast_in_dim3A_51 {strides = array<i32>} : memref<512xf32, #tpu.memory_space<vmem>>, vector<16xf32>,
    %swap3A_285 = arith.constant 368 : index
    %swap3A_286 = tpu.vector_load %arg12[%swap3A_285] {strides = array<i32>} : memref<512xf32, #tpu.memory_space<vmem>>, vector<16xf32>,
    tpu.vector_store %arg12[%swap3A_285], %broadcast_in_dim3A_53 {strides = array<i32>} : memref<512xf32, #tpu.memory_space<vmem>>, vector<16xf32>,
    %swap3A_287 = arith.constant 368 : index
    %swap3A_288 = tpu.vector_load %arg13[%swap3A_287] {strides = array<i32>} : memref<512xf32, #tpu.memory_space<vmem>>, vector<16xf32>,
    tpu.vector_store %arg13[%swap3A_287], %broadcast_in_dim3A_53 {strides = array<i32>} : memref<512xf32, #tpu.memory_space<vmem>>, vector<16xf32>,
    %swap3A_289 = arith.constant 368 : index
    %swap3A_290 = tpu.vector_load %arg14[%swap3A_289] {strides = array<i32>} : memref<512xf32, #tpu.memory_space<vmem>>, vector<16xf32>,
    tpu.vector_store %arg14[%swap3A_289], %broadcast_in_dim3A_53 {strides = array<i32>} : memref<512xf32, #tpu.memory_space<vmem>>, vector<16xf32>,
    %swap3A_291 = arith.constant 368 : index
    %swap3A_292 = tpu.vector_load %arg15[%swap3A_291] {strides = array<i32>} : memref<512xf32, #tpu.memory_space<vmem>>, vector<16xf32>,
    tpu.vector_store %arg15[%swap3A_291], %broadcast_in_dim3A_53 {strides = array<i32>} : memref<512xf32, #tpu.memory_space<vmem>>, vector<16xf32>,
    %swap3A_293 = arith.constant 384 : index
    %swap3A_294 = tpu.vector_load %arg11[%swap3A_293] {strides = array<i32>} : memref<512xf32, #tpu.memory_space<vmem>>, vector<16xf32>,
    tpu.vector_store %arg11[%swap3A_293], %broadcast_in_dim3A_51 {strides = array<i32>} : memref<512xf32, #tpu.memory_space<vmem>>, vector<16xf32>,
    %swap3A_295 = arith.constant 384 : index
    %swap3A_296 = tpu.vector_load %arg12[%swap3A_295] {strides = array<i32>} : memref<512xf32, #tpu.memory_space<vmem>>, vector<16xf32>,
    tpu.vector_store %arg12[%swap3A_295], %broadcast_in_dim3A_53 {strides = array<i32>} : memref<512xf32, #tpu.memory_space<vmem>>, vector<16xf32>,
    %swap3A_297 = arith.constant 384 : index
    %swap3A_298 = tpu.vector_load %arg13[%swap3A_297] {strides = array<i32>} : memref<512xf32, #tpu.memory_space<vmem>>, vector<16xf32>,
    tpu.vector_store %arg13[%swap3A_297], %broadcast_in_dim3A_53 {strides = array<i32>} : memref<512xf32, #tpu.memory_space<vmem>>, vector<16xf32>,
    %swap3A_299 = arith.constant 384 : index
    %swap3A_300 = tpu.vector_load %arg14[%swap3A_299] {strides = array<i32>} : memref<512xf32, #tpu.memory_space<vmem>>, vector<16xf32>,
    tpu.vector_store %arg14[%swap3A_299], %broadcast_in_dim3A_53 {strides = array<i32>} : memref<512xf32, #tpu.memory_space<vmem>>, vector<16xf32>,
    %swap3A_301 = arith.constant 384 : index
    %swap3A_302 = tpu.vector_load %arg15[%swap3A_301] {strides = array<i32>} : memref<512xf32, #tpu.memory_space<vmem>>, vector<16xf32>,
    tpu.vector_store %arg15[%swap3A_301], %broadcast_in_dim3A_53 {strides = array<i32>} : memref<512xf32, #tpu.memory_space<vmem>>, vector<16xf32>,
    %swap3A_303 = arith.constant 400 : index
    %swap3A_304 = tpu.vector_load %arg11[%swap3A_303] {strides = array<i32>} : memref<512xf32, #tpu.memory_space<vmem>>, vector<16xf32>,
    tpu.vector_store %arg11[%swap3A_303], %broadcast_in_dim3A_51 {strides = array<i32>} : memref<512xf32, #tpu.memory_space<vmem>>, vector<16xf32>,
    %swap3A_305 = arith.constant 400 : index
    %swap3A_306 = tpu.vector_load %arg12[%swap3A_305] {strides = array<i32>} : memref<512xf32, #tpu.memory_space<vmem>>, vector<16xf32>,
    tpu.vector_store %arg12[%swap3A_305], %broadcast_in_dim3A_53 {strides = array<i32>} : memref<512xf32, #tpu.memory_space<vmem>>, vector<16xf32>,
    %swap3A_307 = arith.constant 400 : index
    %swap3A_308 = tpu.vector_load %arg13[%swap3A_307] {strides = array<i32>} : memref<512xf32, #tpu.memory_space<vmem>>, vector<16xf32>,
    tpu.vector_store %arg13[%swap3A_307], %broadcast_in_dim3A_53 {strides = array<i32>} : memref<512xf32, #tpu.memory_space<vmem>>, vector<16xf32>,
    %swap3A_309 = arith.constant 400 : index
    %swap3A_310 = tpu.vector_load %arg14[%swap3A_309] {strides = array<i32>} : memref<512xf32, #tpu.memory_space<vmem>>, vector<16xf32>,
    tpu.vector_store %arg14[%swap3A_309], %broadcast_in_dim3A_53 {strides = array<i32>} : memref<512xf32, #tpu.memory_space<vmem>>, vector<16xf32>,
    %swap3A_311 = arith.constant 400 : index
    %swap3A_312 = tpu.vector_load %arg15[%swap3A_311] {strides = array<i32>} : memref<512xf32, #tpu.memory_space<vmem>>, vector<16xf32>,
    tpu.vector_store %arg15[%swap3A_311], %broadcast_in_dim3A_53 {strides = array<i32>} : memref<512xf32, #tpu.memory_space<vmem>>, vector<16xf32>,
    %swap3A_313 = arith.constant 416 : index
    %swap3A_314 = tpu.vector_load %arg11[%swap3A_313] {strides = array<i32>} : memref<512xf32, #tpu.memory_space<vmem>>, vector<16xf32>,
    tpu.vector_store %arg11[%swap3A_313], %broadcast_in_dim3A_51 {strides = array<i32>} : memref<512xf32, #tpu.memory_space<vmem>>, vector<16xf32>,
    %swap3A_315 = arith.constant 416 : index
    %swap3A_316 = tpu.vector_load %arg12[%swap3A_315] {strides = array<i32>} : memref<512xf32, #tpu.memory_space<vmem>>, vector<16xf32>,
    tpu.vector_store %arg12[%swap3A_315], %broadcast_in_dim3A_53 {strides = array<i32>} : memref<512xf32, #tpu.memory_space<vmem>>, vector<16xf32>,
    %swap3A_317 = arith.constant 416 : index
    %swap3A_318 = tpu.vector_load %arg13[%swap3A_317] {strides = array<i32>} : memref<512xf32, #tpu.memory_space<vmem>>, vector<16xf32>,
    tpu.vector_store %arg13[%swap3A_317], %broadcast_in_dim3A_53 {strides = array<i32>} : memref<512xf32, #tpu.memory_space<vmem>>, vector<16xf32>,
    %swap3A_319 = arith.constant 416 : index
    %swap3A_320 = tpu.vector_load %arg14[%swap3A_319] {strides = array<i32>} : memref<512xf32, #tpu.memory_space<vmem>>, vector<16xf32>,
    tpu.vector_store %arg14[%swap3A_319], %broadcast_in_dim3A_53 {strides = array<i32>} : memref<512xf32, #tpu.memory_space<vmem>>, vector<16xf32>,
    %swap3A_321 = arith.constant 416 : index
    %swap3A_322 = tpu.vector_load %arg15[%swap3A_321] {strides = array<i32>} : memref<512xf32, #tpu.memory_space<vmem>>, vector<16xf32>,
    tpu.vector_store %arg15[%swap3A_321], %broadcast_in_dim3A_53 {strides = array<i32>} : memref<512xf32, #tpu.memory_space<vmem>>, vector<16xf32>,
    %swap3A_323 = arith.constant 432 : index
    %swap3A_324 = tpu.vector_load %arg11[%swap3A_323] {strides = array<i32>} : memref<512xf32, #tpu.memory_space<vmem>>, vector<16xf32>,
    tpu.vector_store %arg11[%swap3A_323], %broadcast_in_dim3A_51 {strides = array<i32>} : memref<512xf32, #tpu.memory_space<vmem>>, vector<16xf32>,
    %swap3A_325 = arith.constant 432 : index
    %swap3A_326 = tpu.vector_load %arg12[%swap3A_325] {strides = array<i32>} : memref<512xf32, #tpu.memory_space<vmem>>, vector<16xf32>,
    tpu.vector_store %arg12[%swap3A_325], %broadcast_in_dim3A_53 {strides = array<i32>} : memref<512xf32, #tpu.memory_space<vmem>>, vector<16xf32>,
    %swap3A_327 = arith.constant 432 : index
    %swap3A_328 = tpu.vector_load %arg13[%swap3A_327] {strides = array<i32>} : memref<512xf32, #tpu.memory_space<vmem>>, vector<16xf32>,
    tpu.vector_store %arg13[%swap3A_327], %broadcast_in_dim3A_53 {strides = array<i32>} : memref<512xf32, #tpu.memory_space<vmem>>, vector<16xf32>,
    %swap3A_329 = arith.constant 432 : index
    %swap3A_330 = tpu.vector_load %arg14[%swap3A_329] {strides = array<i32>} : memref<512xf32, #tpu.memory_space<vmem>>, vector<16xf32>,
    tpu.vector_store %arg14[%swap3A_329], %broadcast_in_dim3A_53 {strides = array<i32>} : memref<512xf32, #tpu.memory_space<vmem>>, vector<16xf32>,
    %swap3A_331 = arith.constant 432 : index
    %swap3A_332 = tpu.vector_load %arg15[%swap3A_331] {strides = array<i32>} : memref<512xf32, #tpu.memory_space<vmem>>, vector<16xf32>,
    tpu.vector_store %arg15[%swap3A_331], %broadcast_in_dim3A_53 {strides = array<i32>} : memref<512xf32, #tpu.memory_space<vmem>>, vector<16xf32>,
    %swap3A_333 = arith.constant 448 : index
    %swap3A_334 = tpu.vector_load %arg11[%swap3A_333] {strides = array<i32>} : memref<512xf32, #tpu.memory_space<vmem>>, vector<16xf32>,
    tpu.vector_store %arg11[%swap3A_333], %broadcast_in_dim3A_51 {strides = array<i32>} : memref<512xf32, #tpu.memory_space<vmem>>, vector<16xf32>,
    %swap3A_335 = arith.constant 448 : index
    %swap3A_336 = tpu.vector_load %arg12[%swap3A_335] {strides = array<i32>} : memref<512xf32, #tpu.memory_space<vmem>>, vector<16xf32>,
    tpu.vector_store %arg12[%swap3A_335], %broadcast_in_dim3A_53 {strides = array<i32>} : memref<512xf32, #tpu.memory_space<vmem>>, vector<16xf32>,
    %swap3A_337 = arith.constant 448 : index
    %swap3A_338 = tpu.vector_load %arg13[%swap3A_337] {strides = array<i32>} : memref<512xf32, #tpu.memory_space<vmem>>, vector<16xf32>,
    tpu.vector_store %arg13[%swap3A_337], %broadcast_in_dim3A_53 {strides = array<i32>} : memref<512xf32, #tpu.memory_space<vmem>>, vector<16xf32>,
    %swap3A_339 = arith.constant 448 : index
    %swap3A_340 = tpu.vector_load %arg14[%swap3A_339] {strides = array<i32>} : memref<512xf32, #tpu.memory_space<vmem>>, vector<16xf32>,
    tpu.vector_store %arg14[%swap3A_339], %broadcast_in_dim3A_53 {strides = array<i32>} : memref<512xf32, #tpu.memory_space<vmem>>, vector<16xf32>,
    %swap3A_341 = arith.constant 448 : index
    %swap3A_342 = tpu.vector_load %arg15[%swap3A_341] {strides = array<i32>} : memref<512xf32, #tpu.memory_space<vmem>>, vector<16xf32>,
    tpu.vector_store %arg15[%swap3A_341], %broadcast_in_dim3A_53 {strides = array<i32>} : memref<512xf32, #tpu.memory_space<vmem>>, vector<16xf32>,
    %swap3A_343 = arith.constant 464 : index
    %swap3A_344 = tpu.vector_load %arg11[%swap3A_343] {strides = array<i32>} : memref<512xf32, #tpu.memory_space<vmem>>, vector<16xf32>,
    tpu.vector_store %arg11[%swap3A_343], %broadcast_in_dim3A_51 {strides = array<i32>} : memref<512xf32, #tpu.memory_space<vmem>>, vector<16xf32>,
    %swap3A_345 = arith.constant 464 : index
    %swap3A_346 = tpu.vector_load %arg12[%swap3A_345] {strides = array<i32>} : memref<512xf32, #tpu.memory_space<vmem>>, vector<16xf32>,
    tpu.vector_store %arg12[%swap3A_345], %broadcast_in_dim3A_53 {strides = array<i32>} : memref<512xf32, #tpu.memory_space<vmem>>, vector<16xf32>,
    %swap3A_347 = arith.constant 464 : index
    %swap3A_348 = tpu.vector_load %arg13[%swap3A_347] {strides = array<i32>} : memref<512xf32, #tpu.memory_space<vmem>>, vector<16xf32>,
    tpu.vector_store %arg13[%swap3A_347], %broadcast_in_dim3A_53 {strides = array<i32>} : memref<512xf32, #tpu.memory_space<vmem>>, vector<16xf32>,
    %swap3A_349 = arith.constant 464 : index
    %swap3A_350 = tpu.vector_load %arg14[%swap3A_349] {strides = array<i32>} : memref<512xf32, #tpu.memory_space<vmem>>, vector<16xf32>,
    tpu.vector_store %arg14[%swap3A_349], %broadcast_in_dim3A_53 {strides = array<i32>} : memref<512xf32, #tpu.memory_space<vmem>>, vector<16xf32>,
    %swap3A_351 = arith.constant 464 : index
    %swap3A_352 = tpu.vector_load %arg15[%swap3A_351] {strides = array<i32>} : memref<512xf32, #tpu.memory_space<vmem>>, vector<16xf32>,
    tpu.vector_store %arg15[%swap3A_351], %broadcast_in_dim3A_53 {strides = array<i32>} : memref<512xf32, #tpu.memory_space<vmem>>, vector<16xf32>,
    %swap3A_353 = arith.constant 480 : index
    %swap3A_354 = tpu.vector_load %arg11[%swap3A_353] {strides = array<i32>} : memref<512xf32, #tpu.memory_space<vmem>>, vector<16xf32>,
    tpu.vector_store %arg11[%swap3A_353], %broadcast_in_dim3A_51 {strides = array<i32>} : memref<512xf32, #tpu.memory_space<vmem>>, vector<16xf32>,
    %swap3A_355 = arith.constant 480 : index
    %swap3A_356 = tpu.vector_load %arg12[%swap3A_355] {strides = array<i32>} : memref<512xf32, #tpu.memory_space<vmem>>, vector<16xf32>,
    tpu.vector_store %arg12[%swap3A_355], %broadcast_in_dim3A_53 {strides = array<i32>} : memref<512xf32, #tpu.memory_space<vmem>>, vector<16xf32>,
    %swap3A_357 = arith.constant 480 : index
    %swap3A_358 = tpu.vector_load %arg13[%swap3A_357] {strides = array<i32>} : memref<512xf32, #tpu.memory_space<vmem>>, vector<16xf32>,
    tpu.vector_store %arg13[%swap3A_357], %broadcast_in_dim3A_53 {strides = array<i32>} : memref<512xf32, #tpu.memory_space<vmem>>, vector<16xf32>,
    %swap3A_359 = arith.constant 480 : index
    %swap3A_360 = tpu.vector_load %arg14[%swap3A_359] {strides = array<i32>} : memref<512xf32, #tpu.memory_space<vmem>>, vector<16xf32>,
    tpu.vector_store %arg14[%swap3A_359], %broadcast_in_dim3A_53 {strides = array<i32>} : memref<512xf32, #tpu.memory_space<vmem>>, vector<16xf32>,
    %swap3A_361 = arith.constant 480 : index
    %swap3A_362 = tpu.vector_load %arg15[%swap3A_361] {strides = array<i32>} : memref<512xf32, #tpu.memory_space<vmem>>, vector<16xf32>,
    tpu.vector_store %arg15[%swap3A_361], %broadcast_in_dim3A_53 {strides = array<i32>} : memref<512xf32, #tpu.memory_space<vmem>>, vector<16xf32>,
    %swap3A_363 = arith.constant 496 : index
    %swap3A_364 = tpu.vector_load %arg11[%swap3A_363] {strides = array<i32>} : memref<512xf32, #tpu.memory_space<vmem>>, vector<16xf32>,
    tpu.vector_store %arg11[%swap3A_363], %broadcast_in_dim3A_51 {strides = array<i32>} : memref<512xf32, #tpu.memory_space<vmem>>, vector<16xf32>,
    %swap3A_365 = arith.constant 496 : index
    %swap3A_366 = tpu.vector_load %arg12[%swap3A_365] {strides = array<i32>} : memref<512xf32, #tpu.memory_space<vmem>>, vector<16xf32>,
    tpu.vector_store %arg12[%swap3A_365], %broadcast_in_dim3A_53 {strides = array<i32>} : memref<512xf32, #tpu.memory_space<vmem>>, vector<16xf32>,
    %swap3A_367 = arith.constant 496 : index
    %swap3A_368 = tpu.vector_load %arg13[%swap3A_367] {strides = array<i32>} : memref<512xf32, #tpu.memory_space<vmem>>, vector<16xf32>,
    tpu.vector_store %arg13[%swap3A_367], %broadcast_in_dim3A_53 {strides = array<i32>} : memref<512xf32, #tpu.memory_space<vmem>>, vector<16xf32>,
    %swap3A_369 = arith.constant 496 : index
    %swap3A_370 = tpu.vector_load %arg14[%swap3A_369] {strides = array<i32>} : memref<512xf32, #tpu.memory_space<vmem>>, vector<16xf32>,
    tpu.vector_store %arg14[%swap3A_369], %broadcast_in_dim3A_53 {strides = array<i32>} : memref<512xf32, #tpu.memory_space<vmem>>, vector<16xf32>,
    %swap3A_371 = arith.constant 496 : index
    %swap3A_372 = tpu.vector_load %arg15[%swap3A_371] {strides = array<i32>} : memref<512xf32, #tpu.memory_space<vmem>>, vector<16xf32>,
    tpu.vector_store %arg15[%swap3A_371], %broadcast_in_dim3A_53 {strides = array<i32>} : memref<512xf32, #tpu.memory_space<vmem>>, vector<16xf32>,
    %scan3A = arith.constant 0 : i32
    %scan3A_373 = arith.constant 0 : i32
    %scan3A_374 = arith.constant 640 : i32
    %scan3A_375 = arith.addi %scan3A_373, %scan3A_374 : i32
    %scan3A_376 = arith.constant 1 : i32
    %scan3A_377 = scf.for %scan3A_396 = %scan3A_373 to %scan3A_375 step %scan3A_376 iter_args(%scan3A_397 = %scan3A) -> (i32)  : i32 {
      %mul3A_398 = arith.constant 16 : i32
      %mul3A_399 = arith.muli %scan3A_396, %mul3A_398 : i32
      %get3A_400 = arith.index_cast %mul3A_399 : i32 to index
      %get3A_401 = tpu.vector_load %arg5[%get3A_400] {strides = array<i32>} : memref<10240xf32, #tpu.memory_space<vmem>>, vector<16xf32>,
      %gt3A = arith.cmpf ogt, %get3A_401, %get3A_50 : vector<16xf32>
      %convert_element_type3A = arith.extui %gt3A : vector<16xi1> to vector<16xi32>
      %broadcast_in_dim3A_402 = arith.constant true
      %broadcast_in_dim3A_403 = vector.broadcast %broadcast_in_dim3A_402 : i1 to vector<16xi1>
      %masked_cumsum3A = tpu.scan <sum>, %convert_element_type3A masked %broadcast_in_dim3A_403 : vector<16xi32>, vector<16xi1> -> vector<16xi32>
      %add3A_404 = vector.broadcast %scan3A_397 : i32 to vector<16xi32>
      %add3A_405 = arith.addi %add3A_404, %masked_cumsum3A : vector<16xi32>
      %sub3A_406 = arith.constant 1 : i32
      %sub3A_407 = vector.broadcast %sub3A_406 : i32 to vector<16xi32>
      %sub3A_408 = arith.subi %add3A_405, %sub3A_407 : vector<16xi32>
      tpu.vector_store_idx %arg11[%sub3A_408], %get3A_401 masked %gt3A : memref<512xf32, #tpu.memory_space<vmem>>[vector<16xi32>], vector<16xf32>, vector<16xi1>
      %get3A_409 = arith.index_cast %mul3A_399 : i32 to index
      %get3A_410 = tpu.vector_load %arg6[%get3A_409] {strides = array<i32>} : memref<10240xf32, #tpu.memory_space<vmem>>, vector<16xf32>,
      tpu.vector_store_idx %arg12[%sub3A_408], %get3A_410 masked %gt3A : memref<512xf32, #tpu.memory_space<vmem>>[vector<16xi32>], vector<16xf32>, vector<16xi1>
      %get3A_411 = arith.index_cast %mul3A_399 : i32 to index
      %get3A_412 = tpu.vector_load %arg7[%get3A_411] {strides = array<i32>} : memref<10240xf32, #tpu.memory_space<vmem>>, vector<16xf32>,
      tpu.vector_store_idx %arg13[%sub3A_408], %get3A_412 masked %gt3A : memref<512xf32, #tpu.memory_space<vmem>>[vector<16xi32>], vector<16xf32>, vector<16xi1>
      %get3A_413 = arith.index_cast %mul3A_399 : i32 to index
      %get3A_414 = tpu.vector_load %arg8[%get3A_413] {strides = array<i32>} : memref<10240xf32, #tpu.memory_space<vmem>>, vector<16xf32>,
      tpu.vector_store_idx %arg14[%sub3A_408], %get3A_414 masked %gt3A : memref<512xf32, #tpu.memory_space<vmem>>[vector<16xi32>], vector<16xf32>, vector<16xi1>
      %get3A_415 = arith.index_cast %mul3A_399 : i32 to index
      %get3A_416 = tpu.vector_load %arg9[%get3A_415] {strides = array<i32>} : memref<10240xf32, #tpu.memory_space<vmem>>, vector<16xf32>,
      tpu.vector_store_idx %arg15[%sub3A_408], %get3A_416 masked %gt3A : memref<512xf32, #tpu.memory_space<vmem>>[vector<16xi32>], vector<16xf32>, vector<16xi1>
      %convert_element_type3A_417 = arith.extui %gt3A : vector<16xi1> to vector<16xi32>
      %reduce_sum3A = arith.constant true
      %reduce_sum3A_418 = vector.broadcast %reduce_sum3A : i1 to vector<16xi1>
      %reduce_sum3A_419 = tpu.scan <sum>, %convert_element_type3A_417 masked %reduce_sum3A_418 : vector<16xi32>, vector<16xi1> -> vector<16xi32>
      %reduce_sum3A_420 = vector.extract %reduce_sum3A_419[15] : i32 from vector<16xi32>
      %add3A_421 = arith.addi %scan3A_397, %reduce_sum3A_420 : i32
      scf.yield %add3A_421 : i32
    }
    %scan3A_378 = arith.constant 640 : i32
    %mul3A_379 = arith.constant 2 : i32
    %mul3A_380 = arith.muli %select_n3A, %mul3A_379 : i32
    %add3A_381 = arith.addi %mul3A_380, %select_n3A_30 : i32
    %mul3A_382 = arith.constant 5 : i32
    %mul3A_383 = arith.muli %add3A_381, %mul3A_382 : i32
    %mul3A_384 = arith.constant 512 : i32
    %mul3A_385 = arith.muli %mul3A_383, %mul3A_384 : i32
    %add3A_386 = arith.constant 0 : i32
    %add3A_387 = arith.addi %mul3A_385, %add3A_386 : i32
    "tpu.region"() ({
      %run_scoped3A = tpu.sem_alloc : memref<!tpu.dma_semaphore, #tpu.memory_space<semaphore_mem>>
      %dma_start3A = tpu.memref_slice %arg4[%add3A_387] : memref<81920xf32, #tpu.memory_space<hbm>> -> memref<512xf32, #tpu.memory_space<hbm>>
      %dma_start3A_396 = tpu.memref_slice %arg4[%add3A_387] : memref<81920xf32, #tpu.memory_space<hbm>> -> memref<512xf32, #tpu.memory_space<hbm>>
      tpu.enqueue_dma source(%arg11 : memref<512xf32, #tpu.memory_space<vmem>>) target(%dma_start3A_396 : memref<512xf32, #tpu.memory_space<hbm>>) target_semaphore(%run_scoped3A : memref<!tpu.dma_semaphore, #tpu.memory_space<semaphore_mem>>)
      %dma_wait3A = tpu.memref_slice %arg4[%add3A_387] : memref<81920xf32, #tpu.memory_space<hbm>> -> memref<512xf32, #tpu.memory_space<hbm>>
      %dma_wait3A_397 = tpu.memref_slice %arg4[%add3A_387] : memref<81920xf32, #tpu.memory_space<hbm>> -> memref<512xf32, #tpu.memory_space<hbm>>
      tpu.wait_dma2 semaphore(%run_scoped3A : memref<!tpu.dma_semaphore, #tpu.memory_space<semaphore_mem>>) src(%arg11 : memref<512xf32, #tpu.memory_space<vmem>>) dst(%dma_wait3A_397 : memref<512xf32, #tpu.memory_space<hbm>>)
      tpu.yield
    }) : () -> ()
    %add3A_388 = arith.constant 512 : i32
    %add3A_389 = arith.addi %mul3A_385, %add3A_388 : i32
    "tpu.region"() ({
      %run_scoped3A = tpu.sem_alloc : memref<!tpu.dma_semaphore, #tpu.memory_space<semaphore_mem>>
      %dma_start3A = tpu.memref_slice %arg4[%add3A_389] : memref<81920xf32, #tpu.memory_space<hbm>> -> memref<512xf32, #tpu.memory_space<hbm>>
      %dma_start3A_396 = tpu.memref_slice %arg4[%add3A_389] : memref<81920xf32, #tpu.memory_space<hbm>> -> memref<512xf32, #tpu.memory_space<hbm>>
      tpu.enqueue_dma source(%arg12 : memref<512xf32, #tpu.memory_space<vmem>>) target(%dma_start3A_396 : memref<512xf32, #tpu.memory_space<hbm>>) target_semaphore(%run_scoped3A : memref<!tpu.dma_semaphore, #tpu.memory_space<semaphore_mem>>)
      %dma_wait3A = tpu.memref_slice %arg4[%add3A_389] : memref<81920xf32, #tpu.memory_space<hbm>> -> memref<512xf32, #tpu.memory_space<hbm>>
      %dma_wait3A_397 = tpu.memref_slice %arg4[%add3A_389] : memref<81920xf32, #tpu.memory_space<hbm>> -> memref<512xf32, #tpu.memory_space<hbm>>
      tpu.wait_dma2 semaphore(%run_scoped3A : memref<!tpu.dma_semaphore, #tpu.memory_space<semaphore_mem>>) src(%arg12 : memref<512xf32, #tpu.memory_space<vmem>>) dst(%dma_wait3A_397 : memref<512xf32, #tpu.memory_space<hbm>>)
      tpu.yield
    }) : () -> ()
    %add3A_390 = arith.constant 1024 : i32
    %add3A_391 = arith.addi %mul3A_385, %add3A_390 : i32
    "tpu.region"() ({
      %run_scoped3A = tpu.sem_alloc : memref<!tpu.dma_semaphore, #tpu.memory_space<semaphore_mem>>
      %dma_start3A = tpu.memref_slice %arg4[%add3A_391] : memref<81920xf32, #tpu.memory_space<hbm>> -> memref<512xf32, #tpu.memory_space<hbm>>
      %dma_start3A_396 = tpu.memref_slice %arg4[%add3A_391] : memref<81920xf32, #tpu.memory_space<hbm>> -> memref<512xf32, #tpu.memory_space<hbm>>
      tpu.enqueue_dma source(%arg13 : memref<512xf32, #tpu.memory_space<vmem>>) target(%dma_start3A_396 : memref<512xf32, #tpu.memory_space<hbm>>) target_semaphore(%run_scoped3A : memref<!tpu.dma_semaphore, #tpu.memory_space<semaphore_mem>>)
      %dma_wait3A = tpu.memref_slice %arg4[%add3A_391] : memref<81920xf32, #tpu.memory_space<hbm>> -> memref<512xf32, #tpu.memory_space<hbm>>
      %dma_wait3A_397 = tpu.memref_slice %arg4[%add3A_391] : memref<81920xf32, #tpu.memory_space<hbm>> -> memref<512xf32, #tpu.memory_space<hbm>>
      tpu.wait_dma2 semaphore(%run_scoped3A : memref<!tpu.dma_semaphore, #tpu.memory_space<semaphore_mem>>) src(%arg13 : memref<512xf32, #tpu.memory_space<vmem>>) dst(%dma_wait3A_397 : memref<512xf32, #tpu.memory_space<hbm>>)
      tpu.yield
    }) : () -> ()
    %add3A_392 = arith.constant 1536 : i32
    %add3A_393 = arith.addi %mul3A_385, %add3A_392 : i32
    "tpu.region"() ({
      %run_scoped3A = tpu.sem_alloc : memref<!tpu.dma_semaphore, #tpu.memory_space<semaphore_mem>>
      %dma_start3A = tpu.memref_slice %arg4[%add3A_393] : memref<81920xf32, #tpu.memory_space<hbm>> -> memref<512xf32, #tpu.memory_space<hbm>>
      %dma_start3A_396 = tpu.memref_slice %arg4[%add3A_393] : memref<81920xf32, #tpu.memory_space<hbm>> -> memref<512xf32, #tpu.memory_space<hbm>>
      tpu.enqueue_dma source(%arg14 : memref<512xf32, #tpu.memory_space<vmem>>) target(%dma_start3A_396 : memref<512xf32, #tpu.memory_space<hbm>>) target_semaphore(%run_scoped3A : memref<!tpu.dma_semaphore, #tpu.memory_space<semaphore_mem>>)
      %dma_wait3A = tpu.memref_slice %arg4[%add3A_393] : memref<81920xf32, #tpu.memory_space<hbm>> -> memref<512xf32, #tpu.memory_space<hbm>>
      %dma_wait3A_397 = tpu.memref_slice %arg4[%add3A_393] : memref<81920xf32, #tpu.memory_space<hbm>> -> memref<512xf32, #tpu.memory_space<hbm>>
      tpu.wait_dma2 semaphore(%run_scoped3A : memref<!tpu.dma_semaphore, #tpu.memory_space<semaphore_mem>>) src(%arg14 : memref<512xf32, #tpu.memory_space<vmem>>) dst(%dma_wait3A_397 : memref<512xf32, #tpu.memory_space<hbm>>)
      tpu.yield
    }) : () -> ()
    %add3A_394 = arith.constant 2048 : i32
    %add3A_395 = arith.addi %mul3A_385, %add3A_394 : i32
    "tpu.region"() ({
      %run_scoped3A = tpu.sem_alloc : memref<!tpu.dma_semaphore, #tpu.memory_space<semaphore_mem>>
      %dma_start3A = tpu.memref_slice %arg4[%add3A_395] : memref<81920xf32, #tpu.memory_space<hbm>> -> memref<512xf32, #tpu.memory_space<hbm>>
      %dma_start3A_396 = tpu.memref_slice %arg4[%add3A_395] : memref<81920xf32, #tpu.memory_space<hbm>> -> memref<512xf32, #tpu.memory_space<hbm>>
      tpu.enqueue_dma source(%arg15 : memref<512xf32, #tpu.memory_space<vmem>>) target(%dma_start3A_396 : memref<512xf32, #tpu.memory_space<hbm>>) target_semaphore(%run_scoped3A : memref<!tpu.dma_semaphore, #tpu.memory_space<semaphore_mem>>)
      %dma_wait3A = tpu.memref_slice %arg4[%add3A_395] : memref<81920xf32, #tpu.memory_space<hbm>> -> memref<512xf32, #tpu.memory_space<hbm>>
      %dma_wait3A_397 = tpu.memref_slice %arg4[%add3A_395] : memref<81920xf32, #tpu.memory_space<hbm>> -> memref<512xf32, #tpu.memory_space<hbm>>
      tpu.wait_dma2 semaphore(%run_scoped3A : memref<!tpu.dma_semaphore, #tpu.memory_space<semaphore_mem>>) src(%arg15 : memref<512xf32, #tpu.memory_space<vmem>>) dst(%dma_wait3A_397 : memref<512xf32, #tpu.memory_space<hbm>>)
      tpu.yield
    }) : () -> ()
    return
  }
}

module attributes {stable_mosaic.version = 14 : i64} {
  func.func @_tau_kernel(%arg0: memref<16x5x20480xf32, #tpu.memory_space<vmem>>, %arg1: memref<16x16xf32, #tpu.memory_space<vmem>>) attributes {dimension_semantics = [], scalar_prefetch = 0 : i64, scratch_operands = 0 : i64, tpu.core_type = #tpu.core_type<tc>} {
    %get3A = arith.constant 0 : index
    %get3A_0 = arith.constant 0 : index
    %get3A_1 = arith.constant 0 : index
    %get3A_2 = vector.load %arg0[%get3A, %get3A_0, %get3A_1] : memref<16x5x20480xf32, #tpu.memory_space<vmem>>, vector<16x1x20480xf32>
    %get3A_3 = vector.shape_cast %get3A_2 : vector<16x1x20480xf32> to vector<16x20480xf32>
    %iota3A = tpu.iota {dimensions = array<i32: 1>} : vector<16x20480xi32>
    %lt3A = arith.constant 10240 : i32
    %lt3A_4 = vector.broadcast %lt3A : i32 to vector<16x20480xi32>
    %lt3A_5 = arith.cmpi slt, %iota3A, %lt3A_4 : vector<16x20480xi32>
    %broadcast_in_dim3A = arith.constant 0.000000e+00 : f32
    %broadcast_in_dim3A_6 = vector.broadcast %broadcast_in_dim3A : f32 to vector<16x1xf32>
    %broadcast_in_dim3A_7 = arith.constant 1.000000e+00 : f32
    %broadcast_in_dim3A_8 = vector.broadcast %broadcast_in_dim3A_7 : f32 to vector<16x1xf32>
    %scan3A = arith.constant 0 : i32
    %scan3A_9 = arith.constant 32 : i32
    %scan3A_10 = arith.addi %scan3A, %scan3A_9 : i32
    %scan3A_11 = arith.constant 1 : i32
    %scan3A_12:2 = scf.for %scan3A_17 = %scan3A to %scan3A_10 step %scan3A_11 iter_args(%scan3A_18 = %broadcast_in_dim3A_6, %scan3A_19 = %broadcast_in_dim3A_8) -> (vector<16x1xf32>, vector<16x1xf32>)  : i32 {
      %add3A = arith.addf %scan3A_18, %scan3A_19 : vector<16x1xf32>
      %mul3A = arith.constant 5.000000e-01 : f32
      %mul3A_20 = vector.broadcast %mul3A : f32 to vector<16x1xf32>
      %mul3A_21 = arith.mulf %add3A, %mul3A_20 : vector<16x1xf32>
      %gt3A = vector.broadcast %mul3A_21 : vector<16x1xf32> to vector<16x20480xf32>
      %gt3A_22 = arith.cmpf ogt, %get3A_3, %gt3A : vector<16x20480xf32>
      %and3A = arith.andi %gt3A_22, %lt3A_5 : vector<16x20480xi1>
      %jit3A = arith.constant 1.000000e+00 : f32
      %jit3A_23 = arith.constant 0.000000e+00 : f32
      %broadcast_in_dim3A_24 = vector.broadcast %jit3A : f32 to vector<16x20480xf32>
      %broadcast_in_dim3A_25 = vector.broadcast %jit3A_23 : f32 to vector<16x20480xf32>
      %select_n3A = arith.select %and3A, %broadcast_in_dim3A_24, %broadcast_in_dim3A_25 : vector<16x20480xi1>, vector<16x20480xf32>
      %reduce_sum3A = arith.constant dense<0.000000e+00> : vector<16xf32>
      %reduce_sum3A_26 = vector.multi_reduction <add>, %select_n3A, %reduce_sum3A [1] : vector<16x20480xf32> to vector<16xf32>
      %broadcast_in_dim3A_27 = vector.shape_cast %reduce_sum3A_26 : vector<16xf32> to vector<16x1xf32>
      %not3A = arith.constant dense<true> : vector<16x20480xi1>
      %not3A_28 = arith.xori %lt3A_5, %not3A : vector<16x20480xi1>
      %and3A_29 = arith.andi %gt3A_22, %not3A_28 : vector<16x20480xi1>
      %jit3A_30 = arith.constant 1.000000e+00 : f32
      %jit3A_31 = arith.constant 0.000000e+00 : f32
      %broadcast_in_dim3A_32 = vector.broadcast %jit3A_30 : f32 to vector<16x20480xf32>
      %broadcast_in_dim3A_33 = vector.broadcast %jit3A_31 : f32 to vector<16x20480xf32>
      %select_n3A_34 = arith.select %and3A_29, %broadcast_in_dim3A_32, %broadcast_in_dim3A_33 : vector<16x20480xi1>, vector<16x20480xf32>
      %reduce_sum3A_35 = arith.constant dense<0.000000e+00> : vector<16xf32>
      %reduce_sum3A_36 = vector.multi_reduction <add>, %select_n3A_34, %reduce_sum3A_35 [1] : vector<16x20480xf32> to vector<16xf32>
      %broadcast_in_dim3A_37 = vector.shape_cast %reduce_sum3A_36 : vector<16xf32> to vector<16x1xf32>
      %max3A = arith.maximumf %broadcast_in_dim3A_27, %broadcast_in_dim3A_37 : vector<16x1xf32>
      %le3A = arith.constant 4.800000e+02 : f32
      %le3A_38 = vector.broadcast %le3A : f32 to vector<16x1xf32>
      %le3A_39 = arith.cmpf ole, %max3A, %le3A_38 : vector<16x1xf32>
      %select_n3A_40 = arith.select %le3A_39, %scan3A_18, %mul3A_21 : vector<16x1xi1>, vector<16x1xf32>
      %select_n3A_41 = arith.select %le3A_39, %mul3A_21, %scan3A_19 : vector<16x1xi1>, vector<16x1xf32>
      scf.yield %select_n3A_40, %select_n3A_41 : vector<16x1xf32>, vector<16x1xf32>
    }
    %broadcast_in_dim3A_13 = vector.shape_cast %scan3A_12#1 : vector<16x1xf32> to vector<16x1xf32>
    %broadcast_in_dim3A_14 = vector.broadcast %broadcast_in_dim3A_13 : vector<16x1xf32> to vector<16x16xf32>
    %swap3A = arith.constant 0 : index
    %swap3A_15 = arith.constant 0 : index
    %swap3A_16 = vector.load %arg1[%swap3A, %swap3A_15] : memref<16x16xf32, #tpu.memory_space<vmem>>, vector<16x16xf32>
    tpu.vector_store %arg1[%swap3A, %swap3A_15], %broadcast_in_dim3A_14 {strides = array<i32>} : memref<16x16xf32, #tpu.memory_space<vmem>>, vector<16x16xf32>,
    return
  }
}

module attributes {stable_mosaic.version = 14 : i64} {
  func.func @_prep_kernel(%arg0: i32, %arg1: i32, %arg2: memref<1x84x2048xf32, #tpu.memory_space<vmem>>, %arg3: memref<1x5x2048xf32, #tpu.memory_space<vmem>>) attributes {dimension_semantics = [#tpu.dimension_semantics<arbitrary>, #tpu.dimension_semantics<arbitrary>], iteration_bounds = array<i64: 16, 10>, scalar_prefetch = 0 : i64, scratch_operands = 0 : i64, tpu.core_type = #tpu.core_type<tc>, window_params = [{transform_indices = @transform_0, window_bounds = array<i64: 1, 84, 2048>}, {transform_indices = @transform_1, window_bounds = array<i64: 1, 5, 2048>}]} {
    %get3A = arith.constant 0 : index
    %get3A_0 = arith.constant 0 : index
    %get3A_1 = arith.constant 0 : index
    %get3A_2 = vector.load %arg2[%get3A, %get3A_0, %get3A_1] : memref<1x84x2048xf32, #tpu.memory_space<vmem>>, vector<1x84x2048xf32>
    %get3A_3 = vector.shape_cast %get3A_2 : vector<1x84x2048xf32> to vector<84x2048xf32>
    %slice3A = vector.extract_strided_slice %get3A_3 {offsets = [4, 0], sizes = [80, 2048], strides = [1, 1]} : vector<84x2048xf32> to vector<80x2048xf32>
    %reduce_max3A = arith.constant dense<0xFF800000> : vector<2048xf32>
    %reduce_max3A_4 = vector.multi_reduction <maximumf>, %slice3A, %reduce_max3A [0] : vector<80x2048xf32> to vector<2048xf32>
    %broadcast_in_dim3A = vector.shape_cast %reduce_max3A_4 : vector<2048xf32> to vector<1x2048xf32>
    %iota3A = tpu.iota {dimensions = array<i32: 0>} : vector<80x2048xi32>
    %eq3A = vector.broadcast %broadcast_in_dim3A : vector<1x2048xf32> to vector<80x2048xf32>
    %eq3A_5 = arith.cmpf oeq, %slice3A, %eq3A : vector<80x2048xf32>
    %jit3A = arith.constant 80 : i32
    %broadcast_in_dim3A_6 = vector.broadcast %jit3A : i32 to vector<80x2048xi32>
    %select_n3A = arith.select %eq3A_5, %iota3A, %broadcast_in_dim3A_6 : vector<80x2048xi1>, vector<80x2048xi32>
    %reduce_min3A = arith.constant dense<2147483647> : vector<2048xi32>
    %reduce_min3A_7 = vector.multi_reduction <minsi>, %select_n3A, %reduce_min3A [0] : vector<80x2048xi32> to vector<2048xi32>
    %broadcast_in_dim3A_8 = vector.shape_cast %reduce_min3A_7 : vector<2048xi32> to vector<1x2048xi32>
    %convert_element_type3A = arith.sitofp %broadcast_in_dim3A_8 : vector<1x2048xi32> to vector<1x2048xf32>
    %slice3A_9 = vector.extract_strided_slice %get3A_3 {offsets = [2, 0], sizes = [1, 2048], strides = [1, 1]} : vector<84x2048xf32> to vector<1x2048xf32>
    %mul3A = arith.constant 5.000000e-01 : f32
    %mul3A_10 = vector.broadcast %mul3A : f32 to vector<1x2048xf32>
    %mul3A_11 = arith.mulf %slice3A_9, %mul3A_10 : vector<1x2048xf32>
    %slice3A_12 = vector.extract_strided_slice %get3A_3 {offsets = [3, 0], sizes = [1, 2048], strides = [1, 1]} : vector<84x2048xf32> to vector<1x2048xf32>
    %mul3A_13 = arith.constant 5.000000e-01 : f32
    %mul3A_14 = vector.broadcast %mul3A_13 : f32 to vector<1x2048xf32>
    %mul3A_15 = arith.mulf %slice3A_12, %mul3A_14 : vector<1x2048xf32>
    %slice3A_16 = vector.extract_strided_slice %get3A_3 {offsets = [0, 0], sizes = [1, 2048], strides = [1, 1]} : vector<84x2048xf32> to vector<1x2048xf32>
    %sub3A = arith.subf %slice3A_16, %mul3A_11 : vector<1x2048xf32>
    %mul3A_17 = arith.constant 1.562500e-03 : f32
    %mul3A_18 = vector.broadcast %mul3A_17 : f32 to vector<1x2048xf32>
    %mul3A_19 = arith.mulf %sub3A, %mul3A_18 : vector<1x2048xf32>
    %add3A = arith.addf %mul3A_19, %convert_element_type3A : vector<1x2048xf32>
    %slice3A_20 = vector.extract_strided_slice %get3A_3 {offsets = [1, 0], sizes = [1, 2048], strides = [1, 1]} : vector<84x2048xf32> to vector<1x2048xf32>
    %sub3A_21 = arith.subf %slice3A_20, %mul3A_15 : vector<1x2048xf32>
    %mul3A_22 = arith.constant 1.562500e-03 : f32
    %mul3A_23 = vector.broadcast %mul3A_22 : f32 to vector<1x2048xf32>
    %mul3A_24 = arith.mulf %sub3A_21, %mul3A_23 : vector<1x2048xf32>
    %add3A_25 = arith.addf %mul3A_24, %convert_element_type3A : vector<1x2048xf32>
    %slice3A_26 = vector.extract_strided_slice %get3A_3 {offsets = [0, 0], sizes = [1, 2048], strides = [1, 1]} : vector<84x2048xf32> to vector<1x2048xf32>
    %add3A_27 = arith.addf %slice3A_26, %mul3A_11 : vector<1x2048xf32>
    %mul3A_28 = arith.constant 1.562500e-03 : f32
    %mul3A_29 = vector.broadcast %mul3A_28 : f32 to vector<1x2048xf32>
    %mul3A_30 = arith.mulf %add3A_27, %mul3A_29 : vector<1x2048xf32>
    %add3A_31 = arith.addf %mul3A_30, %convert_element_type3A : vector<1x2048xf32>
    %slice3A_32 = vector.extract_strided_slice %get3A_3 {offsets = [1, 0], sizes = [1, 2048], strides = [1, 1]} : vector<84x2048xf32> to vector<1x2048xf32>
    %add3A_33 = arith.addf %slice3A_32, %mul3A_15 : vector<1x2048xf32>
    %mul3A_34 = arith.constant 1.562500e-03 : f32
    %mul3A_35 = vector.broadcast %mul3A_34 : f32 to vector<1x2048xf32>
    %mul3A_36 = arith.mulf %add3A_33, %mul3A_35 : vector<1x2048xf32>
    %add3A_37 = arith.addf %mul3A_36, %convert_element_type3A : vector<1x2048xf32>
    %mul3A_38 = arith.constant 2048 : i32
    %mul3A_39 = arith.muli %arg1, %mul3A_38 : i32
    %iota3A_40 = tpu.iota {dimensions = array<i32: 1>} : vector<1x2048xi32>
    %add3A_41 = vector.broadcast %mul3A_39 : i32 to vector<1x2048xi32>
    %add3A_42 = arith.addi %add3A_41, %iota3A_40 : vector<1x2048xi32>
    %lt3A = arith.constant 20000 : i32
    %lt3A_43 = vector.broadcast %lt3A : i32 to vector<1x2048xi32>
    %lt3A_44 = arith.cmpi slt, %add3A_42, %lt3A_43 : vector<1x2048xi32>
    %gt3A = arith.constant 2.500000e-01 : f32
    %gt3A_45 = vector.broadcast %gt3A : f32 to vector<1x2048xf32>
    %gt3A_46 = arith.cmpf ogt, %broadcast_in_dim3A, %gt3A_45 : vector<1x2048xf32>
    %and3A = arith.andi %lt3A_44, %gt3A_46 : vector<1x2048xi1>
    %jit3A_47 = arith.constant 0xFF800000 : f32
    %broadcast_in_dim3A_48 = vector.broadcast %jit3A_47 : f32 to vector<1x2048xf32>
    %select_n3A_49 = arith.select %and3A, %broadcast_in_dim3A, %broadcast_in_dim3A_48 : vector<1x2048xi1>, vector<1x2048xf32>
    %concatenate3A = tpu.concatenate %select_n3A_49, %add3A, %add3A_25, %add3A_31, %add3A_37 in 0 : vector<1x2048xf32>, vector<1x2048xf32>, vector<1x2048xf32>, vector<1x2048xf32>, vector<1x2048xf32> -> vector<5x2048xf32>
    %swap3A = arith.constant 0 : index
    %swap3A_50 = arith.constant 0 : index
    %swap3A_51 = arith.constant 0 : index
    %swap3A_52 = vector.load %arg3[%swap3A, %swap3A_50, %swap3A_51] : memref<1x5x2048xf32, #tpu.memory_space<vmem>>, vector<1x5x2048xf32>
    %swap3A_53 = vector.shape_cast %swap3A_52 : vector<1x5x2048xf32> to vector<5x2048xf32>
    %swap3A_54 = vector.shape_cast %concatenate3A : vector<5x2048xf32> to vector<1x5x2048xf32>
    tpu.vector_store %arg3[%swap3A, %swap3A_50, %swap3A_51], %swap3A_54 {strides = array<i32>} : memref<1x5x2048xf32, #tpu.memory_space<vmem>>, vector<1x5x2048xf32>,
    return
  }
  func.func @transform_0(%arg0: i32, %arg1: i32) -> (i32, i32, i32) {
    %c0_i32 = arith.constant 0 : i32
    %c0_i32_0 = arith.constant 0 : i32
    return %arg0, %c0_i32, %arg1 : i32, i32, i32
  }
  func.func @transform_1(%arg0: i32, %arg1: i32) -> (i32, i32, i32) {
    %c0_i32 = arith.constant 0 : i32
    %c0_i32_0 = arith.constant 0 : i32
    return %arg0, %c0_i32, %arg1 : i32, i32, i32
  }
}

module attributes {stable_mosaic.version = 14 : i64} {
  func.func @_nms_kernel(%arg0: memref<16x5x20480xf32, #tpu.memory_space<vmem>>, %arg1: memref<16x16xf32, #tpu.memory_space<vmem>>, %arg2: memref<16x2x5x512xf32, #tpu.memory_space<vmem>>, %arg3: memref<6x16x512xf32, #tpu.memory_space<vmem>>, %arg4: memref<16x20480xf32, #tpu.memory_space<vmem>>, %arg5: memref<16x1024xf32, #tpu.memory_space<vmem>>, %arg6: memref<4x16x1024xf32, #tpu.memory_space<vmem>>, %arg7: memref<5x16x512xf32, #tpu.memory_space<vmem>>) attributes {dimension_semantics = [], scalar_prefetch = 0 : i64, scratch_operands = 4 : i64, tpu.core_type = #tpu.core_type<tc>} {
    %broadcast_in_dim3A = arith.constant 0.000000e+00 : f32
    %broadcast_in_dim3A_0 = vector.broadcast %broadcast_in_dim3A : f32 to vector<6x16x512xf32>
    %swap3A = arith.constant 0 : index
    %swap3A_1 = arith.constant 0 : index
    %swap3A_2 = arith.constant 0 : index
    %swap3A_3 = vector.load %arg3[%swap3A, %swap3A_1, %swap3A_2] : memref<6x16x512xf32, #tpu.memory_space<vmem>>, vector<6x16x512xf32>
    tpu.vector_store %arg3[%swap3A, %swap3A_1, %swap3A_2], %broadcast_in_dim3A_0 {strides = array<i32>} : memref<6x16x512xf32, #tpu.memory_space<vmem>>, vector<6x16x512xf32>,
    %broadcast_in_dim3A_4 = arith.constant 4.096000e+03 : f32
    %broadcast_in_dim3A_5 = vector.broadcast %broadcast_in_dim3A_4 : f32 to vector<4x16x512xf32>
    %swap3A_6 = arith.constant 0 : index
    %swap3A_7 = arith.constant 0 : index
    %swap3A_8 = arith.constant 0 : index
    %swap3A_9 = vector.load %arg7[%swap3A_6, %swap3A_7, %swap3A_8] : memref<5x16x512xf32, #tpu.memory_space<vmem>>, vector<4x16x512xf32>
    tpu.vector_store %arg7[%swap3A_6, %swap3A_7, %swap3A_8], %broadcast_in_dim3A_5 {strides = array<i32>} : memref<5x16x512xf32, #tpu.memory_space<vmem>>, vector<4x16x512xf32>,
    %broadcast_in_dim3A_10 = arith.constant 0.000000e+00 : f32
    %broadcast_in_dim3A_11 = vector.broadcast %broadcast_in_dim3A_10 : f32 to vector<1x16x512xf32>
    %swap3A_12 = arith.constant 4 : index
    %swap3A_13 = arith.constant 0 : index
    %swap3A_14 = arith.constant 0 : index
    %swap3A_15 = vector.load %arg7[%swap3A_12, %swap3A_13, %swap3A_14] : memref<5x16x512xf32, #tpu.memory_space<vmem>>, vector<1x16x512xf32>
    tpu.vector_store %arg7[%swap3A_12, %swap3A_13, %swap3A_14], %broadcast_in_dim3A_11 {strides = array<i32>} : memref<5x16x512xf32, #tpu.memory_space<vmem>>, vector<1x16x512xf32>,
    %get3A = arith.constant 0 : index
    %get3A_16 = arith.constant 0 : index
    %get3A_17 = arith.constant 0 : index
    %get3A_18 = arith.constant 0 : index
    %get3A_19 = vector.load %arg2[%get3A, %get3A_16, %get3A_17, %get3A_18] : memref<16x2x5x512xf32, #tpu.memory_space<vmem>>, vector<16x1x1x512xf32>
    %get3A_20 = vector.shape_cast %get3A_19 : vector<16x1x1x512xf32> to vector<16x512xf32>
    %swap3A_21 = arith.constant 0 : index
    %swap3A_22 = arith.constant 0 : index
    %swap3A_23 = vector.load %arg5[%swap3A_21, %swap3A_22] : memref<16x1024xf32, #tpu.memory_space<vmem>>, vector<16x512xf32>
    tpu.vector_store %arg5[%swap3A_21, %swap3A_22], %get3A_20 {strides = array<i32>} : memref<16x1024xf32, #tpu.memory_space<vmem>>, vector<16x512xf32>,
    %get3A_24 = arith.constant 0 : index
    %get3A_25 = arith.constant 1 : index
    %get3A_26 = arith.constant 0 : index
    %get3A_27 = arith.constant 0 : index
    %get3A_28 = vector.load %arg2[%get3A_24, %get3A_25, %get3A_26, %get3A_27] : memref<16x2x5x512xf32, #tpu.memory_space<vmem>>, vector<16x1x1x512xf32>
    %get3A_29 = vector.shape_cast %get3A_28 : vector<16x1x1x512xf32> to vector<16x512xf32>
    %swap3A_30 = arith.constant 0 : index
    %swap3A_31 = arith.constant 512 : index
    %swap3A_32 = vector.load %arg5[%swap3A_30, %swap3A_31] : memref<16x1024xf32, #tpu.memory_space<vmem>>, vector<16x512xf32>
    tpu.vector_store %arg5[%swap3A_30, %swap3A_31], %get3A_29 {strides = array<i32>} : memref<16x1024xf32, #tpu.memory_space<vmem>>, vector<16x512xf32>,
    %get3A_33 = arith.constant 0 : index
    %get3A_34 = arith.constant 0 : index
    %get3A_35 = arith.constant 1 : index
    %get3A_36 = arith.constant 0 : index
    %get3A_37 = vector.load %arg2[%get3A_33, %get3A_34, %get3A_35, %get3A_36] : memref<16x2x5x512xf32, #tpu.memory_space<vmem>>, vector<16x1x1x512xf32>
    %get3A_38 = vector.shape_cast %get3A_37 : vector<16x1x1x512xf32> to vector<16x512xf32>
    %swap3A_39 = arith.constant 0 : index
    %swap3A_40 = arith.constant 0 : index
    %swap3A_41 = arith.constant 0 : index
    %swap3A_42 = vector.load %arg6[%swap3A_39, %swap3A_40, %swap3A_41] : memref<4x16x1024xf32, #tpu.memory_space<vmem>>, vector<1x16x512xf32>
    %swap3A_43 = vector.shape_cast %swap3A_42 : vector<1x16x512xf32> to vector<16x512xf32>
    %swap3A_44 = vector.shape_cast %get3A_38 : vector<16x512xf32> to vector<1x16x512xf32>
    tpu.vector_store %arg6[%swap3A_39, %swap3A_40, %swap3A_41], %swap3A_44 {strides = array<i32>} : memref<4x16x1024xf32, #tpu.memory_space<vmem>>, vector<1x16x512xf32>,
    %get3A_45 = arith.constant 0 : index
    %get3A_46 = arith.constant 1 : index
    %get3A_47 = arith.constant 1 : index
    %get3A_48 = arith.constant 0 : index
    %get3A_49 = vector.load %arg2[%get3A_45, %get3A_46, %get3A_47, %get3A_48] : memref<16x2x5x512xf32, #tpu.memory_space<vmem>>, vector<16x1x1x512xf32>
    %get3A_50 = vector.shape_cast %get3A_49 : vector<16x1x1x512xf32> to vector<16x512xf32>
    %swap3A_51 = arith.constant 0 : index
    %swap3A_52 = arith.constant 0 : index
    %swap3A_53 = arith.constant 512 : index
    %swap3A_54 = vector.load %arg6[%swap3A_51, %swap3A_52, %swap3A_53] : memref<4x16x1024xf32, #tpu.memory_space<vmem>>, vector<1x16x512xf32>
    %swap3A_55 = vector.shape_cast %swap3A_54 : vector<1x16x512xf32> to vector<16x512xf32>
    %swap3A_56 = vector.shape_cast %get3A_50 : vector<16x512xf32> to vector<1x16x512xf32>
    tpu.vector_store %arg6[%swap3A_51, %swap3A_52, %swap3A_53], %swap3A_56 {strides = array<i32>} : memref<4x16x1024xf32, #tpu.memory_space<vmem>>, vector<1x16x512xf32>,
    %get3A_57 = arith.constant 0 : index
    %get3A_58 = arith.constant 0 : index
    %get3A_59 = arith.constant 2 : index
    %get3A_60 = arith.constant 0 : index
    %get3A_61 = vector.load %arg2[%get3A_57, %get3A_58, %get3A_59, %get3A_60] : memref<16x2x5x512xf32, #tpu.memory_space<vmem>>, vector<16x1x1x512xf32>
    %get3A_62 = vector.shape_cast %get3A_61 : vector<16x1x1x512xf32> to vector<16x512xf32>
    %swap3A_63 = arith.constant 1 : index
    %swap3A_64 = arith.constant 0 : index
    %swap3A_65 = arith.constant 0 : index
    %swap3A_66 = vector.load %arg6[%swap3A_63, %swap3A_64, %swap3A_65] : memref<4x16x1024xf32, #tpu.memory_space<vmem>>, vector<1x16x512xf32>
    %swap3A_67 = vector.shape_cast %swap3A_66 : vector<1x16x512xf32> to vector<16x512xf32>
    %swap3A_68 = vector.shape_cast %get3A_62 : vector<16x512xf32> to vector<1x16x512xf32>
    tpu.vector_store %arg6[%swap3A_63, %swap3A_64, %swap3A_65], %swap3A_68 {strides = array<i32>} : memref<4x16x1024xf32, #tpu.memory_space<vmem>>, vector<1x16x512xf32>,
    %get3A_69 = arith.constant 0 : index
    %get3A_70 = arith.constant 1 : index
    %get3A_71 = arith.constant 2 : index
    %get3A_72 = arith.constant 0 : index
    %get3A_73 = vector.load %arg2[%get3A_69, %get3A_70, %get3A_71, %get3A_72] : memref<16x2x5x512xf32, #tpu.memory_space<vmem>>, vector<16x1x1x512xf32>
    %get3A_74 = vector.shape_cast %get3A_73 : vector<16x1x1x512xf32> to vector<16x512xf32>
    %swap3A_75 = arith.constant 1 : index
    %swap3A_76 = arith.constant 0 : index
    %swap3A_77 = arith.constant 512 : index
    %swap3A_78 = vector.load %arg6[%swap3A_75, %swap3A_76, %swap3A_77] : memref<4x16x1024xf32, #tpu.memory_space<vmem>>, vector<1x16x512xf32>
    %swap3A_79 = vector.shape_cast %swap3A_78 : vector<1x16x512xf32> to vector<16x512xf32>
    %swap3A_80 = vector.shape_cast %get3A_74 : vector<16x512xf32> to vector<1x16x512xf32>
    tpu.vector_store %arg6[%swap3A_75, %swap3A_76, %swap3A_77], %swap3A_80 {strides = array<i32>} : memref<4x16x1024xf32, #tpu.memory_space<vmem>>, vector<1x16x512xf32>,
    %get3A_81 = arith.constant 0 : index
    %get3A_82 = arith.constant 0 : index
    %get3A_83 = arith.constant 3 : index
    %get3A_84 = arith.constant 0 : index
    %get3A_85 = vector.load %arg2[%get3A_81, %get3A_82, %get3A_83, %get3A_84] : memref<16x2x5x512xf32, #tpu.memory_space<vmem>>, vector<16x1x1x512xf32>
    %get3A_86 = vector.shape_cast %get3A_85 : vector<16x1x1x512xf32> to vector<16x512xf32>
    %swap3A_87 = arith.constant 2 : index
    %swap3A_88 = arith.constant 0 : index
    %swap3A_89 = arith.constant 0 : index
    %swap3A_90 = vector.load %arg6[%swap3A_87, %swap3A_88, %swap3A_89] : memref<4x16x1024xf32, #tpu.memory_space<vmem>>, vector<1x16x512xf32>
    %swap3A_91 = vector.shape_cast %swap3A_90 : vector<1x16x512xf32> to vector<16x512xf32>
    %swap3A_92 = vector.shape_cast %get3A_86 : vector<16x512xf32> to vector<1x16x512xf32>
    tpu.vector_store %arg6[%swap3A_87, %swap3A_88, %swap3A_89], %swap3A_92 {strides = array<i32>} : memref<4x16x1024xf32, #tpu.memory_space<vmem>>, vector<1x16x512xf32>,
    %get3A_93 = arith.constant 0 : index
    %get3A_94 = arith.constant 1 : index
    %get3A_95 = arith.constant 3 : index
    %get3A_96 = arith.constant 0 : index
    %get3A_97 = vector.load %arg2[%get3A_93, %get3A_94, %get3A_95, %get3A_96] : memref<16x2x5x512xf32, #tpu.memory_space<vmem>>, vector<16x1x1x512xf32>
    %get3A_98 = vector.shape_cast %get3A_97 : vector<16x1x1x512xf32> to vector<16x512xf32>
    %swap3A_99 = arith.constant 2 : index
    %swap3A_100 = arith.constant 0 : index
    %swap3A_101 = arith.constant 512 : index
    %swap3A_102 = vector.load %arg6[%swap3A_99, %swap3A_100, %swap3A_101] : memref<4x16x1024xf32, #tpu.memory_space<vmem>>, vector<1x16x512xf32>
    %swap3A_103 = vector.shape_cast %swap3A_102 : vector<1x16x512xf32> to vector<16x512xf32>
    %swap3A_104 = vector.shape_cast %get3A_98 : vector<16x512xf32> to vector<1x16x512xf32>
    tpu.vector_store %arg6[%swap3A_99, %swap3A_100, %swap3A_101], %swap3A_104 {strides = array<i32>} : memref<4x16x1024xf32, #tpu.memory_space<vmem>>, vector<1x16x512xf32>,
    %get3A_105 = arith.constant 0 : index
    %get3A_106 = arith.constant 0 : index
    %get3A_107 = arith.constant 4 : index
    %get3A_108 = arith.constant 0 : index
    %get3A_109 = vector.load %arg2[%get3A_105, %get3A_106, %get3A_107, %get3A_108] : memref<16x2x5x512xf32, #tpu.memory_space<vmem>>, vector<16x1x1x512xf32>
    %get3A_110 = vector.shape_cast %get3A_109 : vector<16x1x1x512xf32> to vector<16x512xf32>
    %swap3A_111 = arith.constant 3 : index
    %swap3A_112 = arith.constant 0 : index
    %swap3A_113 = arith.constant 0 : index
    %swap3A_114 = vector.load %arg6[%swap3A_111, %swap3A_112, %swap3A_113] : memref<4x16x1024xf32, #tpu.memory_space<vmem>>, vector<1x16x512xf32>
    %swap3A_115 = vector.shape_cast %swap3A_114 : vector<1x16x512xf32> to vector<16x512xf32>
    %swap3A_116 = vector.shape_cast %get3A_110 : vector<16x512xf32> to vector<1x16x512xf32>
    tpu.vector_store %arg6[%swap3A_111, %swap3A_112, %swap3A_113], %swap3A_116 {strides = array<i32>} : memref<4x16x1024xf32, #tpu.memory_space<vmem>>, vector<1x16x512xf32>,
    %get3A_117 = arith.constant 0 : index
    %get3A_118 = arith.constant 1 : index
    %get3A_119 = arith.constant 4 : index
    %get3A_120 = arith.constant 0 : index
    %get3A_121 = vector.load %arg2[%get3A_117, %get3A_118, %get3A_119, %get3A_120] : memref<16x2x5x512xf32, #tpu.memory_space<vmem>>, vector<16x1x1x512xf32>
    %get3A_122 = vector.shape_cast %get3A_121 : vector<16x1x1x512xf32> to vector<16x512xf32>
    %swap3A_123 = arith.constant 3 : index
    %swap3A_124 = arith.constant 0 : index
    %swap3A_125 = arith.constant 512 : index
    %swap3A_126 = vector.load %arg6[%swap3A_123, %swap3A_124, %swap3A_125] : memref<4x16x1024xf32, #tpu.memory_space<vmem>>, vector<1x16x512xf32>
    %swap3A_127 = vector.shape_cast %swap3A_126 : vector<1x16x512xf32> to vector<16x512xf32>
    %swap3A_128 = vector.shape_cast %get3A_122 : vector<16x512xf32> to vector<1x16x512xf32>
    tpu.vector_store %arg6[%swap3A_123, %swap3A_124, %swap3A_125], %swap3A_128 {strides = array<i32>} : memref<4x16x1024xf32, #tpu.memory_space<vmem>>, vector<1x16x512xf32>,
    %iota3A = tpu.iota {dimensions = array<i32: 1>} : vector<16x1024xi32>
    %iota3A_129 = tpu.iota {dimensions = array<i32: 1>} : vector<16x20480xi32>
    %iota3A_130 = tpu.iota {dimensions = array<i32: 1>} : vector<16x512xi32>
    %broadcast_in_dim3A_131 = arith.constant 0 : i32
    %broadcast_in_dim3A_132 = vector.broadcast %broadcast_in_dim3A_131 : i32 to vector<16x1xi32>
    %while3A = arith.constant true
    %while3A_133:2 = scf.while (%while3A_161 = %broadcast_in_dim3A_132, %while3A_162 = %while3A) : (vector<16x1xi32>, i1) -> (vector<16x1xi32>, i1) {
      scf.condition(%while3A_162) %while3A_161, %while3A_162 : vector<16x1xi32>, i1
    } do {
    ^bb0(%while3A_161: vector<16x1xi32>, %while3A_162: i1):
      %get3A_163 = arith.constant 0 : index
      %get3A_164 = arith.constant 0 : index
      %get3A_165 = vector.load %arg5[%get3A_163, %get3A_164] : memref<16x1024xf32, #tpu.memory_space<vmem>>, vector<16x1024xf32>
      %reduce_max3A = arith.constant dense<0xFF800000> : vector<16xf32>
      %reduce_max3A_166 = vector.multi_reduction <maximumf>, %get3A_165, %reduce_max3A [1] : vector<16x1024xf32> to vector<16xf32>
      %broadcast_in_dim3A_167 = vector.shape_cast %reduce_max3A_166 : vector<16xf32> to vector<16x1xf32>
      %eq3A = vector.broadcast %broadcast_in_dim3A_167 : vector<16x1xf32> to vector<16x1024xf32>
      %eq3A_168 = arith.cmpf oeq, %get3A_165, %eq3A : vector<16x1024xf32>
      %jit3A_169 = arith.constant 1024 : i32
      %broadcast_in_dim3A_170 = vector.broadcast %jit3A_169 : i32 to vector<16x1024xi32>
      %select_n3A_171 = arith.select %eq3A_168, %iota3A, %broadcast_in_dim3A_170 : vector<16x1024xi1>, vector<16x1024xi32>
      %reduce_min3A = arith.constant dense<2147483647> : vector<16xi32>
      %reduce_min3A_172 = vector.multi_reduction <minsi>, %select_n3A_171, %reduce_min3A [1] : vector<16x1024xi32> to vector<16xi32>
      %broadcast_in_dim3A_173 = vector.shape_cast %reduce_min3A_172 : vector<16xi32> to vector<16x1xi32>
      %eq3A_174 = vector.broadcast %broadcast_in_dim3A_173 : vector<16x1xi32> to vector<16x1024xi32>
      %eq3A_175 = arith.cmpi eq, %iota3A, %eq3A_174 : vector<16x1024xi32>
      %jit3A_176 = arith.constant 0xFF800000 : f32
      %broadcast_in_dim3A_177 = vector.broadcast %jit3A_176 : f32 to vector<16x1024xf32>
      %select_n3A_178 = arith.select %eq3A_175, %broadcast_in_dim3A_177, %get3A_165 : vector<16x1024xi1>, vector<16x1024xf32>
      %reduce_max3A_179 = arith.constant dense<0xFF800000> : vector<16xf32>
      %reduce_max3A_180 = vector.multi_reduction <maximumf>, %select_n3A_178, %reduce_max3A_179 [1] : vector<16x1024xf32> to vector<16xf32>
      %broadcast_in_dim3A_181 = vector.shape_cast %reduce_max3A_180 : vector<16xf32> to vector<16x1xf32>
      %eq3A_182 = vector.broadcast %broadcast_in_dim3A_181 : vector<16x1xf32> to vector<16x1024xf32>
      %eq3A_183 = arith.cmpf oeq, %select_n3A_178, %eq3A_182 : vector<16x1024xf32>
      %jit3A_184 = arith.constant 1024 : i32
      %broadcast_in_dim3A_185 = vector.broadcast %jit3A_184 : i32 to vector<16x1024xi32>
      %select_n3A_186 = arith.select %eq3A_183, %iota3A, %broadcast_in_dim3A_185 : vector<16x1024xi1>, vector<16x1024xi32>
      %reduce_min3A_187 = arith.constant dense<2147483647> : vector<16xi32>
      %reduce_min3A_188 = vector.multi_reduction <minsi>, %select_n3A_186, %reduce_min3A_187 [1] : vector<16x1024xi32> to vector<16xi32>
      %broadcast_in_dim3A_189 = vector.shape_cast %reduce_min3A_188 : vector<16xi32> to vector<16x1xi32>
      %eq3A_190 = vector.broadcast %broadcast_in_dim3A_189 : vector<16x1xi32> to vector<16x1024xi32>
      %eq3A_191 = arith.cmpi eq, %iota3A, %eq3A_190 : vector<16x1024xi32>
      %or3A = arith.ori %eq3A_175, %eq3A_191 : vector<16x1024xi1>
      %jit3A_192 = arith.constant 0xFF800000 : f32
      %broadcast_in_dim3A_193 = vector.broadcast %jit3A_192 : f32 to vector<16x1024xf32>
      %select_n3A_194 = arith.select %or3A, %broadcast_in_dim3A_193, %get3A_165 : vector<16x1024xi1>, vector<16x1024xf32>
      %swap3A_195 = arith.constant 0 : index
      %swap3A_196 = arith.constant 0 : index
      %swap3A_197 = vector.load %arg5[%swap3A_195, %swap3A_196] : memref<16x1024xf32, #tpu.memory_space<vmem>>, vector<16x1024xf32>
      tpu.vector_store %arg5[%swap3A_195, %swap3A_196], %select_n3A_194 {strides = array<i32>} : memref<16x1024xf32, #tpu.memory_space<vmem>>, vector<16x1024xf32>,
      %get3A_198 = arith.constant 0 : index
      %get3A_199 = arith.constant 0 : index
      %get3A_200 = arith.constant 0 : index
      %get3A_201 = vector.load %arg6[%get3A_198, %get3A_199, %get3A_200] : memref<4x16x1024xf32, #tpu.memory_space<vmem>>, vector<1x16x1024xf32>
      %get3A_202 = vector.shape_cast %get3A_201 : vector<1x16x1024xf32> to vector<16x1024xf32>
      %jit3A_203 = arith.constant 0.000000e+00 : f32
      %broadcast_in_dim3A_204 = vector.broadcast %jit3A_203 : f32 to vector<16x1024xf32>
      %select_n3A_205 = arith.select %eq3A_175, %get3A_202, %broadcast_in_dim3A_204 : vector<16x1024xi1>, vector<16x1024xf32>
      %reduce_sum3A = arith.constant dense<0.000000e+00> : vector<16xf32>
      %reduce_sum3A_206 = vector.multi_reduction <add>, %select_n3A_205, %reduce_sum3A [1] : vector<16x1024xf32> to vector<16xf32>
      %broadcast_in_dim3A_207 = vector.shape_cast %reduce_sum3A_206 : vector<16xf32> to vector<16x1xf32>
      %get3A_208 = arith.constant 1 : index
      %get3A_209 = arith.constant 0 : index
      %get3A_210 = arith.constant 0 : index
      %get3A_211 = vector.load %arg6[%get3A_208, %get3A_209, %get3A_210] : memref<4x16x1024xf32, #tpu.memory_space<vmem>>, vector<1x16x1024xf32>
      %get3A_212 = vector.shape_cast %get3A_211 : vector<1x16x1024xf32> to vector<16x1024xf32>
      %jit3A_213 = arith.constant 0.000000e+00 : f32
      %broadcast_in_dim3A_214 = vector.broadcast %jit3A_213 : f32 to vector<16x1024xf32>
      %select_n3A_215 = arith.select %eq3A_175, %get3A_212, %broadcast_in_dim3A_214 : vector<16x1024xi1>, vector<16x1024xf32>
      %reduce_sum3A_216 = arith.constant dense<0.000000e+00> : vector<16xf32>
      %reduce_sum3A_217 = vector.multi_reduction <add>, %select_n3A_215, %reduce_sum3A_216 [1] : vector<16x1024xf32> to vector<16xf32>
      %broadcast_in_dim3A_218 = vector.shape_cast %reduce_sum3A_217 : vector<16xf32> to vector<16x1xf32>
      %get3A_219 = arith.constant 2 : index
      %get3A_220 = arith.constant 0 : index
      %get3A_221 = arith.constant 0 : index
      %get3A_222 = vector.load %arg6[%get3A_219, %get3A_220, %get3A_221] : memref<4x16x1024xf32, #tpu.memory_space<vmem>>, vector<1x16x1024xf32>
      %get3A_223 = vector.shape_cast %get3A_222 : vector<1x16x1024xf32> to vector<16x1024xf32>
      %jit3A_224 = arith.constant 0.000000e+00 : f32
      %broadcast_in_dim3A_225 = vector.broadcast %jit3A_224 : f32 to vector<16x1024xf32>
      %select_n3A_226 = arith.select %eq3A_175, %get3A_223, %broadcast_in_dim3A_225 : vector<16x1024xi1>, vector<16x1024xf32>
      %reduce_sum3A_227 = arith.constant dense<0.000000e+00> : vector<16xf32>
      %reduce_sum3A_228 = vector.multi_reduction <add>, %select_n3A_226, %reduce_sum3A_227 [1] : vector<16x1024xf32> to vector<16xf32>
      %broadcast_in_dim3A_229 = vector.shape_cast %reduce_sum3A_228 : vector<16xf32> to vector<16x1xf32>
      %get3A_230 = arith.constant 3 : index
      %get3A_231 = arith.constant 0 : index
      %get3A_232 = arith.constant 0 : index
      %get3A_233 = vector.load %arg6[%get3A_230, %get3A_231, %get3A_232] : memref<4x16x1024xf32, #tpu.memory_space<vmem>>, vector<1x16x1024xf32>
      %get3A_234 = vector.shape_cast %get3A_233 : vector<1x16x1024xf32> to vector<16x1024xf32>
      %jit3A_235 = arith.constant 0.000000e+00 : f32
      %broadcast_in_dim3A_236 = vector.broadcast %jit3A_235 : f32 to vector<16x1024xf32>
      %select_n3A_237 = arith.select %eq3A_175, %get3A_234, %broadcast_in_dim3A_236 : vector<16x1024xi1>, vector<16x1024xf32>
      %reduce_sum3A_238 = arith.constant dense<0.000000e+00> : vector<16xf32>
      %reduce_sum3A_239 = vector.multi_reduction <add>, %select_n3A_237, %reduce_sum3A_238 [1] : vector<16x1024xf32> to vector<16xf32>
      %broadcast_in_dim3A_240 = vector.shape_cast %reduce_sum3A_239 : vector<16xf32> to vector<16x1xf32>
      %get3A_241 = arith.constant 0 : index
      %get3A_242 = arith.constant 0 : index
      %get3A_243 = arith.constant 0 : index
      %get3A_244 = vector.load %arg6[%get3A_241, %get3A_242, %get3A_243] : memref<4x16x1024xf32, #tpu.memory_space<vmem>>, vector<1x16x1024xf32>
      %get3A_245 = vector.shape_cast %get3A_244 : vector<1x16x1024xf32> to vector<16x1024xf32>
      %jit3A_246 = arith.constant 0.000000e+00 : f32
      %broadcast_in_dim3A_247 = vector.broadcast %jit3A_246 : f32 to vector<16x1024xf32>
      %select_n3A_248 = arith.select %eq3A_191, %get3A_245, %broadcast_in_dim3A_247 : vector<16x1024xi1>, vector<16x1024xf32>
      %reduce_sum3A_249 = arith.constant dense<0.000000e+00> : vector<16xf32>
      %reduce_sum3A_250 = vector.multi_reduction <add>, %select_n3A_248, %reduce_sum3A_249 [1] : vector<16x1024xf32> to vector<16xf32>
      %broadcast_in_dim3A_251 = vector.shape_cast %reduce_sum3A_250 : vector<16xf32> to vector<16x1xf32>
      %get3A_252 = arith.constant 1 : index
      %get3A_253 = arith.constant 0 : index
      %get3A_254 = arith.constant 0 : index
      %get3A_255 = vector.load %arg6[%get3A_252, %get3A_253, %get3A_254] : memref<4x16x1024xf32, #tpu.memory_space<vmem>>, vector<1x16x1024xf32>
      %get3A_256 = vector.shape_cast %get3A_255 : vector<1x16x1024xf32> to vector<16x1024xf32>
      %jit3A_257 = arith.constant 0.000000e+00 : f32
      %broadcast_in_dim3A_258 = vector.broadcast %jit3A_257 : f32 to vector<16x1024xf32>
      %select_n3A_259 = arith.select %eq3A_191, %get3A_256, %broadcast_in_dim3A_258 : vector<16x1024xi1>, vector<16x1024xf32>
      %reduce_sum3A_260 = arith.constant dense<0.000000e+00> : vector<16xf32>
      %reduce_sum3A_261 = vector.multi_reduction <add>, %select_n3A_259, %reduce_sum3A_260 [1] : vector<16x1024xf32> to vector<16xf32>
      %broadcast_in_dim3A_262 = vector.shape_cast %reduce_sum3A_261 : vector<16xf32> to vector<16x1xf32>
      %get3A_263 = arith.constant 2 : index
      %get3A_264 = arith.constant 0 : index
      %get3A_265 = arith.constant 0 : index
      %get3A_266 = vector.load %arg6[%get3A_263, %get3A_264, %get3A_265] : memref<4x16x1024xf32, #tpu.memory_space<vmem>>, vector<1x16x1024xf32>
      %get3A_267 = vector.shape_cast %get3A_266 : vector<1x16x1024xf32> to vector<16x1024xf32>
      %jit3A_268 = arith.constant 0.000000e+00 : f32
      %broadcast_in_dim3A_269 = vector.broadcast %jit3A_268 : f32 to vector<16x1024xf32>
      %select_n3A_270 = arith.select %eq3A_191, %get3A_267, %broadcast_in_dim3A_269 : vector<16x1024xi1>, vector<16x1024xf32>
      %reduce_sum3A_271 = arith.constant dense<0.000000e+00> : vector<16xf32>
      %reduce_sum3A_272 = vector.multi_reduction <add>, %select_n3A_270, %reduce_sum3A_271 [1] : vector<16x1024xf32> to vector<16xf32>
      %broadcast_in_dim3A_273 = vector.shape_cast %reduce_sum3A_272 : vector<16xf32> to vector<16x1xf32>
      %get3A_274 = arith.constant 3 : index
      %get3A_275 = arith.constant 0 : index
      %get3A_276 = arith.constant 0 : index
      %get3A_277 = vector.load %arg6[%get3A_274, %get3A_275, %get3A_276] : memref<4x16x1024xf32, #tpu.memory_space<vmem>>, vector<1x16x1024xf32>
      %get3A_278 = vector.shape_cast %get3A_277 : vector<1x16x1024xf32> to vector<16x1024xf32>
      %jit3A_279 = arith.constant 0.000000e+00 : f32
      %broadcast_in_dim3A_280 = vector.broadcast %jit3A_279 : f32 to vector<16x1024xf32>
      %select_n3A_281 = arith.select %eq3A_191, %get3A_278, %broadcast_in_dim3A_280 : vector<16x1024xi1>, vector<16x1024xf32>
      %reduce_sum3A_282 = arith.constant dense<0.000000e+00> : vector<16xf32>
      %reduce_sum3A_283 = vector.multi_reduction <add>, %select_n3A_281, %reduce_sum3A_282 [1] : vector<16x1024xf32> to vector<16xf32>
      %broadcast_in_dim3A_284 = vector.shape_cast %reduce_sum3A_283 : vector<16xf32> to vector<16x1xf32>
      %sub3A = arith.subf %broadcast_in_dim3A_229, %broadcast_in_dim3A_207 : vector<16x1xf32>
      %max3A = arith.constant 0.000000e+00 : f32
      %max3A_285 = vector.broadcast %max3A : f32 to vector<16x1xf32>
      %max3A_286 = arith.maximumf %sub3A, %max3A_285 : vector<16x1xf32>
      %sub3A_287 = arith.subf %broadcast_in_dim3A_240, %broadcast_in_dim3A_218 : vector<16x1xf32>
      %max3A_288 = arith.constant 0.000000e+00 : f32
      %max3A_289 = vector.broadcast %max3A_288 : f32 to vector<16x1xf32>
      %max3A_290 = arith.maximumf %sub3A_287, %max3A_289 : vector<16x1xf32>
      %mul3A = arith.mulf %max3A_286, %max3A_290 : vector<16x1xf32>
      %sub3A_291 = arith.subf %broadcast_in_dim3A_273, %broadcast_in_dim3A_251 : vector<16x1xf32>
      %max3A_292 = arith.constant 0.000000e+00 : f32
      %max3A_293 = vector.broadcast %max3A_292 : f32 to vector<16x1xf32>
      %max3A_294 = arith.maximumf %sub3A_291, %max3A_293 : vector<16x1xf32>
      %sub3A_295 = arith.subf %broadcast_in_dim3A_284, %broadcast_in_dim3A_262 : vector<16x1xf32>
      %max3A_296 = arith.constant 0.000000e+00 : f32
      %max3A_297 = vector.broadcast %max3A_296 : f32 to vector<16x1xf32>
      %max3A_298 = arith.maximumf %sub3A_295, %max3A_297 : vector<16x1xf32>
      %mul3A_299 = arith.mulf %max3A_294, %max3A_298 : vector<16x1xf32>
      %get3A_300 = arith.constant 2 : index
      %get3A_301 = arith.constant 0 : index
      %get3A_302 = arith.constant 0 : index
      %get3A_303 = vector.load %arg7[%get3A_300, %get3A_301, %get3A_302] : memref<5x16x512xf32, #tpu.memory_space<vmem>>, vector<1x16x512xf32>
      %get3A_304 = vector.shape_cast %get3A_303 : vector<1x16x512xf32> to vector<16x512xf32>
      %min3A = vector.broadcast %broadcast_in_dim3A_229 : vector<16x1xf32> to vector<16x512xf32>
      %min3A_305 = arith.minimumf %min3A, %get3A_304 : vector<16x512xf32>
      %get3A_306 = arith.constant 0 : index
      %get3A_307 = arith.constant 0 : index
      %get3A_308 = arith.constant 0 : index
      %get3A_309 = vector.load %arg7[%get3A_306, %get3A_307, %get3A_308] : memref<5x16x512xf32, #tpu.memory_space<vmem>>, vector<1x16x512xf32>
      %get3A_310 = vector.shape_cast %get3A_309 : vector<1x16x512xf32> to vector<16x512xf32>
      %max3A_311 = vector.broadcast %broadcast_in_dim3A_207 : vector<16x1xf32> to vector<16x512xf32>
      %max3A_312 = arith.maximumf %max3A_311, %get3A_310 : vector<16x512xf32>
      %sub3A_313 = arith.subf %min3A_305, %max3A_312 : vector<16x512xf32>
      %max3A_314 = arith.constant 0.000000e+00 : f32
      %max3A_315 = vector.broadcast %max3A_314 : f32 to vector<16x512xf32>
      %max3A_316 = arith.maximumf %sub3A_313, %max3A_315 : vector<16x512xf32>
      %get3A_317 = arith.constant 3 : index
      %get3A_318 = arith.constant 0 : index
      %get3A_319 = arith.constant 0 : index
      %get3A_320 = vector.load %arg7[%get3A_317, %get3A_318, %get3A_319] : memref<5x16x512xf32, #tpu.memory_space<vmem>>, vector<1x16x512xf32>
      %get3A_321 = vector.shape_cast %get3A_320 : vector<1x16x512xf32> to vector<16x512xf32>
      %min3A_322 = vector.broadcast %broadcast_in_dim3A_240 : vector<16x1xf32> to vector<16x512xf32>
      %min3A_323 = arith.minimumf %min3A_322, %get3A_321 : vector<16x512xf32>
      %get3A_324 = arith.constant 1 : index
      %get3A_325 = arith.constant 0 : index
      %get3A_326 = arith.constant 0 : index
      %get3A_327 = vector.load %arg7[%get3A_324, %get3A_325, %get3A_326] : memref<5x16x512xf32, #tpu.memory_space<vmem>>, vector<1x16x512xf32>
      %get3A_328 = vector.shape_cast %get3A_327 : vector<1x16x512xf32> to vector<16x512xf32>
      %max3A_329 = vector.broadcast %broadcast_in_dim3A_218 : vector<16x1xf32> to vector<16x512xf32>
      %max3A_330 = arith.maximumf %max3A_329, %get3A_328 : vector<16x512xf32>
      %sub3A_331 = arith.subf %min3A_323, %max3A_330 : vector<16x512xf32>
      %max3A_332 = arith.constant 0.000000e+00 : f32
      %max3A_333 = vector.broadcast %max3A_332 : f32 to vector<16x512xf32>
      %max3A_334 = arith.maximumf %sub3A_331, %max3A_333 : vector<16x512xf32>
      %mul3A_335 = arith.mulf %max3A_316, %max3A_334 : vector<16x512xf32>
      %get3A_336 = arith.constant 4 : index
      %get3A_337 = arith.constant 0 : index
      %get3A_338 = arith.constant 0 : index
      %get3A_339 = vector.load %arg7[%get3A_336, %get3A_337, %get3A_338] : memref<5x16x512xf32, #tpu.memory_space<vmem>>, vector<1x16x512xf32>
      %get3A_340 = vector.shape_cast %get3A_339 : vector<1x16x512xf32> to vector<16x512xf32>
      %add3A = vector.broadcast %mul3A : vector<16x1xf32> to vector<16x512xf32>
      %add3A_341 = arith.addf %get3A_340, %add3A : vector<16x512xf32>
      %sub3A_342 = arith.subf %add3A_341, %mul3A_335 : vector<16x512xf32>
      %add3A_343 = arith.constant 1.000000e-07 : f32
      %add3A_344 = vector.broadcast %add3A_343 : f32 to vector<16x512xf32>
      %add3A_345 = arith.addf %sub3A_342, %add3A_344 : vector<16x512xf32>
      %div3A = arith.divf %mul3A_335, %add3A_345 : vector<16x512xf32>
      %gt3A_346 = arith.constant 4.500000e-01 : f32
      %gt3A_347 = vector.broadcast %gt3A_346 : f32 to vector<16x512xf32>
      %gt3A_348 = arith.cmpf ogt, %div3A, %gt3A_347 : vector<16x512xf32>
      %jit3A_349 = arith.constant 1.000000e+00 : f32
      %jit3A_350 = arith.constant 0.000000e+00 : f32
      %broadcast_in_dim3A_351 = vector.broadcast %jit3A_349 : f32 to vector<16x512xf32>
      %broadcast_in_dim3A_352 = vector.broadcast %jit3A_350 : f32 to vector<16x512xf32>
      %select_n3A_353 = arith.select %gt3A_348, %broadcast_in_dim3A_351, %broadcast_in_dim3A_352 : vector<16x512xi1>, vector<16x512xf32>
      %reduce_max3A_354 = arith.constant dense<0xFF800000> : vector<16xf32>
      %reduce_max3A_355 = vector.multi_reduction <maximumf>, %select_n3A_353, %reduce_max3A_354 [1] : vector<16x512xf32> to vector<16xf32>
      %broadcast_in_dim3A_356 = vector.shape_cast %reduce_max3A_355 : vector<16xf32> to vector<16x1xf32>
      %gt3A_357 = arith.constant 0.000000e+00 : f32
      %gt3A_358 = vector.broadcast %gt3A_357 : f32 to vector<16x1xf32>
      %gt3A_359 = arith.cmpf ogt, %broadcast_in_dim3A_356, %gt3A_358 : vector<16x1xf32>
      %get3A_360 = arith.constant 2 : index
      %get3A_361 = arith.constant 0 : index
      %get3A_362 = arith.constant 0 : index
      %get3A_363 = vector.load %arg7[%get3A_360, %get3A_361, %get3A_362] : memref<5x16x512xf32, #tpu.memory_space<vmem>>, vector<1x16x512xf32>
      %get3A_364 = vector.shape_cast %get3A_363 : vector<1x16x512xf32> to vector<16x512xf32>
      %min3A_365 = vector.broadcast %broadcast_in_dim3A_273 : vector<16x1xf32> to vector<16x512xf32>
      %min3A_366 = arith.minimumf %min3A_365, %get3A_364 : vector<16x512xf32>
      %get3A_367 = arith.constant 0 : index
      %get3A_368 = arith.constant 0 : index
      %get3A_369 = arith.constant 0 : index
      %get3A_370 = vector.load %arg7[%get3A_367, %get3A_368, %get3A_369] : memref<5x16x512xf32, #tpu.memory_space<vmem>>, vector<1x16x512xf32>
      %get3A_371 = vector.shape_cast %get3A_370 : vector<1x16x512xf32> to vector<16x512xf32>
      %max3A_372 = vector.broadcast %broadcast_in_dim3A_251 : vector<16x1xf32> to vector<16x512xf32>
      %max3A_373 = arith.maximumf %max3A_372, %get3A_371 : vector<16x512xf32>
      %sub3A_374 = arith.subf %min3A_366, %max3A_373 : vector<16x512xf32>
      %max3A_375 = arith.constant 0.000000e+00 : f32
      %max3A_376 = vector.broadcast %max3A_375 : f32 to vector<16x512xf32>
      %max3A_377 = arith.maximumf %sub3A_374, %max3A_376 : vector<16x512xf32>
      %get3A_378 = arith.constant 3 : index
      %get3A_379 = arith.constant 0 : index
      %get3A_380 = arith.constant 0 : index
      %get3A_381 = vector.load %arg7[%get3A_378, %get3A_379, %get3A_380] : memref<5x16x512xf32, #tpu.memory_space<vmem>>, vector<1x16x512xf32>
      %get3A_382 = vector.shape_cast %get3A_381 : vector<1x16x512xf32> to vector<16x512xf32>
      %min3A_383 = vector.broadcast %broadcast_in_dim3A_284 : vector<16x1xf32> to vector<16x512xf32>
      %min3A_384 = arith.minimumf %min3A_383, %get3A_382 : vector<16x512xf32>
      %get3A_385 = arith.constant 1 : index
      %get3A_386 = arith.constant 0 : index
      %get3A_387 = arith.constant 0 : index
      %get3A_388 = vector.load %arg7[%get3A_385, %get3A_386, %get3A_387] : memref<5x16x512xf32, #tpu.memory_space<vmem>>, vector<1x16x512xf32>
      %get3A_389 = vector.shape_cast %get3A_388 : vector<1x16x512xf32> to vector<16x512xf32>
      %max3A_390 = vector.broadcast %broadcast_in_dim3A_262 : vector<16x1xf32> to vector<16x512xf32>
      %max3A_391 = arith.maximumf %max3A_390, %get3A_389 : vector<16x512xf32>
      %sub3A_392 = arith.subf %min3A_384, %max3A_391 : vector<16x512xf32>
      %max3A_393 = arith.constant 0.000000e+00 : f32
      %max3A_394 = vector.broadcast %max3A_393 : f32 to vector<16x512xf32>
      %max3A_395 = arith.maximumf %sub3A_392, %max3A_394 : vector<16x512xf32>
      %mul3A_396 = arith.mulf %max3A_377, %max3A_395 : vector<16x512xf32>
      %get3A_397 = arith.constant 4 : index
      %get3A_398 = arith.constant 0 : index
      %get3A_399 = arith.constant 0 : index
      %get3A_400 = vector.load %arg7[%get3A_397, %get3A_398, %get3A_399] : memref<5x16x512xf32, #tpu.memory_space<vmem>>, vector<1x16x512xf32>
      %get3A_401 = vector.shape_cast %get3A_400 : vector<1x16x512xf32> to vector<16x512xf32>
      %add3A_402 = vector.broadcast %mul3A_299 : vector<16x1xf32> to vector<16x512xf32>
      %add3A_403 = arith.addf %get3A_401, %add3A_402 : vector<16x512xf32>
      %sub3A_404 = arith.subf %add3A_403, %mul3A_396 : vector<16x512xf32>
      %add3A_405 = arith.constant 1.000000e-07 : f32
      %add3A_406 = vector.broadcast %add3A_405 : f32 to vector<16x512xf32>
      %add3A_407 = arith.addf %sub3A_404, %add3A_406 : vector<16x512xf32>
      %div3A_408 = arith.divf %mul3A_396, %add3A_407 : vector<16x512xf32>
      %gt3A_409 = arith.constant 4.500000e-01 : f32
      %gt3A_410 = vector.broadcast %gt3A_409 : f32 to vector<16x512xf32>
      %gt3A_411 = arith.cmpf ogt, %div3A_408, %gt3A_410 : vector<16x512xf32>
      %jit3A_412 = arith.constant 1.000000e+00 : f32
      %jit3A_413 = arith.constant 0.000000e+00 : f32
      %broadcast_in_dim3A_414 = vector.broadcast %jit3A_412 : f32 to vector<16x512xf32>
      %broadcast_in_dim3A_415 = vector.broadcast %jit3A_413 : f32 to vector<16x512xf32>
      %select_n3A_416 = arith.select %gt3A_411, %broadcast_in_dim3A_414, %broadcast_in_dim3A_415 : vector<16x512xi1>, vector<16x512xf32>
      %reduce_max3A_417 = arith.constant dense<0xFF800000> : vector<16xf32>
      %reduce_max3A_418 = vector.multi_reduction <maximumf>, %select_n3A_416, %reduce_max3A_417 [1] : vector<16x512xf32> to vector<16xf32>
      %broadcast_in_dim3A_419 = vector.shape_cast %reduce_max3A_418 : vector<16xf32> to vector<16x1xf32>
      %gt3A_420 = arith.constant 0.000000e+00 : f32
      %gt3A_421 = vector.broadcast %gt3A_420 : f32 to vector<16x1xf32>
      %gt3A_422 = arith.cmpf ogt, %broadcast_in_dim3A_419, %gt3A_421 : vector<16x1xf32>
      %gt3A_423 = arith.constant 0xFF800000 : f32
      %gt3A_424 = vector.broadcast %gt3A_423 : f32 to vector<16x1xf32>
      %gt3A_425 = arith.cmpf ogt, %broadcast_in_dim3A_167, %gt3A_424 : vector<16x1xf32>
      %not3A = arith.constant dense<true> : vector<16x1xi1>
      %not3A_426 = arith.xori %gt3A_359, %not3A : vector<16x1xi1>
      %and3A = arith.andi %gt3A_425, %not3A_426 : vector<16x1xi1>
      %lt3A_427 = arith.constant 300 : i32
      %lt3A_428 = vector.broadcast %lt3A_427 : i32 to vector<16x1xi32>
      %lt3A_429 = arith.cmpi slt, %while3A_161, %lt3A_428 : vector<16x1xi32>
      %and3A_430 = arith.andi %and3A, %lt3A_429 : vector<16x1xi1>
      %min3A_431 = arith.minimumf %broadcast_in_dim3A_273, %broadcast_in_dim3A_229 : vector<16x1xf32>
      %max3A_432 = arith.maximumf %broadcast_in_dim3A_251, %broadcast_in_dim3A_207 : vector<16x1xf32>
      %sub3A_433 = arith.subf %min3A_431, %max3A_432 : vector<16x1xf32>
      %max3A_434 = arith.constant 0.000000e+00 : f32
      %max3A_435 = vector.broadcast %max3A_434 : f32 to vector<16x1xf32>
      %max3A_436 = arith.maximumf %sub3A_433, %max3A_435 : vector<16x1xf32>
      %min3A_437 = arith.minimumf %broadcast_in_dim3A_284, %broadcast_in_dim3A_240 : vector<16x1xf32>
      %max3A_438 = arith.maximumf %broadcast_in_dim3A_262, %broadcast_in_dim3A_218 : vector<16x1xf32>
      %sub3A_439 = arith.subf %min3A_437, %max3A_438 : vector<16x1xf32>
      %max3A_440 = arith.constant 0.000000e+00 : f32
      %max3A_441 = vector.broadcast %max3A_440 : f32 to vector<16x1xf32>
      %max3A_442 = arith.maximumf %sub3A_439, %max3A_441 : vector<16x1xf32>
      %mul3A_443 = arith.mulf %max3A_436, %max3A_442 : vector<16x1xf32>
      %add3A_444 = arith.addf %mul3A, %mul3A_299 : vector<16x1xf32>
      %sub3A_445 = arith.subf %add3A_444, %mul3A_443 : vector<16x1xf32>
      %add3A_446 = arith.constant 1.000000e-07 : f32
      %add3A_447 = vector.broadcast %add3A_446 : f32 to vector<16x1xf32>
      %add3A_448 = arith.addf %sub3A_445, %add3A_447 : vector<16x1xf32>
      %div3A_449 = arith.divf %mul3A_443, %add3A_448 : vector<16x1xf32>
      %gt3A_450 = arith.constant 4.500000e-01 : f32
      %gt3A_451 = vector.broadcast %gt3A_450 : f32 to vector<16x1xf32>
      %gt3A_452 = arith.cmpf ogt, %div3A_449, %gt3A_451 : vector<16x1xf32>
      %and3A_453 = arith.andi %and3A_430, %gt3A_452 : vector<16x1xi1>
      %or3A_454 = arith.ori %gt3A_422, %and3A_453 : vector<16x1xi1>
      %add3A_455 = arith.constant 1.562500e-03 : f32
      %add3A_456 = vector.broadcast %add3A_455 : f32 to vector<16x1xf32>
      %add3A_457 = arith.addf %broadcast_in_dim3A_207, %add3A_456 : vector<16x1xf32>
      %floor3A = math.floor %add3A_457 : vector<16x1xf32>
      %eq3A_458 = vector.broadcast %while3A_161 : vector<16x1xi32> to vector<16x512xi32>
      %eq3A_459 = arith.cmpi eq, %iota3A_130, %eq3A_458 : vector<16x512xi32>
      %and3A_460 = vector.broadcast %and3A_430 : vector<16x1xi1> to vector<16x512xi1>
      %and3A_461 = arith.andi %eq3A_459, %and3A_460 : vector<16x512xi1>
      %get3A_462 = arith.constant 0 : index
      %get3A_463 = arith.constant 0 : index
      %get3A_464 = arith.constant 0 : index
      %get3A_465 = vector.load %arg7[%get3A_462, %get3A_463, %get3A_464] : memref<5x16x512xf32, #tpu.memory_space<vmem>>, vector<1x16x512xf32>
      %get3A_466 = vector.shape_cast %get3A_465 : vector<1x16x512xf32> to vector<16x512xf32>
      %broadcast_in_dim3A_467 = vector.shape_cast %broadcast_in_dim3A_207 : vector<16x1xf32> to vector<16x1xf32>
      %broadcast_in_dim3A_468 = vector.broadcast %broadcast_in_dim3A_467 : vector<16x1xf32> to vector<16x512xf32>
      %select_n3A_469 = arith.select %and3A_461, %broadcast_in_dim3A_468, %get3A_466 : vector<16x512xi1>, vector<16x512xf32>
      %swap3A_470 = arith.constant 0 : index
      %swap3A_471 = arith.constant 0 : index
      %swap3A_472 = arith.constant 0 : index
      %swap3A_473 = vector.load %arg7[%swap3A_470, %swap3A_471, %swap3A_472] : memref<5x16x512xf32, #tpu.memory_space<vmem>>, vector<1x16x512xf32>
      %swap3A_474 = vector.shape_cast %swap3A_473 : vector<1x16x512xf32> to vector<16x512xf32>
      %swap3A_475 = vector.shape_cast %select_n3A_469 : vector<16x512xf32> to vector<1x16x512xf32>
      tpu.vector_store %arg7[%swap3A_470, %swap3A_471, %swap3A_472], %swap3A_475 {strides = array<i32>} : memref<5x16x512xf32, #tpu.memory_space<vmem>>, vector<1x16x512xf32>,
      %get3A_476 = arith.constant 1 : index
      %get3A_477 = arith.constant 0 : index
      %get3A_478 = arith.constant 0 : index
      %get3A_479 = vector.load %arg7[%get3A_476, %get3A_477, %get3A_478] : memref<5x16x512xf32, #tpu.memory_space<vmem>>, vector<1x16x512xf32>
      %get3A_480 = vector.shape_cast %get3A_479 : vector<1x16x512xf32> to vector<16x512xf32>
      %broadcast_in_dim3A_481 = vector.shape_cast %broadcast_in_dim3A_218 : vector<16x1xf32> to vector<16x1xf32>
      %broadcast_in_dim3A_482 = vector.broadcast %broadcast_in_dim3A_481 : vector<16x1xf32> to vector<16x512xf32>
      %select_n3A_483 = arith.select %and3A_461, %broadcast_in_dim3A_482, %get3A_480 : vector<16x512xi1>, vector<16x512xf32>
      %swap3A_484 = arith.constant 1 : index
      %swap3A_485 = arith.constant 0 : index
      %swap3A_486 = arith.constant 0 : index
      %swap3A_487 = vector.load %arg7[%swap3A_484, %swap3A_485, %swap3A_486] : memref<5x16x512xf32, #tpu.memory_space<vmem>>, vector<1x16x512xf32>
      %swap3A_488 = vector.shape_cast %swap3A_487 : vector<1x16x512xf32> to vector<16x512xf32>
      %swap3A_489 = vector.shape_cast %select_n3A_483 : vector<16x512xf32> to vector<1x16x512xf32>
      tpu.vector_store %arg7[%swap3A_484, %swap3A_485, %swap3A_486], %swap3A_489 {strides = array<i32>} : memref<5x16x512xf32, #tpu.memory_space<vmem>>, vector<1x16x512xf32>,
      %get3A_490 = arith.constant 2 : index
      %get3A_491 = arith.constant 0 : index
      %get3A_492 = arith.constant 0 : index
      %get3A_493 = vector.load %arg7[%get3A_490, %get3A_491, %get3A_492] : memref<5x16x512xf32, #tpu.memory_space<vmem>>, vector<1x16x512xf32>
      %get3A_494 = vector.shape_cast %get3A_493 : vector<1x16x512xf32> to vector<16x512xf32>
      %broadcast_in_dim3A_495 = vector.shape_cast %broadcast_in_dim3A_229 : vector<16x1xf32> to vector<16x1xf32>
      %broadcast_in_dim3A_496 = vector.broadcast %broadcast_in_dim3A_495 : vector<16x1xf32> to vector<16x512xf32>
      %select_n3A_497 = arith.select %and3A_461, %broadcast_in_dim3A_496, %get3A_494 : vector<16x512xi1>, vector<16x512xf32>
      %swap3A_498 = arith.constant 2 : index
      %swap3A_499 = arith.constant 0 : index
      %swap3A_500 = arith.constant 0 : index
      %swap3A_501 = vector.load %arg7[%swap3A_498, %swap3A_499, %swap3A_500] : memref<5x16x512xf32, #tpu.memory_space<vmem>>, vector<1x16x512xf32>
      %swap3A_502 = vector.shape_cast %swap3A_501 : vector<1x16x512xf32> to vector<16x512xf32>
      %swap3A_503 = vector.shape_cast %select_n3A_497 : vector<16x512xf32> to vector<1x16x512xf32>
      tpu.vector_store %arg7[%swap3A_498, %swap3A_499, %swap3A_500], %swap3A_503 {strides = array<i32>} : memref<5x16x512xf32, #tpu.memory_space<vmem>>, vector<1x16x512xf32>,
      %get3A_504 = arith.constant 3 : index
      %get3A_505 = arith.constant 0 : index
      %get3A_506 = arith.constant 0 : index
      %get3A_507 = vector.load %arg7[%get3A_504, %get3A_505, %get3A_506] : memref<5x16x512xf32, #tpu.memory_space<vmem>>, vector<1x16x512xf32>
      %get3A_508 = vector.shape_cast %get3A_507 : vector<1x16x512xf32> to vector<16x512xf32>
      %broadcast_in_dim3A_509 = vector.shape_cast %broadcast_in_dim3A_240 : vector<16x1xf32> to vector<16x1xf32>
      %broadcast_in_dim3A_510 = vector.broadcast %broadcast_in_dim3A_509 : vector<16x1xf32> to vector<16x512xf32>
      %select_n3A_511 = arith.select %and3A_461, %broadcast_in_dim3A_510, %get3A_508 : vector<16x512xi1>, vector<16x512xf32>
      %swap3A_512 = arith.constant 3 : index
      %swap3A_513 = arith.constant 0 : index
      %swap3A_514 = arith.constant 0 : index
      %swap3A_515 = vector.load %arg7[%swap3A_512, %swap3A_513, %swap3A_514] : memref<5x16x512xf32, #tpu.memory_space<vmem>>, vector<1x16x512xf32>
      %swap3A_516 = vector.shape_cast %swap3A_515 : vector<1x16x512xf32> to vector<16x512xf32>
      %swap3A_517 = vector.shape_cast %select_n3A_511 : vector<16x512xf32> to vector<1x16x512xf32>
      tpu.vector_store %arg7[%swap3A_512, %swap3A_513, %swap3A_514], %swap3A_517 {strides = array<i32>} : memref<5x16x512xf32, #tpu.memory_space<vmem>>, vector<1x16x512xf32>,
      %get3A_518 = arith.constant 4 : index
      %get3A_519 = arith.constant 0 : index
      %get3A_520 = arith.constant 0 : index
      %get3A_521 = vector.load %arg7[%get3A_518, %get3A_519, %get3A_520] : memref<5x16x512xf32, #tpu.memory_space<vmem>>, vector<1x16x512xf32>
      %get3A_522 = vector.shape_cast %get3A_521 : vector<1x16x512xf32> to vector<16x512xf32>
      %broadcast_in_dim3A_523 = vector.shape_cast %mul3A : vector<16x1xf32> to vector<16x1xf32>
      %broadcast_in_dim3A_524 = vector.broadcast %broadcast_in_dim3A_523 : vector<16x1xf32> to vector<16x512xf32>
      %select_n3A_525 = arith.select %and3A_461, %broadcast_in_dim3A_524, %get3A_522 : vector<16x512xi1>, vector<16x512xf32>
      %swap3A_526 = arith.constant 4 : index
      %swap3A_527 = arith.constant 0 : index
      %swap3A_528 = arith.constant 0 : index
      %swap3A_529 = vector.load %arg7[%swap3A_526, %swap3A_527, %swap3A_528] : memref<5x16x512xf32, #tpu.memory_space<vmem>>, vector<1x16x512xf32>
      %swap3A_530 = vector.shape_cast %swap3A_529 : vector<1x16x512xf32> to vector<16x512xf32>
      %swap3A_531 = vector.shape_cast %select_n3A_525 : vector<16x512xf32> to vector<1x16x512xf32>
      tpu.vector_store %arg7[%swap3A_526, %swap3A_527, %swap3A_528], %swap3A_531 {strides = array<i32>} : memref<5x16x512xf32, #tpu.memory_space<vmem>>, vector<1x16x512xf32>,
      %sub3A_532 = arith.subf %broadcast_in_dim3A_207, %floor3A : vector<16x1xf32>
      %mul3A_533 = arith.constant 6.400000e+02 : f32
      %mul3A_534 = vector.broadcast %mul3A_533 : f32 to vector<16x1xf32>
      %mul3A_535 = arith.mulf %sub3A_532, %mul3A_534 : vector<16x1xf32>
      %get3A_536 = arith.constant 0 : index
      %get3A_537 = arith.constant 0 : index
      %get3A_538 = arith.constant 0 : index
      %get3A_539 = vector.load %arg3[%get3A_536, %get3A_537, %get3A_538] : memref<6x16x512xf32, #tpu.memory_space<vmem>>, vector<1x16x512xf32>
      %get3A_540 = vector.shape_cast %get3A_539 : vector<1x16x512xf32> to vector<16x512xf32>
      %broadcast_in_dim3A_541 = vector.shape_cast %mul3A_535 : vector<16x1xf32> to vector<16x1xf32>
      %broadcast_in_dim3A_542 = vector.broadcast %broadcast_in_dim3A_541 : vector<16x1xf32> to vector<16x512xf32>
      %select_n3A_543 = arith.select %and3A_461, %broadcast_in_dim3A_542, %get3A_540 : vector<16x512xi1>, vector<16x512xf32>
      %swap3A_544 = arith.constant 0 : index
      %swap3A_545 = arith.constant 0 : index
      %swap3A_546 = arith.constant 0 : index
      %swap3A_547 = vector.load %arg3[%swap3A_544, %swap3A_545, %swap3A_546] : memref<6x16x512xf32, #tpu.memory_space<vmem>>, vector<1x16x512xf32>
      %swap3A_548 = vector.shape_cast %swap3A_547 : vector<1x16x512xf32> to vector<16x512xf32>
      %swap3A_549 = vector.shape_cast %select_n3A_543 : vector<16x512xf32> to vector<1x16x512xf32>
      tpu.vector_store %arg3[%swap3A_544, %swap3A_545, %swap3A_546], %swap3A_549 {strides = array<i32>} : memref<6x16x512xf32, #tpu.memory_space<vmem>>, vector<1x16x512xf32>,
      %sub3A_550 = arith.subf %broadcast_in_dim3A_218, %floor3A : vector<16x1xf32>
      %mul3A_551 = arith.constant 6.400000e+02 : f32
      %mul3A_552 = vector.broadcast %mul3A_551 : f32 to vector<16x1xf32>
      %mul3A_553 = arith.mulf %sub3A_550, %mul3A_552 : vector<16x1xf32>
      %get3A_554 = arith.constant 1 : index
      %get3A_555 = arith.constant 0 : index
      %get3A_556 = arith.constant 0 : index
      %get3A_557 = vector.load %arg3[%get3A_554, %get3A_555, %get3A_556] : memref<6x16x512xf32, #tpu.memory_space<vmem>>, vector<1x16x512xf32>
      %get3A_558 = vector.shape_cast %get3A_557 : vector<1x16x512xf32> to vector<16x512xf32>
      %broadcast_in_dim3A_559 = vector.shape_cast %mul3A_553 : vector<16x1xf32> to vector<16x1xf32>
      %broadcast_in_dim3A_560 = vector.broadcast %broadcast_in_dim3A_559 : vector<16x1xf32> to vector<16x512xf32>
      %select_n3A_561 = arith.select %and3A_461, %broadcast_in_dim3A_560, %get3A_558 : vector<16x512xi1>, vector<16x512xf32>
      %swap3A_562 = arith.constant 1 : index
      %swap3A_563 = arith.constant 0 : index
      %swap3A_564 = arith.constant 0 : index
      %swap3A_565 = vector.load %arg3[%swap3A_562, %swap3A_563, %swap3A_564] : memref<6x16x512xf32, #tpu.memory_space<vmem>>, vector<1x16x512xf32>
      %swap3A_566 = vector.shape_cast %swap3A_565 : vector<1x16x512xf32> to vector<16x512xf32>
      %swap3A_567 = vector.shape_cast %select_n3A_561 : vector<16x512xf32> to vector<1x16x512xf32>
      tpu.vector_store %arg3[%swap3A_562, %swap3A_563, %swap3A_564], %swap3A_567 {strides = array<i32>} : memref<6x16x512xf32, #tpu.memory_space<vmem>>, vector<1x16x512xf32>,
      %sub3A_568 = arith.subf %broadcast_in_dim3A_229, %floor3A : vector<16x1xf32>
      %mul3A_569 = arith.constant 6.400000e+02 : f32
      %mul3A_570 = vector.broadcast %mul3A_569 : f32 to vector<16x1xf32>
      %mul3A_571 = arith.mulf %sub3A_568, %mul3A_570 : vector<16x1xf32>
      %get3A_572 = arith.constant 2 : index
      %get3A_573 = arith.constant 0 : index
      %get3A_574 = arith.constant 0 : index
      %get3A_575 = vector.load %arg3[%get3A_572, %get3A_573, %get3A_574] : memref<6x16x512xf32, #tpu.memory_space<vmem>>, vector<1x16x512xf32>
      %get3A_576 = vector.shape_cast %get3A_575 : vector<1x16x512xf32> to vector<16x512xf32>
      %broadcast_in_dim3A_577 = vector.shape_cast %mul3A_571 : vector<16x1xf32> to vector<16x1xf32>
      %broadcast_in_dim3A_578 = vector.broadcast %broadcast_in_dim3A_577 : vector<16x1xf32> to vector<16x512xf32>
      %select_n3A_579 = arith.select %and3A_461, %broadcast_in_dim3A_578, %get3A_576 : vector<16x512xi1>, vector<16x512xf32>
      %swap3A_580 = arith.constant 2 : index
      %swap3A_581 = arith.constant 0 : index
      %swap3A_582 = arith.constant 0 : index
      %swap3A_583 = vector.load %arg3[%swap3A_580, %swap3A_581, %swap3A_582] : memref<6x16x512xf32, #tpu.memory_space<vmem>>, vector<1x16x512xf32>
      %swap3A_584 = vector.shape_cast %swap3A_583 : vector<1x16x512xf32> to vector<16x512xf32>
      %swap3A_585 = vector.shape_cast %select_n3A_579 : vector<16x512xf32> to vector<1x16x512xf32>
      tpu.vector_store %arg3[%swap3A_580, %swap3A_581, %swap3A_582], %swap3A_585 {strides = array<i32>} : memref<6x16x512xf32, #tpu.memory_space<vmem>>, vector<1x16x512xf32>,
      %sub3A_586 = arith.subf %broadcast_in_dim3A_240, %floor3A : vector<16x1xf32>
      %mul3A_587 = arith.constant 6.400000e+02 : f32
      %mul3A_588 = vector.broadcast %mul3A_587 : f32 to vector<16x1xf32>
      %mul3A_589 = arith.mulf %sub3A_586, %mul3A_588 : vector<16x1xf32>
      %get3A_590 = arith.constant 3 : index
      %get3A_591 = arith.constant 0 : index
      %get3A_592 = arith.constant 0 : index
      %get3A_593 = vector.load %arg3[%get3A_590, %get3A_591, %get3A_592] : memref<6x16x512xf32, #tpu.memory_space<vmem>>, vector<1x16x512xf32>
      %get3A_594 = vector.shape_cast %get3A_593 : vector<1x16x512xf32> to vector<16x512xf32>
      %broadcast_in_dim3A_595 = vector.shape_cast %mul3A_589 : vector<16x1xf32> to vector<16x1xf32>
      %broadcast_in_dim3A_596 = vector.broadcast %broadcast_in_dim3A_595 : vector<16x1xf32> to vector<16x512xf32>
      %select_n3A_597 = arith.select %and3A_461, %broadcast_in_dim3A_596, %get3A_594 : vector<16x512xi1>, vector<16x512xf32>
      %swap3A_598 = arith.constant 3 : index
      %swap3A_599 = arith.constant 0 : index
      %swap3A_600 = arith.constant 0 : index
      %swap3A_601 = vector.load %arg3[%swap3A_598, %swap3A_599, %swap3A_600] : memref<6x16x512xf32, #tpu.memory_space<vmem>>, vector<1x16x512xf32>
      %swap3A_602 = vector.shape_cast %swap3A_601 : vector<1x16x512xf32> to vector<16x512xf32>
      %swap3A_603 = vector.shape_cast %select_n3A_597 : vector<16x512xf32> to vector<1x16x512xf32>
      tpu.vector_store %arg3[%swap3A_598, %swap3A_599, %swap3A_600], %swap3A_603 {strides = array<i32>} : memref<6x16x512xf32, #tpu.memory_space<vmem>>, vector<1x16x512xf32>,
      %get3A_604 = arith.constant 4 : index
      %get3A_605 = arith.constant 0 : index
      %get3A_606 = arith.constant 0 : index
      %get3A_607 = vector.load %arg3[%get3A_604, %get3A_605, %get3A_606] : memref<6x16x512xf32, #tpu.memory_space<vmem>>, vector<1x16x512xf32>
      %get3A_608 = vector.shape_cast %get3A_607 : vector<1x16x512xf32> to vector<16x512xf32>
      %broadcast_in_dim3A_609 = vector.shape_cast %broadcast_in_dim3A_167 : vector<16x1xf32> to vector<16x1xf32>
      %broadcast_in_dim3A_610 = vector.broadcast %broadcast_in_dim3A_609 : vector<16x1xf32> to vector<16x512xf32>
      %select_n3A_611 = arith.select %and3A_461, %broadcast_in_dim3A_610, %get3A_608 : vector<16x512xi1>, vector<16x512xf32>
      %swap3A_612 = arith.constant 4 : index
      %swap3A_613 = arith.constant 0 : index
      %swap3A_614 = arith.constant 0 : index
      %swap3A_615 = vector.load %arg3[%swap3A_612, %swap3A_613, %swap3A_614] : memref<6x16x512xf32, #tpu.memory_space<vmem>>, vector<1x16x512xf32>
      %swap3A_616 = vector.shape_cast %swap3A_615 : vector<1x16x512xf32> to vector<16x512xf32>
      %swap3A_617 = vector.shape_cast %select_n3A_611 : vector<16x512xf32> to vector<1x16x512xf32>
      tpu.vector_store %arg3[%swap3A_612, %swap3A_613, %swap3A_614], %swap3A_617 {strides = array<i32>} : memref<6x16x512xf32, #tpu.memory_space<vmem>>, vector<1x16x512xf32>,
      %get3A_618 = arith.constant 5 : index
      %get3A_619 = arith.constant 0 : index
      %get3A_620 = arith.constant 0 : index
      %get3A_621 = vector.load %arg3[%get3A_618, %get3A_619, %get3A_620] : memref<6x16x512xf32, #tpu.memory_space<vmem>>, vector<1x16x512xf32>
      %get3A_622 = vector.shape_cast %get3A_621 : vector<1x16x512xf32> to vector<16x512xf32>
      %broadcast_in_dim3A_623 = vector.shape_cast %floor3A : vector<16x1xf32> to vector<16x1xf32>
      %broadcast_in_dim3A_624 = vector.broadcast %broadcast_in_dim3A_623 : vector<16x1xf32> to vector<16x512xf32>
      %select_n3A_625 = arith.select %and3A_461, %broadcast_in_dim3A_624, %get3A_622 : vector<16x512xi1>, vector<16x512xf32>
      %swap3A_626 = arith.constant 5 : index
      %swap3A_627 = arith.constant 0 : index
      %swap3A_628 = arith.constant 0 : index
      %swap3A_629 = vector.load %arg3[%swap3A_626, %swap3A_627, %swap3A_628] : memref<6x16x512xf32, #tpu.memory_space<vmem>>, vector<1x16x512xf32>
      %swap3A_630 = vector.shape_cast %swap3A_629 : vector<1x16x512xf32> to vector<16x512xf32>
      %swap3A_631 = vector.shape_cast %select_n3A_625 : vector<16x512xf32> to vector<1x16x512xf32>
      tpu.vector_store %arg3[%swap3A_626, %swap3A_627, %swap3A_628], %swap3A_631 {strides = array<i32>} : memref<6x16x512xf32, #tpu.memory_space<vmem>>, vector<1x16x512xf32>,
      %convert_element_type3A = arith.extui %and3A_430 : vector<16x1xi1> to vector<16x1xi32>
      %add3A_632 = arith.addi %while3A_161, %convert_element_type3A : vector<16x1xi32>
      %gt3A_633 = arith.constant 0xFF800000 : f32
      %gt3A_634 = vector.broadcast %gt3A_633 : f32 to vector<16x1xf32>
      %gt3A_635 = arith.cmpf ogt, %broadcast_in_dim3A_181, %gt3A_634 : vector<16x1xf32>
      %not3A_636 = arith.constant dense<true> : vector<16x1xi1>
      %not3A_637 = arith.xori %or3A_454, %not3A_636 : vector<16x1xi1>
      %and3A_638 = arith.andi %gt3A_635, %not3A_637 : vector<16x1xi1>
      %lt3A_639 = arith.constant 300 : i32
      %lt3A_640 = vector.broadcast %lt3A_639 : i32 to vector<16x1xi32>
      %lt3A_641 = arith.cmpi slt, %add3A_632, %lt3A_640 : vector<16x1xi32>
      %and3A_642 = arith.andi %and3A_638, %lt3A_641 : vector<16x1xi1>
      %add3A_643 = arith.constant 1.562500e-03 : f32
      %add3A_644 = vector.broadcast %add3A_643 : f32 to vector<16x1xf32>
      %add3A_645 = arith.addf %broadcast_in_dim3A_251, %add3A_644 : vector<16x1xf32>
      %floor3A_646 = math.floor %add3A_645 : vector<16x1xf32>
      %eq3A_647 = vector.broadcast %add3A_632 : vector<16x1xi32> to vector<16x512xi32>
      %eq3A_648 = arith.cmpi eq, %iota3A_130, %eq3A_647 : vector<16x512xi32>
      %and3A_649 = vector.broadcast %and3A_642 : vector<16x1xi1> to vector<16x512xi1>
      %and3A_650 = arith.andi %eq3A_648, %and3A_649 : vector<16x512xi1>
      %get3A_651 = arith.constant 0 : index
      %get3A_652 = arith.constant 0 : index
      %get3A_653 = arith.constant 0 : index
      %get3A_654 = vector.load %arg7[%get3A_651, %get3A_652, %get3A_653] : memref<5x16x512xf32, #tpu.memory_space<vmem>>, vector<1x16x512xf32>
      %get3A_655 = vector.shape_cast %get3A_654 : vector<1x16x512xf32> to vector<16x512xf32>
      %broadcast_in_dim3A_656 = vector.shape_cast %broadcast_in_dim3A_251 : vector<16x1xf32> to vector<16x1xf32>
      %broadcast_in_dim3A_657 = vector.broadcast %broadcast_in_dim3A_656 : vector<16x1xf32> to vector<16x512xf32>
      %select_n3A_658 = arith.select %and3A_650, %broadcast_in_dim3A_657, %get3A_655 : vector<16x512xi1>, vector<16x512xf32>
      %swap3A_659 = arith.constant 0 : index
      %swap3A_660 = arith.constant 0 : index
      %swap3A_661 = arith.constant 0 : index
      %swap3A_662 = vector.load %arg7[%swap3A_659, %swap3A_660, %swap3A_661] : memref<5x16x512xf32, #tpu.memory_space<vmem>>, vector<1x16x512xf32>
      %swap3A_663 = vector.shape_cast %swap3A_662 : vector<1x16x512xf32> to vector<16x512xf32>
      %swap3A_664 = vector.shape_cast %select_n3A_658 : vector<16x512xf32> to vector<1x16x512xf32>
      tpu.vector_store %arg7[%swap3A_659, %swap3A_660, %swap3A_661], %swap3A_664 {strides = array<i32>} : memref<5x16x512xf32, #tpu.memory_space<vmem>>, vector<1x16x512xf32>,
      %get3A_665 = arith.constant 1 : index
      %get3A_666 = arith.constant 0 : index
      %get3A_667 = arith.constant 0 : index
      %get3A_668 = vector.load %arg7[%get3A_665, %get3A_666, %get3A_667] : memref<5x16x512xf32, #tpu.memory_space<vmem>>, vector<1x16x512xf32>
      %get3A_669 = vector.shape_cast %get3A_668 : vector<1x16x512xf32> to vector<16x512xf32>
      %broadcast_in_dim3A_670 = vector.shape_cast %broadcast_in_dim3A_262 : vector<16x1xf32> to vector<16x1xf32>
      %broadcast_in_dim3A_671 = vector.broadcast %broadcast_in_dim3A_670 : vector<16x1xf32> to vector<16x512xf32>
      %select_n3A_672 = arith.select %and3A_650, %broadcast_in_dim3A_671, %get3A_669 : vector<16x512xi1>, vector<16x512xf32>
      %swap3A_673 = arith.constant 1 : index
      %swap3A_674 = arith.constant 0 : index
      %swap3A_675 = arith.constant 0 : index
      %swap3A_676 = vector.load %arg7[%swap3A_673, %swap3A_674, %swap3A_675] : memref<5x16x512xf32, #tpu.memory_space<vmem>>, vector<1x16x512xf32>
      %swap3A_677 = vector.shape_cast %swap3A_676 : vector<1x16x512xf32> to vector<16x512xf32>
      %swap3A_678 = vector.shape_cast %select_n3A_672 : vector<16x512xf32> to vector<1x16x512xf32>
      tpu.vector_store %arg7[%swap3A_673, %swap3A_674, %swap3A_675], %swap3A_678 {strides = array<i32>} : memref<5x16x512xf32, #tpu.memory_space<vmem>>, vector<1x16x512xf32>,
      %get3A_679 = arith.constant 2 : index
      %get3A_680 = arith.constant 0 : index
      %get3A_681 = arith.constant 0 : index
      %get3A_682 = vector.load %arg7[%get3A_679, %get3A_680, %get3A_681] : memref<5x16x512xf32, #tpu.memory_space<vmem>>, vector<1x16x512xf32>
      %get3A_683 = vector.shape_cast %get3A_682 : vector<1x16x512xf32> to vector<16x512xf32>
      %broadcast_in_dim3A_684 = vector.shape_cast %broadcast_in_dim3A_273 : vector<16x1xf32> to vector<16x1xf32>
      %broadcast_in_dim3A_685 = vector.broadcast %broadcast_in_dim3A_684 : vector<16x1xf32> to vector<16x512xf32>
      %select_n3A_686 = arith.select %and3A_650, %broadcast_in_dim3A_685, %get3A_683 : vector<16x512xi1>, vector<16x512xf32>
      %swap3A_687 = arith.constant 2 : index
      %swap3A_688 = arith.constant 0 : index
      %swap3A_689 = arith.constant 0 : index
      %swap3A_690 = vector.load %arg7[%swap3A_687, %swap3A_688, %swap3A_689] : memref<5x16x512xf32, #tpu.memory_space<vmem>>, vector<1x16x512xf32>
      %swap3A_691 = vector.shape_cast %swap3A_690 : vector<1x16x512xf32> to vector<16x512xf32>
      %swap3A_692 = vector.shape_cast %select_n3A_686 : vector<16x512xf32> to vector<1x16x512xf32>
      tpu.vector_store %arg7[%swap3A_687, %swap3A_688, %swap3A_689], %swap3A_692 {strides = array<i32>} : memref<5x16x512xf32, #tpu.memory_space<vmem>>, vector<1x16x512xf32>,
      %get3A_693 = arith.constant 3 : index
      %get3A_694 = arith.constant 0 : index
      %get3A_695 = arith.constant 0 : index
      %get3A_696 = vector.load %arg7[%get3A_693, %get3A_694, %get3A_695] : memref<5x16x512xf32, #tpu.memory_space<vmem>>, vector<1x16x512xf32>
      %get3A_697 = vector.shape_cast %get3A_696 : vector<1x16x512xf32> to vector<16x512xf32>
      %broadcast_in_dim3A_698 = vector.shape_cast %broadcast_in_dim3A_284 : vector<16x1xf32> to vector<16x1xf32>
      %broadcast_in_dim3A_699 = vector.broadcast %broadcast_in_dim3A_698 : vector<16x1xf32> to vector<16x512xf32>
      %select_n3A_700 = arith.select %and3A_650, %broadcast_in_dim3A_699, %get3A_697 : vector<16x512xi1>, vector<16x512xf32>
      %swap3A_701 = arith.constant 3 : index
      %swap3A_702 = arith.constant 0 : index
      %swap3A_703 = arith.constant 0 : index
      %swap3A_704 = vector.load %arg7[%swap3A_701, %swap3A_702, %swap3A_703] : memref<5x16x512xf32, #tpu.memory_space<vmem>>, vector<1x16x512xf32>
      %swap3A_705 = vector.shape_cast %swap3A_704 : vector<1x16x512xf32> to vector<16x512xf32>
      %swap3A_706 = vector.shape_cast %select_n3A_700 : vector<16x512xf32> to vector<1x16x512xf32>
      tpu.vector_store %arg7[%swap3A_701, %swap3A_702, %swap3A_703], %swap3A_706 {strides = array<i32>} : memref<5x16x512xf32, #tpu.memory_space<vmem>>, vector<1x16x512xf32>,
      %get3A_707 = arith.constant 4 : index
      %get3A_708 = arith.constant 0 : index
      %get3A_709 = arith.constant 0 : index
      %get3A_710 = vector.load %arg7[%get3A_707, %get3A_708, %get3A_709] : memref<5x16x512xf32, #tpu.memory_space<vmem>>, vector<1x16x512xf32>
      %get3A_711 = vector.shape_cast %get3A_710 : vector<1x16x512xf32> to vector<16x512xf32>
      %broadcast_in_dim3A_712 = vector.shape_cast %mul3A_299 : vector<16x1xf32> to vector<16x1xf32>
      %broadcast_in_dim3A_713 = vector.broadcast %broadcast_in_dim3A_712 : vector<16x1xf32> to vector<16x512xf32>
      %select_n3A_714 = arith.select %and3A_650, %broadcast_in_dim3A_713, %get3A_711 : vector<16x512xi1>, vector<16x512xf32>
      %swap3A_715 = arith.constant 4 : index
      %swap3A_716 = arith.constant 0 : index
      %swap3A_717 = arith.constant 0 : index
      %swap3A_718 = vector.load %arg7[%swap3A_715, %swap3A_716, %swap3A_717] : memref<5x16x512xf32, #tpu.memory_space<vmem>>, vector<1x16x512xf32>
      %swap3A_719 = vector.shape_cast %swap3A_718 : vector<1x16x512xf32> to vector<16x512xf32>
      %swap3A_720 = vector.shape_cast %select_n3A_714 : vector<16x512xf32> to vector<1x16x512xf32>
      tpu.vector_store %arg7[%swap3A_715, %swap3A_716, %swap3A_717], %swap3A_720 {strides = array<i32>} : memref<5x16x512xf32, #tpu.memory_space<vmem>>, vector<1x16x512xf32>,
      %sub3A_721 = arith.subf %broadcast_in_dim3A_251, %floor3A_646 : vector<16x1xf32>
      %mul3A_722 = arith.constant 6.400000e+02 : f32
      %mul3A_723 = vector.broadcast %mul3A_722 : f32 to vector<16x1xf32>
      %mul3A_724 = arith.mulf %sub3A_721, %mul3A_723 : vector<16x1xf32>
      %get3A_725 = arith.constant 0 : index
      %get3A_726 = arith.constant 0 : index
      %get3A_727 = arith.constant 0 : index
      %get3A_728 = vector.load %arg3[%get3A_725, %get3A_726, %get3A_727] : memref<6x16x512xf32, #tpu.memory_space<vmem>>, vector<1x16x512xf32>
      %get3A_729 = vector.shape_cast %get3A_728 : vector<1x16x512xf32> to vector<16x512xf32>
      %broadcast_in_dim3A_730 = vector.shape_cast %mul3A_724 : vector<16x1xf32> to vector<16x1xf32>
      %broadcast_in_dim3A_731 = vector.broadcast %broadcast_in_dim3A_730 : vector<16x1xf32> to vector<16x512xf32>
      %select_n3A_732 = arith.select %and3A_650, %broadcast_in_dim3A_731, %get3A_729 : vector<16x512xi1>, vector<16x512xf32>
      %swap3A_733 = arith.constant 0 : index
      %swap3A_734 = arith.constant 0 : index
      %swap3A_735 = arith.constant 0 : index
      %swap3A_736 = vector.load %arg3[%swap3A_733, %swap3A_734, %swap3A_735] : memref<6x16x512xf32, #tpu.memory_space<vmem>>, vector<1x16x512xf32>
      %swap3A_737 = vector.shape_cast %swap3A_736 : vector<1x16x512xf32> to vector<16x512xf32>
      %swap3A_738 = vector.shape_cast %select_n3A_732 : vector<16x512xf32> to vector<1x16x512xf32>
      tpu.vector_store %arg3[%swap3A_733, %swap3A_734, %swap3A_735], %swap3A_738 {strides = array<i32>} : memref<6x16x512xf32, #tpu.memory_space<vmem>>, vector<1x16x512xf32>,
      %sub3A_739 = arith.subf %broadcast_in_dim3A_262, %floor3A_646 : vector<16x1xf32>
      %mul3A_740 = arith.constant 6.400000e+02 : f32
      %mul3A_741 = vector.broadcast %mul3A_740 : f32 to vector<16x1xf32>
      %mul3A_742 = arith.mulf %sub3A_739, %mul3A_741 : vector<16x1xf32>
      %get3A_743 = arith.constant 1 : index
      %get3A_744 = arith.constant 0 : index
      %get3A_745 = arith.constant 0 : index
      %get3A_746 = vector.load %arg3[%get3A_743, %get3A_744, %get3A_745] : memref<6x16x512xf32, #tpu.memory_space<vmem>>, vector<1x16x512xf32>
      %get3A_747 = vector.shape_cast %get3A_746 : vector<1x16x512xf32> to vector<16x512xf32>
      %broadcast_in_dim3A_748 = vector.shape_cast %mul3A_742 : vector<16x1xf32> to vector<16x1xf32>
      %broadcast_in_dim3A_749 = vector.broadcast %broadcast_in_dim3A_748 : vector<16x1xf32> to vector<16x512xf32>
      %select_n3A_750 = arith.select %and3A_650, %broadcast_in_dim3A_749, %get3A_747 : vector<16x512xi1>, vector<16x512xf32>
      %swap3A_751 = arith.constant 1 : index
      %swap3A_752 = arith.constant 0 : index
      %swap3A_753 = arith.constant 0 : index
      %swap3A_754 = vector.load %arg3[%swap3A_751, %swap3A_752, %swap3A_753] : memref<6x16x512xf32, #tpu.memory_space<vmem>>, vector<1x16x512xf32>
      %swap3A_755 = vector.shape_cast %swap3A_754 : vector<1x16x512xf32> to vector<16x512xf32>
      %swap3A_756 = vector.shape_cast %select_n3A_750 : vector<16x512xf32> to vector<1x16x512xf32>
      tpu.vector_store %arg3[%swap3A_751, %swap3A_752, %swap3A_753], %swap3A_756 {strides = array<i32>} : memref<6x16x512xf32, #tpu.memory_space<vmem>>, vector<1x16x512xf32>,
      %sub3A_757 = arith.subf %broadcast_in_dim3A_273, %floor3A_646 : vector<16x1xf32>
      %mul3A_758 = arith.constant 6.400000e+02 : f32
      %mul3A_759 = vector.broadcast %mul3A_758 : f32 to vector<16x1xf32>
      %mul3A_760 = arith.mulf %sub3A_757, %mul3A_759 : vector<16x1xf32>
      %get3A_761 = arith.constant 2 : index
      %get3A_762 = arith.constant 0 : index
      %get3A_763 = arith.constant 0 : index
      %get3A_764 = vector.load %arg3[%get3A_761, %get3A_762, %get3A_763] : memref<6x16x512xf32, #tpu.memory_space<vmem>>, vector<1x16x512xf32>
      %get3A_765 = vector.shape_cast %get3A_764 : vector<1x16x512xf32> to vector<16x512xf32>
      %broadcast_in_dim3A_766 = vector.shape_cast %mul3A_760 : vector<16x1xf32> to vector<16x1xf32>
      %broadcast_in_dim3A_767 = vector.broadcast %broadcast_in_dim3A_766 : vector<16x1xf32> to vector<16x512xf32>
      %select_n3A_768 = arith.select %and3A_650, %broadcast_in_dim3A_767, %get3A_765 : vector<16x512xi1>, vector<16x512xf32>
      %swap3A_769 = arith.constant 2 : index
      %swap3A_770 = arith.constant 0 : index
      %swap3A_771 = arith.constant 0 : index
      %swap3A_772 = vector.load %arg3[%swap3A_769, %swap3A_770, %swap3A_771] : memref<6x16x512xf32, #tpu.memory_space<vmem>>, vector<1x16x512xf32>
      %swap3A_773 = vector.shape_cast %swap3A_772 : vector<1x16x512xf32> to vector<16x512xf32>
      %swap3A_774 = vector.shape_cast %select_n3A_768 : vector<16x512xf32> to vector<1x16x512xf32>
      tpu.vector_store %arg3[%swap3A_769, %swap3A_770, %swap3A_771], %swap3A_774 {strides = array<i32>} : memref<6x16x512xf32, #tpu.memory_space<vmem>>, vector<1x16x512xf32>,
      %sub3A_775 = arith.subf %broadcast_in_dim3A_284, %floor3A_646 : vector<16x1xf32>
      %mul3A_776 = arith.constant 6.400000e+02 : f32
      %mul3A_777 = vector.broadcast %mul3A_776 : f32 to vector<16x1xf32>
      %mul3A_778 = arith.mulf %sub3A_775, %mul3A_777 : vector<16x1xf32>
      %get3A_779 = arith.constant 3 : index
      %get3A_780 = arith.constant 0 : index
      %get3A_781 = arith.constant 0 : index
      %get3A_782 = vector.load %arg3[%get3A_779, %get3A_780, %get3A_781] : memref<6x16x512xf32, #tpu.memory_space<vmem>>, vector<1x16x512xf32>
      %get3A_783 = vector.shape_cast %get3A_782 : vector<1x16x512xf32> to vector<16x512xf32>
      %broadcast_in_dim3A_784 = vector.shape_cast %mul3A_778 : vector<16x1xf32> to vector<16x1xf32>
      %broadcast_in_dim3A_785 = vector.broadcast %broadcast_in_dim3A_784 : vector<16x1xf32> to vector<16x512xf32>
      %select_n3A_786 = arith.select %and3A_650, %broadcast_in_dim3A_785, %get3A_783 : vector<16x512xi1>, vector<16x512xf32>
      %swap3A_787 = arith.constant 3 : index
      %swap3A_788 = arith.constant 0 : index
      %swap3A_789 = arith.constant 0 : index
      %swap3A_790 = vector.load %arg3[%swap3A_787, %swap3A_788, %swap3A_789] : memref<6x16x512xf32, #tpu.memory_space<vmem>>, vector<1x16x512xf32>
      %swap3A_791 = vector.shape_cast %swap3A_790 : vector<1x16x512xf32> to vector<16x512xf32>
      %swap3A_792 = vector.shape_cast %select_n3A_786 : vector<16x512xf32> to vector<1x16x512xf32>
      tpu.vector_store %arg3[%swap3A_787, %swap3A_788, %swap3A_789], %swap3A_792 {strides = array<i32>} : memref<6x16x512xf32, #tpu.memory_space<vmem>>, vector<1x16x512xf32>,
      %get3A_793 = arith.constant 4 : index
      %get3A_794 = arith.constant 0 : index
      %get3A_795 = arith.constant 0 : index
      %get3A_796 = vector.load %arg3[%get3A_793, %get3A_794, %get3A_795] : memref<6x16x512xf32, #tpu.memory_space<vmem>>, vector<1x16x512xf32>
      %get3A_797 = vector.shape_cast %get3A_796 : vector<1x16x512xf32> to vector<16x512xf32>
      %broadcast_in_dim3A_798 = vector.shape_cast %broadcast_in_dim3A_181 : vector<16x1xf32> to vector<16x1xf32>
      %broadcast_in_dim3A_799 = vector.broadcast %broadcast_in_dim3A_798 : vector<16x1xf32> to vector<16x512xf32>
      %select_n3A_800 = arith.select %and3A_650, %broadcast_in_dim3A_799, %get3A_797 : vector<16x512xi1>, vector<16x512xf32>
      %swap3A_801 = arith.constant 4 : index
      %swap3A_802 = arith.constant 0 : index
      %swap3A_803 = arith.constant 0 : index
      %swap3A_804 = vector.load %arg3[%swap3A_801, %swap3A_802, %swap3A_803] : memref<6x16x512xf32, #tpu.memory_space<vmem>>, vector<1x16x512xf32>
      %swap3A_805 = vector.shape_cast %swap3A_804 : vector<1x16x512xf32> to vector<16x512xf32>
      %swap3A_806 = vector.shape_cast %select_n3A_800 : vector<16x512xf32> to vector<1x16x512xf32>
      tpu.vector_store %arg3[%swap3A_801, %swap3A_802, %swap3A_803], %swap3A_806 {strides = array<i32>} : memref<6x16x512xf32, #tpu.memory_space<vmem>>, vector<1x16x512xf32>,
      %get3A_807 = arith.constant 5 : index
      %get3A_808 = arith.constant 0 : index
      %get3A_809 = arith.constant 0 : index
      %get3A_810 = vector.load %arg3[%get3A_807, %get3A_808, %get3A_809] : memref<6x16x512xf32, #tpu.memory_space<vmem>>, vector<1x16x512xf32>
      %get3A_811 = vector.shape_cast %get3A_810 : vector<1x16x512xf32> to vector<16x512xf32>
      %broadcast_in_dim3A_812 = vector.shape_cast %floor3A_646 : vector<16x1xf32> to vector<16x1xf32>
      %broadcast_in_dim3A_813 = vector.broadcast %broadcast_in_dim3A_812 : vector<16x1xf32> to vector<16x512xf32>
      %select_n3A_814 = arith.select %and3A_650, %broadcast_in_dim3A_813, %get3A_811 : vector<16x512xi1>, vector<16x512xf32>
      %swap3A_815 = arith.constant 5 : index
      %swap3A_816 = arith.constant 0 : index
      %swap3A_817 = arith.constant 0 : index
      %swap3A_818 = vector.load %arg3[%swap3A_815, %swap3A_816, %swap3A_817] : memref<6x16x512xf32, #tpu.memory_space<vmem>>, vector<1x16x512xf32>
      %swap3A_819 = vector.shape_cast %swap3A_818 : vector<1x16x512xf32> to vector<16x512xf32>
      %swap3A_820 = vector.shape_cast %select_n3A_814 : vector<16x512xf32> to vector<1x16x512xf32>
      tpu.vector_store %arg3[%swap3A_815, %swap3A_816, %swap3A_817], %swap3A_820 {strides = array<i32>} : memref<6x16x512xf32, #tpu.memory_space<vmem>>, vector<1x16x512xf32>,
      %convert_element_type3A_821 = arith.extui %and3A_642 : vector<16x1xi1> to vector<16x1xi32>
      %add3A_822 = arith.addi %add3A_632, %convert_element_type3A_821 : vector<16x1xi32>
      %lt3A_823 = arith.constant 300 : i32
      %lt3A_824 = vector.broadcast %lt3A_823 : i32 to vector<16x1xi32>
      %lt3A_825 = arith.cmpi slt, %add3A_822, %lt3A_824 : vector<16x1xi32>
      %gt3A_826 = arith.constant 0xFF800000 : f32
      %gt3A_827 = vector.broadcast %gt3A_826 : f32 to vector<16x1xf32>
      %gt3A_828 = arith.cmpf ogt, %broadcast_in_dim3A_181, %gt3A_827 : vector<16x1xf32>
      %and3A_829 = arith.andi %lt3A_825, %gt3A_828 : vector<16x1xi1>
      %reduce_or3A_830 = arith.constant 1.000000e+00 : f32
      %reduce_or3A_831 = arith.constant 0.000000e+00 : f32
      %reduce_or3A_832 = vector.broadcast %reduce_or3A_830 : f32 to vector<16x1xf32>
      %reduce_or3A_833 = vector.broadcast %reduce_or3A_831 : f32 to vector<16x1xf32>
      %reduce_or3A_834 = arith.select %and3A_829, %reduce_or3A_832, %reduce_or3A_833 : vector<16x1xi1>, vector<16x1xf32>
      %reduce_or3A_835 = vector.shape_cast %reduce_or3A_834 : vector<16x1xf32> to vector<1x16x1xf32>
      %reduce_or3A_836 = arith.constant dense<0xFF800000> : vector<1xf32>
      %reduce_or3A_837 = vector.multi_reduction <maximumf>, %reduce_or3A_835, %reduce_or3A_836 [1, 2] : vector<1x16x1xf32> to vector<1xf32>
      %reduce_or3A_838 = vector.shape_cast %reduce_or3A_837 : vector<1xf32> to vector<1x1x1xf32>
      %reduce_or3A_839 = vector.extract %reduce_or3A_838[0, 0, 0] : f32 from vector<1x1x1xf32>
      %reduce_or3A_840 = arith.constant 0.000000e+00 : f32
      %reduce_or3A_841 = arith.cmpf ogt, %reduce_or3A_839, %reduce_or3A_840 : f32
      scf.yield %add3A_822, %reduce_or3A_841 : vector<16x1xi32>, i1
    }
    %get3A_134 = arith.constant 0 : index
    %get3A_135 = arith.constant 0 : index
    %get3A_136 = vector.load %arg1[%get3A_134, %get3A_135] : memref<16x16xf32, #tpu.memory_space<vmem>>, vector<16x1xf32>
    %get3A_137 = arith.constant 0 : index
    %get3A_138 = arith.constant 0 : index
    %get3A_139 = arith.constant 0 : index
    %get3A_140 = vector.load %arg0[%get3A_137, %get3A_138, %get3A_139] : memref<16x5x20480xf32, #tpu.memory_space<vmem>>, vector<16x1x20480xf32>
    %get3A_141 = vector.shape_cast %get3A_140 : vector<16x1x20480xf32> to vector<16x20480xf32>
    %gt3A = vector.broadcast %get3A_136 : vector<16x1xf32> to vector<16x20480xf32>
    %gt3A_142 = arith.cmpf ogt, %get3A_141, %gt3A : vector<16x20480xf32>
    %jit3A = arith.constant 0xFF800000 : f32
    %broadcast_in_dim3A_143 = vector.broadcast %jit3A : f32 to vector<16x20480xf32>
    %select_n3A = arith.select %gt3A_142, %broadcast_in_dim3A_143, %get3A_141 : vector<16x20480xi1>, vector<16x20480xf32>
    %swap3A_144 = arith.constant 0 : index
    %swap3A_145 = arith.constant 0 : index
    %swap3A_146 = vector.load %arg4[%swap3A_144, %swap3A_145] : memref<16x20480xf32, #tpu.memory_space<vmem>>, vector<16x20480xf32>
    tpu.vector_store %arg4[%swap3A_144, %swap3A_145], %select_n3A {strides = array<i32>} : memref<16x20480xf32, #tpu.memory_space<vmem>>, vector<16x20480xf32>,
    %lt3A = arith.constant 300 : i32
    %lt3A_147 = vector.broadcast %lt3A : i32 to vector<16x1xi32>
    %lt3A_148 = arith.cmpi slt, %while3A_133#0, %lt3A_147 : vector<16x1xi32>
    %reduce_or3A = arith.constant 1.000000e+00 : f32
    %reduce_or3A_149 = arith.constant 0.000000e+00 : f32
    %reduce_or3A_150 = vector.broadcast %reduce_or3A : f32 to vector<16x1xf32>
    %reduce_or3A_151 = vector.broadcast %reduce_or3A_149 : f32 to vector<16x1xf32>
    %reduce_or3A_152 = arith.select %lt3A_148, %reduce_or3A_150, %reduce_or3A_151 : vector<16x1xi1>, vector<16x1xf32>
    %reduce_or3A_153 = vector.shape_cast %reduce_or3A_152 : vector<16x1xf32> to vector<1x16x1xf32>
    %reduce_or3A_154 = arith.constant dense<0xFF800000> : vector<1xf32>
    %reduce_or3A_155 = vector.multi_reduction <maximumf>, %reduce_or3A_153, %reduce_or3A_154 [1, 2] : vector<1x16x1xf32> to vector<1xf32>
    %reduce_or3A_156 = vector.shape_cast %reduce_or3A_155 : vector<1xf32> to vector<1x1x1xf32>
    %reduce_or3A_157 = vector.extract %reduce_or3A_156[0, 0, 0] : f32 from vector<1x1x1xf32>
    %reduce_or3A_158 = arith.constant 0.000000e+00 : f32
    %reduce_or3A_159 = arith.cmpf ogt, %reduce_or3A_157, %reduce_or3A_158 : f32
    %while3A_160:2 = scf.while (%while3A_161 = %while3A_133#0, %while3A_162 = %reduce_or3A_159) : (vector<16x1xi32>, i1) -> (vector<16x1xi32>, i1) {
      scf.condition(%while3A_162) %while3A_161, %while3A_162 : vector<16x1xi32>, i1
    } do {
    ^bb0(%while3A_161: vector<16x1xi32>, %while3A_162: i1):
      %get3A_163 = arith.constant 0 : index
      %get3A_164 = arith.constant 0 : index
      %get3A_165 = vector.load %arg4[%get3A_163, %get3A_164] : memref<16x20480xf32, #tpu.memory_space<vmem>>, vector<16x20480xf32>
      %reduce_max3A = arith.constant dense<0xFF800000> : vector<16xf32>
      %reduce_max3A_166 = vector.multi_reduction <maximumf>, %get3A_165, %reduce_max3A [1] : vector<16x20480xf32> to vector<16xf32>
      %broadcast_in_dim3A_167 = vector.shape_cast %reduce_max3A_166 : vector<16xf32> to vector<16x1xf32>
      %eq3A = vector.broadcast %broadcast_in_dim3A_167 : vector<16x1xf32> to vector<16x20480xf32>
      %eq3A_168 = arith.cmpf oeq, %get3A_165, %eq3A : vector<16x20480xf32>
      %jit3A_169 = arith.constant 20480 : i32
      %broadcast_in_dim3A_170 = vector.broadcast %jit3A_169 : i32 to vector<16x20480xi32>
      %select_n3A_171 = arith.select %eq3A_168, %iota3A_129, %broadcast_in_dim3A_170 : vector<16x20480xi1>, vector<16x20480xi32>
      %reduce_min3A = arith.constant dense<2147483647> : vector<16xi32>
      %reduce_min3A_172 = vector.multi_reduction <minsi>, %select_n3A_171, %reduce_min3A [1] : vector<16x20480xi32> to vector<16xi32>
      %broadcast_in_dim3A_173 = vector.shape_cast %reduce_min3A_172 : vector<16xi32> to vector<16x1xi32>
      %eq3A_174 = vector.broadcast %broadcast_in_dim3A_173 : vector<16x1xi32> to vector<16x20480xi32>
      %eq3A_175 = arith.cmpi eq, %iota3A_129, %eq3A_174 : vector<16x20480xi32>
      %jit3A_176 = arith.constant 0xFF800000 : f32
      %broadcast_in_dim3A_177 = vector.broadcast %jit3A_176 : f32 to vector<16x20480xf32>
      %select_n3A_178 = arith.select %eq3A_175, %broadcast_in_dim3A_177, %get3A_165 : vector<16x20480xi1>, vector<16x20480xf32>
      %swap3A_179 = arith.constant 0 : index
      %swap3A_180 = arith.constant 0 : index
      %swap3A_181 = vector.load %arg4[%swap3A_179, %swap3A_180] : memref<16x20480xf32, #tpu.memory_space<vmem>>, vector<16x20480xf32>
      tpu.vector_store %arg4[%swap3A_179, %swap3A_180], %select_n3A_178 {strides = array<i32>} : memref<16x20480xf32, #tpu.memory_space<vmem>>, vector<16x20480xf32>,
      %get3A_182 = arith.constant 0 : index
      %get3A_183 = arith.constant 1 : index
      %get3A_184 = arith.constant 0 : index
      %get3A_185 = vector.load %arg0[%get3A_182, %get3A_183, %get3A_184] : memref<16x5x20480xf32, #tpu.memory_space<vmem>>, vector<16x1x20480xf32>
      %get3A_186 = vector.shape_cast %get3A_185 : vector<16x1x20480xf32> to vector<16x20480xf32>
      %jit3A_187 = arith.constant 0.000000e+00 : f32
      %broadcast_in_dim3A_188 = vector.broadcast %jit3A_187 : f32 to vector<16x20480xf32>
      %select_n3A_189 = arith.select %eq3A_175, %get3A_186, %broadcast_in_dim3A_188 : vector<16x20480xi1>, vector<16x20480xf32>
      %reduce_sum3A = arith.constant dense<0.000000e+00> : vector<16xf32>
      %reduce_sum3A_190 = vector.multi_reduction <add>, %select_n3A_189, %reduce_sum3A [1] : vector<16x20480xf32> to vector<16xf32>
      %broadcast_in_dim3A_191 = vector.shape_cast %reduce_sum3A_190 : vector<16xf32> to vector<16x1xf32>
      %get3A_192 = arith.constant 0 : index
      %get3A_193 = arith.constant 2 : index
      %get3A_194 = arith.constant 0 : index
      %get3A_195 = vector.load %arg0[%get3A_192, %get3A_193, %get3A_194] : memref<16x5x20480xf32, #tpu.memory_space<vmem>>, vector<16x1x20480xf32>
      %get3A_196 = vector.shape_cast %get3A_195 : vector<16x1x20480xf32> to vector<16x20480xf32>
      %jit3A_197 = arith.constant 0.000000e+00 : f32
      %broadcast_in_dim3A_198 = vector.broadcast %jit3A_197 : f32 to vector<16x20480xf32>
      %select_n3A_199 = arith.select %eq3A_175, %get3A_196, %broadcast_in_dim3A_198 : vector<16x20480xi1>, vector<16x20480xf32>
      %reduce_sum3A_200 = arith.constant dense<0.000000e+00> : vector<16xf32>
      %reduce_sum3A_201 = vector.multi_reduction <add>, %select_n3A_199, %reduce_sum3A_200 [1] : vector<16x20480xf32> to vector<16xf32>
      %broadcast_in_dim3A_202 = vector.shape_cast %reduce_sum3A_201 : vector<16xf32> to vector<16x1xf32>
      %get3A_203 = arith.constant 0 : index
      %get3A_204 = arith.constant 3 : index
      %get3A_205 = arith.constant 0 : index
      %get3A_206 = vector.load %arg0[%get3A_203, %get3A_204, %get3A_205] : memref<16x5x20480xf32, #tpu.memory_space<vmem>>, vector<16x1x20480xf32>
      %get3A_207 = vector.shape_cast %get3A_206 : vector<16x1x20480xf32> to vector<16x20480xf32>
      %jit3A_208 = arith.constant 0.000000e+00 : f32
      %broadcast_in_dim3A_209 = vector.broadcast %jit3A_208 : f32 to vector<16x20480xf32>
      %select_n3A_210 = arith.select %eq3A_175, %get3A_207, %broadcast_in_dim3A_209 : vector<16x20480xi1>, vector<16x20480xf32>
      %reduce_sum3A_211 = arith.constant dense<0.000000e+00> : vector<16xf32>
      %reduce_sum3A_212 = vector.multi_reduction <add>, %select_n3A_210, %reduce_sum3A_211 [1] : vector<16x20480xf32> to vector<16xf32>
      %broadcast_in_dim3A_213 = vector.shape_cast %reduce_sum3A_212 : vector<16xf32> to vector<16x1xf32>
      %get3A_214 = arith.constant 0 : index
      %get3A_215 = arith.constant 4 : index
      %get3A_216 = arith.constant 0 : index
      %get3A_217 = vector.load %arg0[%get3A_214, %get3A_215, %get3A_216] : memref<16x5x20480xf32, #tpu.memory_space<vmem>>, vector<16x1x20480xf32>
      %get3A_218 = vector.shape_cast %get3A_217 : vector<16x1x20480xf32> to vector<16x20480xf32>
      %jit3A_219 = arith.constant 0.000000e+00 : f32
      %broadcast_in_dim3A_220 = vector.broadcast %jit3A_219 : f32 to vector<16x20480xf32>
      %select_n3A_221 = arith.select %eq3A_175, %get3A_218, %broadcast_in_dim3A_220 : vector<16x20480xi1>, vector<16x20480xf32>
      %reduce_sum3A_222 = arith.constant dense<0.000000e+00> : vector<16xf32>
      %reduce_sum3A_223 = vector.multi_reduction <add>, %select_n3A_221, %reduce_sum3A_222 [1] : vector<16x20480xf32> to vector<16xf32>
      %broadcast_in_dim3A_224 = vector.shape_cast %reduce_sum3A_223 : vector<16xf32> to vector<16x1xf32>
      %add3A = arith.constant 1.562500e-03 : f32
      %add3A_225 = vector.broadcast %add3A : f32 to vector<16x1xf32>
      %add3A_226 = arith.addf %broadcast_in_dim3A_191, %add3A_225 : vector<16x1xf32>
      %floor3A = math.floor %add3A_226 : vector<16x1xf32>
      %sub3A = arith.subf %broadcast_in_dim3A_213, %broadcast_in_dim3A_191 : vector<16x1xf32>
      %max3A = arith.constant 0.000000e+00 : f32
      %max3A_227 = vector.broadcast %max3A : f32 to vector<16x1xf32>
      %max3A_228 = arith.maximumf %sub3A, %max3A_227 : vector<16x1xf32>
      %sub3A_229 = arith.subf %broadcast_in_dim3A_224, %broadcast_in_dim3A_202 : vector<16x1xf32>
      %max3A_230 = arith.constant 0.000000e+00 : f32
      %max3A_231 = vector.broadcast %max3A_230 : f32 to vector<16x1xf32>
      %max3A_232 = arith.maximumf %sub3A_229, %max3A_231 : vector<16x1xf32>
      %mul3A = arith.mulf %max3A_228, %max3A_232 : vector<16x1xf32>
      %get3A_233 = arith.constant 0 : index
      %get3A_234 = arith.constant 0 : index
      %get3A_235 = arith.constant 0 : index
      %get3A_236 = vector.load %arg7[%get3A_233, %get3A_234, %get3A_235] : memref<5x16x512xf32, #tpu.memory_space<vmem>>, vector<1x16x512xf32>
      %get3A_237 = vector.shape_cast %get3A_236 : vector<1x16x512xf32> to vector<16x512xf32>
      %get3A_238 = arith.constant 1 : index
      %get3A_239 = arith.constant 0 : index
      %get3A_240 = arith.constant 0 : index
      %get3A_241 = vector.load %arg7[%get3A_238, %get3A_239, %get3A_240] : memref<5x16x512xf32, #tpu.memory_space<vmem>>, vector<1x16x512xf32>
      %get3A_242 = vector.shape_cast %get3A_241 : vector<1x16x512xf32> to vector<16x512xf32>
      %get3A_243 = arith.constant 2 : index
      %get3A_244 = arith.constant 0 : index
      %get3A_245 = arith.constant 0 : index
      %get3A_246 = vector.load %arg7[%get3A_243, %get3A_244, %get3A_245] : memref<5x16x512xf32, #tpu.memory_space<vmem>>, vector<1x16x512xf32>
      %get3A_247 = vector.shape_cast %get3A_246 : vector<1x16x512xf32> to vector<16x512xf32>
      %get3A_248 = arith.constant 3 : index
      %get3A_249 = arith.constant 0 : index
      %get3A_250 = arith.constant 0 : index
      %get3A_251 = vector.load %arg7[%get3A_248, %get3A_249, %get3A_250] : memref<5x16x512xf32, #tpu.memory_space<vmem>>, vector<1x16x512xf32>
      %get3A_252 = vector.shape_cast %get3A_251 : vector<1x16x512xf32> to vector<16x512xf32>
      %get3A_253 = arith.constant 4 : index
      %get3A_254 = arith.constant 0 : index
      %get3A_255 = arith.constant 0 : index
      %get3A_256 = vector.load %arg7[%get3A_253, %get3A_254, %get3A_255] : memref<5x16x512xf32, #tpu.memory_space<vmem>>, vector<1x16x512xf32>
      %get3A_257 = vector.shape_cast %get3A_256 : vector<1x16x512xf32> to vector<16x512xf32>
      %min3A = vector.broadcast %broadcast_in_dim3A_213 : vector<16x1xf32> to vector<16x512xf32>
      %min3A_258 = arith.minimumf %min3A, %get3A_247 : vector<16x512xf32>
      %max3A_259 = vector.broadcast %broadcast_in_dim3A_191 : vector<16x1xf32> to vector<16x512xf32>
      %max3A_260 = arith.maximumf %max3A_259, %get3A_237 : vector<16x512xf32>
      %sub3A_261 = arith.subf %min3A_258, %max3A_260 : vector<16x512xf32>
      %max3A_262 = arith.constant 0.000000e+00 : f32
      %max3A_263 = vector.broadcast %max3A_262 : f32 to vector<16x512xf32>
      %max3A_264 = arith.maximumf %sub3A_261, %max3A_263 : vector<16x512xf32>
      %min3A_265 = vector.broadcast %broadcast_in_dim3A_224 : vector<16x1xf32> to vector<16x512xf32>
      %min3A_266 = arith.minimumf %min3A_265, %get3A_252 : vector<16x512xf32>
      %max3A_267 = vector.broadcast %broadcast_in_dim3A_202 : vector<16x1xf32> to vector<16x512xf32>
      %max3A_268 = arith.maximumf %max3A_267, %get3A_242 : vector<16x512xf32>
      %sub3A_269 = arith.subf %min3A_266, %max3A_268 : vector<16x512xf32>
      %max3A_270 = arith.constant 0.000000e+00 : f32
      %max3A_271 = vector.broadcast %max3A_270 : f32 to vector<16x512xf32>
      %max3A_272 = arith.maximumf %sub3A_269, %max3A_271 : vector<16x512xf32>
      %mul3A_273 = arith.mulf %max3A_264, %max3A_272 : vector<16x512xf32>
      %add3A_274 = vector.broadcast %mul3A : vector<16x1xf32> to vector<16x512xf32>
      %add3A_275 = arith.addf %get3A_257, %add3A_274 : vector<16x512xf32>
      %sub3A_276 = arith.subf %add3A_275, %mul3A_273 : vector<16x512xf32>
      %add3A_277 = arith.constant 1.000000e-07 : f32
      %add3A_278 = vector.broadcast %add3A_277 : f32 to vector<16x512xf32>
      %add3A_279 = arith.addf %sub3A_276, %add3A_278 : vector<16x512xf32>
      %div3A = arith.divf %mul3A_273, %add3A_279 : vector<16x512xf32>
      %gt3A_280 = arith.constant 4.500000e-01 : f32
      %gt3A_281 = vector.broadcast %gt3A_280 : f32 to vector<16x512xf32>
      %gt3A_282 = arith.cmpf ogt, %div3A, %gt3A_281 : vector<16x512xf32>
      %jit3A_283 = arith.constant 1.000000e+00 : f32
      %jit3A_284 = arith.constant 0.000000e+00 : f32
      %broadcast_in_dim3A_285 = vector.broadcast %jit3A_283 : f32 to vector<16x512xf32>
      %broadcast_in_dim3A_286 = vector.broadcast %jit3A_284 : f32 to vector<16x512xf32>
      %select_n3A_287 = arith.select %gt3A_282, %broadcast_in_dim3A_285, %broadcast_in_dim3A_286 : vector<16x512xi1>, vector<16x512xf32>
      %reduce_max3A_288 = arith.constant dense<0xFF800000> : vector<16xf32>
      %reduce_max3A_289 = vector.multi_reduction <maximumf>, %select_n3A_287, %reduce_max3A_288 [1] : vector<16x512xf32> to vector<16xf32>
      %broadcast_in_dim3A_290 = vector.shape_cast %reduce_max3A_289 : vector<16xf32> to vector<16x1xf32>
      %gt3A_291 = arith.constant 0.000000e+00 : f32
      %gt3A_292 = vector.broadcast %gt3A_291 : f32 to vector<16x1xf32>
      %gt3A_293 = arith.cmpf ogt, %broadcast_in_dim3A_290, %gt3A_292 : vector<16x1xf32>
      %gt3A_294 = arith.constant 0xFF800000 : f32
      %gt3A_295 = vector.broadcast %gt3A_294 : f32 to vector<16x1xf32>
      %gt3A_296 = arith.cmpf ogt, %broadcast_in_dim3A_167, %gt3A_295 : vector<16x1xf32>
      %not3A = arith.constant dense<true> : vector<16x1xi1>
      %not3A_297 = arith.xori %gt3A_293, %not3A : vector<16x1xi1>
      %and3A = arith.andi %gt3A_296, %not3A_297 : vector<16x1xi1>
      %lt3A_298 = arith.constant 300 : i32
      %lt3A_299 = vector.broadcast %lt3A_298 : i32 to vector<16x1xi32>
      %lt3A_300 = arith.cmpi slt, %while3A_161, %lt3A_299 : vector<16x1xi32>
      %and3A_301 = arith.andi %and3A, %lt3A_300 : vector<16x1xi1>
      %eq3A_302 = vector.broadcast %while3A_161 : vector<16x1xi32> to vector<16x512xi32>
      %eq3A_303 = arith.cmpi eq, %iota3A_130, %eq3A_302 : vector<16x512xi32>
      %and3A_304 = vector.broadcast %and3A_301 : vector<16x1xi1> to vector<16x512xi1>
      %and3A_305 = arith.andi %eq3A_303, %and3A_304 : vector<16x512xi1>
      %broadcast_in_dim3A_306 = vector.shape_cast %broadcast_in_dim3A_191 : vector<16x1xf32> to vector<16x1xf32>
      %broadcast_in_dim3A_307 = vector.broadcast %broadcast_in_dim3A_306 : vector<16x1xf32> to vector<16x512xf32>
      %select_n3A_308 = arith.select %and3A_305, %broadcast_in_dim3A_307, %get3A_237 : vector<16x512xi1>, vector<16x512xf32>
      %swap3A_309 = arith.constant 0 : index
      %swap3A_310 = arith.constant 0 : index
      %swap3A_311 = arith.constant 0 : index
      %swap3A_312 = vector.load %arg7[%swap3A_309, %swap3A_310, %swap3A_311] : memref<5x16x512xf32, #tpu.memory_space<vmem>>, vector<1x16x512xf32>
      %swap3A_313 = vector.shape_cast %swap3A_312 : vector<1x16x512xf32> to vector<16x512xf32>
      %swap3A_314 = vector.shape_cast %select_n3A_308 : vector<16x512xf32> to vector<1x16x512xf32>
      tpu.vector_store %arg7[%swap3A_309, %swap3A_310, %swap3A_311], %swap3A_314 {strides = array<i32>} : memref<5x16x512xf32, #tpu.memory_space<vmem>>, vector<1x16x512xf32>,
      %broadcast_in_dim3A_315 = vector.shape_cast %broadcast_in_dim3A_202 : vector<16x1xf32> to vector<16x1xf32>
      %broadcast_in_dim3A_316 = vector.broadcast %broadcast_in_dim3A_315 : vector<16x1xf32> to vector<16x512xf32>
      %select_n3A_317 = arith.select %and3A_305, %broadcast_in_dim3A_316, %get3A_242 : vector<16x512xi1>, vector<16x512xf32>
      %swap3A_318 = arith.constant 1 : index
      %swap3A_319 = arith.constant 0 : index
      %swap3A_320 = arith.constant 0 : index
      %swap3A_321 = vector.load %arg7[%swap3A_318, %swap3A_319, %swap3A_320] : memref<5x16x512xf32, #tpu.memory_space<vmem>>, vector<1x16x512xf32>
      %swap3A_322 = vector.shape_cast %swap3A_321 : vector<1x16x512xf32> to vector<16x512xf32>
      %swap3A_323 = vector.shape_cast %select_n3A_317 : vector<16x512xf32> to vector<1x16x512xf32>
      tpu.vector_store %arg7[%swap3A_318, %swap3A_319, %swap3A_320], %swap3A_323 {strides = array<i32>} : memref<5x16x512xf32, #tpu.memory_space<vmem>>, vector<1x16x512xf32>,
      %broadcast_in_dim3A_324 = vector.shape_cast %broadcast_in_dim3A_213 : vector<16x1xf32> to vector<16x1xf32>
      %broadcast_in_dim3A_325 = vector.broadcast %broadcast_in_dim3A_324 : vector<16x1xf32> to vector<16x512xf32>
      %select_n3A_326 = arith.select %and3A_305, %broadcast_in_dim3A_325, %get3A_247 : vector<16x512xi1>, vector<16x512xf32>
      %swap3A_327 = arith.constant 2 : index
      %swap3A_328 = arith.constant 0 : index
      %swap3A_329 = arith.constant 0 : index
      %swap3A_330 = vector.load %arg7[%swap3A_327, %swap3A_328, %swap3A_329] : memref<5x16x512xf32, #tpu.memory_space<vmem>>, vector<1x16x512xf32>
      %swap3A_331 = vector.shape_cast %swap3A_330 : vector<1x16x512xf32> to vector<16x512xf32>
      %swap3A_332 = vector.shape_cast %select_n3A_326 : vector<16x512xf32> to vector<1x16x512xf32>
      tpu.vector_store %arg7[%swap3A_327, %swap3A_328, %swap3A_329], %swap3A_332 {strides = array<i32>} : memref<5x16x512xf32, #tpu.memory_space<vmem>>, vector<1x16x512xf32>,
      %broadcast_in_dim3A_333 = vector.shape_cast %broadcast_in_dim3A_224 : vector<16x1xf32> to vector<16x1xf32>
      %broadcast_in_dim3A_334 = vector.broadcast %broadcast_in_dim3A_333 : vector<16x1xf32> to vector<16x512xf32>
      %select_n3A_335 = arith.select %and3A_305, %broadcast_in_dim3A_334, %get3A_252 : vector<16x512xi1>, vector<16x512xf32>
      %swap3A_336 = arith.constant 3 : index
      %swap3A_337 = arith.constant 0 : index
      %swap3A_338 = arith.constant 0 : index
      %swap3A_339 = vector.load %arg7[%swap3A_336, %swap3A_337, %swap3A_338] : memref<5x16x512xf32, #tpu.memory_space<vmem>>, vector<1x16x512xf32>
      %swap3A_340 = vector.shape_cast %swap3A_339 : vector<1x16x512xf32> to vector<16x512xf32>
      %swap3A_341 = vector.shape_cast %select_n3A_335 : vector<16x512xf32> to vector<1x16x512xf32>
      tpu.vector_store %arg7[%swap3A_336, %swap3A_337, %swap3A_338], %swap3A_341 {strides = array<i32>} : memref<5x16x512xf32, #tpu.memory_space<vmem>>, vector<1x16x512xf32>,
      %broadcast_in_dim3A_342 = vector.shape_cast %mul3A : vector<16x1xf32> to vector<16x1xf32>
      %broadcast_in_dim3A_343 = vector.broadcast %broadcast_in_dim3A_342 : vector<16x1xf32> to vector<16x512xf32>
      %select_n3A_344 = arith.select %and3A_305, %broadcast_in_dim3A_343, %get3A_257 : vector<16x512xi1>, vector<16x512xf32>
      %swap3A_345 = arith.constant 4 : index
      %swap3A_346 = arith.constant 0 : index
      %swap3A_347 = arith.constant 0 : index
      %swap3A_348 = vector.load %arg7[%swap3A_345, %swap3A_346, %swap3A_347] : memref<5x16x512xf32, #tpu.memory_space<vmem>>, vector<1x16x512xf32>
      %swap3A_349 = vector.shape_cast %swap3A_348 : vector<1x16x512xf32> to vector<16x512xf32>
      %swap3A_350 = vector.shape_cast %select_n3A_344 : vector<16x512xf32> to vector<1x16x512xf32>
      tpu.vector_store %arg7[%swap3A_345, %swap3A_346, %swap3A_347], %swap3A_350 {strides = array<i32>} : memref<5x16x512xf32, #tpu.memory_space<vmem>>, vector<1x16x512xf32>,
      %sub3A_351 = arith.subf %broadcast_in_dim3A_191, %floor3A : vector<16x1xf32>
      %mul3A_352 = arith.constant 6.400000e+02 : f32
      %mul3A_353 = vector.broadcast %mul3A_352 : f32 to vector<16x1xf32>
      %mul3A_354 = arith.mulf %sub3A_351, %mul3A_353 : vector<16x1xf32>
      %get3A_355 = arith.constant 0 : index
      %get3A_356 = arith.constant 0 : index
      %get3A_357 = arith.constant 0 : index
      %get3A_358 = vector.load %arg3[%get3A_355, %get3A_356, %get3A_357] : memref<6x16x512xf32, #tpu.memory_space<vmem>>, vector<1x16x512xf32>
      %get3A_359 = vector.shape_cast %get3A_358 : vector<1x16x512xf32> to vector<16x512xf32>
      %broadcast_in_dim3A_360 = vector.shape_cast %mul3A_354 : vector<16x1xf32> to vector<16x1xf32>
      %broadcast_in_dim3A_361 = vector.broadcast %broadcast_in_dim3A_360 : vector<16x1xf32> to vector<16x512xf32>
      %select_n3A_362 = arith.select %and3A_305, %broadcast_in_dim3A_361, %get3A_359 : vector<16x512xi1>, vector<16x512xf32>
      %swap3A_363 = arith.constant 0 : index
      %swap3A_364 = arith.constant 0 : index
      %swap3A_365 = arith.constant 0 : index
      %swap3A_366 = vector.load %arg3[%swap3A_363, %swap3A_364, %swap3A_365] : memref<6x16x512xf32, #tpu.memory_space<vmem>>, vector<1x16x512xf32>
      %swap3A_367 = vector.shape_cast %swap3A_366 : vector<1x16x512xf32> to vector<16x512xf32>
      %swap3A_368 = vector.shape_cast %select_n3A_362 : vector<16x512xf32> to vector<1x16x512xf32>
      tpu.vector_store %arg3[%swap3A_363, %swap3A_364, %swap3A_365], %swap3A_368 {strides = array<i32>} : memref<6x16x512xf32, #tpu.memory_space<vmem>>, vector<1x16x512xf32>,
      %sub3A_369 = arith.subf %broadcast_in_dim3A_202, %floor3A : vector<16x1xf32>
      %mul3A_370 = arith.constant 6.400000e+02 : f32
      %mul3A_371 = vector.broadcast %mul3A_370 : f32 to vector<16x1xf32>
      %mul3A_372 = arith.mulf %sub3A_369, %mul3A_371 : vector<16x1xf32>
      %get3A_373 = arith.constant 1 : index
      %get3A_374 = arith.constant 0 : index
      %get3A_375 = arith.constant 0 : index
      %get3A_376 = vector.load %arg3[%get3A_373, %get3A_374, %get3A_375] : memref<6x16x512xf32, #tpu.memory_space<vmem>>, vector<1x16x512xf32>
      %get3A_377 = vector.shape_cast %get3A_376 : vector<1x16x512xf32> to vector<16x512xf32>
      %broadcast_in_dim3A_378 = vector.shape_cast %mul3A_372 : vector<16x1xf32> to vector<16x1xf32>
      %broadcast_in_dim3A_379 = vector.broadcast %broadcast_in_dim3A_378 : vector<16x1xf32> to vector<16x512xf32>
      %select_n3A_380 = arith.select %and3A_305, %broadcast_in_dim3A_379, %get3A_377 : vector<16x512xi1>, vector<16x512xf32>
      %swap3A_381 = arith.constant 1 : index
      %swap3A_382 = arith.constant 0 : index
      %swap3A_383 = arith.constant 0 : index
      %swap3A_384 = vector.load %arg3[%swap3A_381, %swap3A_382, %swap3A_383] : memref<6x16x512xf32, #tpu.memory_space<vmem>>, vector<1x16x512xf32>
      %swap3A_385 = vector.shape_cast %swap3A_384 : vector<1x16x512xf32> to vector<16x512xf32>
      %swap3A_386 = vector.shape_cast %select_n3A_380 : vector<16x512xf32> to vector<1x16x512xf32>
      tpu.vector_store %arg3[%swap3A_381, %swap3A_382, %swap3A_383], %swap3A_386 {strides = array<i32>} : memref<6x16x512xf32, #tpu.memory_space<vmem>>, vector<1x16x512xf32>,
      %sub3A_387 = arith.subf %broadcast_in_dim3A_213, %floor3A : vector<16x1xf32>
      %mul3A_388 = arith.constant 6.400000e+02 : f32
      %mul3A_389 = vector.broadcast %mul3A_388 : f32 to vector<16x1xf32>
      %mul3A_390 = arith.mulf %sub3A_387, %mul3A_389 : vector<16x1xf32>
      %get3A_391 = arith.constant 2 : index
      %get3A_392 = arith.constant 0 : index
      %get3A_393 = arith.constant 0 : index
      %get3A_394 = vector.load %arg3[%get3A_391, %get3A_392, %get3A_393] : memref<6x16x512xf32, #tpu.memory_space<vmem>>, vector<1x16x512xf32>
      %get3A_395 = vector.shape_cast %get3A_394 : vector<1x16x512xf32> to vector<16x512xf32>
      %broadcast_in_dim3A_396 = vector.shape_cast %mul3A_390 : vector<16x1xf32> to vector<16x1xf32>
      %broadcast_in_dim3A_397 = vector.broadcast %broadcast_in_dim3A_396 : vector<16x1xf32> to vector<16x512xf32>
      %select_n3A_398 = arith.select %and3A_305, %broadcast_in_dim3A_397, %get3A_395 : vector<16x512xi1>, vector<16x512xf32>
      %swap3A_399 = arith.constant 2 : index
      %swap3A_400 = arith.constant 0 : index
      %swap3A_401 = arith.constant 0 : index
      %swap3A_402 = vector.load %arg3[%swap3A_399, %swap3A_400, %swap3A_401] : memref<6x16x512xf32, #tpu.memory_space<vmem>>, vector<1x16x512xf32>
      %swap3A_403 = vector.shape_cast %swap3A_402 : vector<1x16x512xf32> to vector<16x512xf32>
      %swap3A_404 = vector.shape_cast %select_n3A_398 : vector<16x512xf32> to vector<1x16x512xf32>
      tpu.vector_store %arg3[%swap3A_399, %swap3A_400, %swap3A_401], %swap3A_404 {strides = array<i32>} : memref<6x16x512xf32, #tpu.memory_space<vmem>>, vector<1x16x512xf32>,
      %sub3A_405 = arith.subf %broadcast_in_dim3A_224, %floor3A : vector<16x1xf32>
      %mul3A_406 = arith.constant 6.400000e+02 : f32
      %mul3A_407 = vector.broadcast %mul3A_406 : f32 to vector<16x1xf32>
      %mul3A_408 = arith.mulf %sub3A_405, %mul3A_407 : vector<16x1xf32>
      %get3A_409 = arith.constant 3 : index
      %get3A_410 = arith.constant 0 : index
      %get3A_411 = arith.constant 0 : index
      %get3A_412 = vector.load %arg3[%get3A_409, %get3A_410, %get3A_411] : memref<6x16x512xf32, #tpu.memory_space<vmem>>, vector<1x16x512xf32>
      %get3A_413 = vector.shape_cast %get3A_412 : vector<1x16x512xf32> to vector<16x512xf32>
      %broadcast_in_dim3A_414 = vector.shape_cast %mul3A_408 : vector<16x1xf32> to vector<16x1xf32>
      %broadcast_in_dim3A_415 = vector.broadcast %broadcast_in_dim3A_414 : vector<16x1xf32> to vector<16x512xf32>
      %select_n3A_416 = arith.select %and3A_305, %broadcast_in_dim3A_415, %get3A_413 : vector<16x512xi1>, vector<16x512xf32>
      %swap3A_417 = arith.constant 3 : index
      %swap3A_418 = arith.constant 0 : index
      %swap3A_419 = arith.constant 0 : index
      %swap3A_420 = vector.load %arg3[%swap3A_417, %swap3A_418, %swap3A_419] : memref<6x16x512xf32, #tpu.memory_space<vmem>>, vector<1x16x512xf32>
      %swap3A_421 = vector.shape_cast %swap3A_420 : vector<1x16x512xf32> to vector<16x512xf32>
      %swap3A_422 = vector.shape_cast %select_n3A_416 : vector<16x512xf32> to vector<1x16x512xf32>
      tpu.vector_store %arg3[%swap3A_417, %swap3A_418, %swap3A_419], %swap3A_422 {strides = array<i32>} : memref<6x16x512xf32, #tpu.memory_space<vmem>>, vector<1x16x512xf32>,
      %get3A_423 = arith.constant 4 : index
      %get3A_424 = arith.constant 0 : index
      %get3A_425 = arith.constant 0 : index
      %get3A_426 = vector.load %arg3[%get3A_423, %get3A_424, %get3A_425] : memref<6x16x512xf32, #tpu.memory_space<vmem>>, vector<1x16x512xf32>
      %get3A_427 = vector.shape_cast %get3A_426 : vector<1x16x512xf32> to vector<16x512xf32>
      %broadcast_in_dim3A_428 = vector.shape_cast %broadcast_in_dim3A_167 : vector<16x1xf32> to vector<16x1xf32>
      %broadcast_in_dim3A_429 = vector.broadcast %broadcast_in_dim3A_428 : vector<16x1xf32> to vector<16x512xf32>
      %select_n3A_430 = arith.select %and3A_305, %broadcast_in_dim3A_429, %get3A_427 : vector<16x512xi1>, vector<16x512xf32>
      %swap3A_431 = arith.constant 4 : index
      %swap3A_432 = arith.constant 0 : index
      %swap3A_433 = arith.constant 0 : index
      %swap3A_434 = vector.load %arg3[%swap3A_431, %swap3A_432, %swap3A_433] : memref<6x16x512xf32, #tpu.memory_space<vmem>>, vector<1x16x512xf32>
      %swap3A_435 = vector.shape_cast %swap3A_434 : vector<1x16x512xf32> to vector<16x512xf32>
      %swap3A_436 = vector.shape_cast %select_n3A_430 : vector<16x512xf32> to vector<1x16x512xf32>
      tpu.vector_store %arg3[%swap3A_431, %swap3A_432, %swap3A_433], %swap3A_436 {strides = array<i32>} : memref<6x16x512xf32, #tpu.memory_space<vmem>>, vector<1x16x512xf32>,
      %get3A_437 = arith.constant 5 : index
      %get3A_438 = arith.constant 0 : index
      %get3A_439 = arith.constant 0 : index
      %get3A_440 = vector.load %arg3[%get3A_437, %get3A_438, %get3A_439] : memref<6x16x512xf32, #tpu.memory_space<vmem>>, vector<1x16x512xf32>
      %get3A_441 = vector.shape_cast %get3A_440 : vector<1x16x512xf32> to vector<16x512xf32>
      %broadcast_in_dim3A_442 = vector.shape_cast %floor3A : vector<16x1xf32> to vector<16x1xf32>
      %broadcast_in_dim3A_443 = vector.broadcast %broadcast_in_dim3A_442 : vector<16x1xf32> to vector<16x512xf32>
      %select_n3A_444 = arith.select %and3A_305, %broadcast_in_dim3A_443, %get3A_441 : vector<16x512xi1>, vector<16x512xf32>
      %swap3A_445 = arith.constant 5 : index
      %swap3A_446 = arith.constant 0 : index
      %swap3A_447 = arith.constant 0 : index
      %swap3A_448 = vector.load %arg3[%swap3A_445, %swap3A_446, %swap3A_447] : memref<6x16x512xf32, #tpu.memory_space<vmem>>, vector<1x16x512xf32>
      %swap3A_449 = vector.shape_cast %swap3A_448 : vector<1x16x512xf32> to vector<16x512xf32>
      %swap3A_450 = vector.shape_cast %select_n3A_444 : vector<16x512xf32> to vector<1x16x512xf32>
      tpu.vector_store %arg3[%swap3A_445, %swap3A_446, %swap3A_447], %swap3A_450 {strides = array<i32>} : memref<6x16x512xf32, #tpu.memory_space<vmem>>, vector<1x16x512xf32>,
      %convert_element_type3A = arith.extui %and3A_301 : vector<16x1xi1> to vector<16x1xi32>
      %add3A_451 = arith.addi %while3A_161, %convert_element_type3A : vector<16x1xi32>
      %lt3A_452 = arith.constant 300 : i32
      %lt3A_453 = vector.broadcast %lt3A_452 : i32 to vector<16x1xi32>
      %lt3A_454 = arith.cmpi slt, %add3A_451, %lt3A_453 : vector<16x1xi32>
      %gt3A_455 = arith.constant 0xFF800000 : f32
      %gt3A_456 = vector.broadcast %gt3A_455 : f32 to vector<16x1xf32>
      %gt3A_457 = arith.cmpf ogt, %broadcast_in_dim3A_167, %gt3A_456 : vector<16x1xf32>
      %and3A_458 = arith.andi %lt3A_454, %gt3A_457 : vector<16x1xi1>
      %reduce_or3A_459 = arith.constant 1.000000e+00 : f32
      %reduce_or3A_460 = arith.constant 0.000000e+00 : f32
      %reduce_or3A_461 = vector.broadcast %reduce_or3A_459 : f32 to vector<16x1xf32>
      %reduce_or3A_462 = vector.broadcast %reduce_or3A_460 : f32 to vector<16x1xf32>
      %reduce_or3A_463 = arith.select %and3A_458, %reduce_or3A_461, %reduce_or3A_462 : vector<16x1xi1>, vector<16x1xf32>
      %reduce_or3A_464 = vector.shape_cast %reduce_or3A_463 : vector<16x1xf32> to vector<1x16x1xf32>
      %reduce_or3A_465 = arith.constant dense<0xFF800000> : vector<1xf32>
      %reduce_or3A_466 = vector.multi_reduction <maximumf>, %reduce_or3A_464, %reduce_or3A_465 [1, 2] : vector<1x16x1xf32> to vector<1xf32>
      %reduce_or3A_467 = vector.shape_cast %reduce_or3A_466 : vector<1xf32> to vector<1x1x1xf32>
      %reduce_or3A_468 = vector.extract %reduce_or3A_467[0, 0, 0] : f32 from vector<1x1x1xf32>
      %reduce_or3A_469 = arith.constant 0.000000e+00 : f32
      %reduce_or3A_470 = arith.cmpf ogt, %reduce_or3A_468, %reduce_or3A_469 : f32
      scf.yield %add3A_451, %reduce_or3A_470 : vector<16x1xi32>, i1
    }
    return
  }
}

</mosaic_0001>

<sc_bundles>
// kernel: kernel.6.cloned.1.call-start
scs
__scs_entry_jumppad:
0x0: {  	(pc) =	sbr.rel $0x88, $3  }
0x1: {  	(tag) =	ssettag $0x0;
	lr =	simm.s32 $0x1  }
0x2: {  	[smem:$0x3FA0] =	sst lr;
	_ =	strace $0xD0000000  }
0x3: {  	_ = 	snop  }
0x4: {  	_ = 	snop  }
0x5: {  	_ = 	snop  }
0x6: {  	_ = 	snop  }
0x7: {  	_ = 	snop  }
__scs_overlays_trampoline_lowered:
0x8: {  	[smem:$0x3FAF] =	sst s0  }
0x9: {  	[smem:$0x3FB0] =	sst s1  }
0xa: {  	[smem:$0x3FB1] =	sst s2  }
0xb: {  	[smem:$0x3FB2] =	sst s3  }
0xc: {  	[smem:$0x3FB3] =	sst s4  }
0xd: {  	[smem:$0x3FB4] =	sst s5  }
0xe: {  	[smem:$0x3FB5] =	sst s6  }
0xf: {  	[smem:$0x3FB6] =	sst s7  }
0x10: {  	[smem:$0x3FB7] =	sst s8  }
0x11: {  	[smem:$0x3FB8] =	sst s9;
	s0 =	simm.s32 @!p0 $0x0  }
0x12: {  	s1 =	sld [smem:$0x3F9E];
	s0 =	simm.s32 @p0 $0x1  }
0x13: {  	[smem:$0x3FB9] =	sst s0;
	s0 =	simm.s32 @!p1 $0x0  }
0x14: {  	s2 =	sld [smem:$0x3F9D];
	s0 =	simm.s32 @p1 $0x1  }
0x15: {  	[smem:$0x3FBA] =	sst s0;
	s0 =	simm.s32 @!p2 $0x0  }
0x16: {  	s3 =	sld [smem:$0x3FDB];
	s0 =	simm.s32 @p2 $0x1  }
0x17: {  	s4 =	simm.s32 $0x1BF5;
	[smem:$0x3FBC] =	sst s0  }
0x18: {  	s0 =	sld [smem:$0x3F9F];
	_ =	swait.ge [sflag:s4], $0x0  }
0x19: {  	s7 =	sld [smem:$0x3FA0]  }
0x1a: {  	s8 =	sadd.s32 $0xFFFFE003, lr  }
0x1b: {  	s9 =	sadd.s32 $0xFFFFFEF7, lr;
	s5 =	simm.s32 $0xFFFFFFFF;
	p2 =	slt.u32 s8, $0xFFFFF086  }
0x1c: {  	p1 =	slt.u32 s9, $0xF7A;
	s5 =	simm.s32 @!p2 $0x0  }
0x1d: {  	s5 =	simm.s32 @p1 $0x1;
	p0 =	seq.s32 s7, s2  }
0x1e: {  	s7 =	smul.u32 @!p0 $0xF7A, s2;
	p2 =	seq.s32 @!p0 s5, $0x0  }
0x1f: {  	s9 =	smul.u32 $0xF7A, s1;
	s8 =	simm.s32 @!p0 $0x1BF5;
	p2 =	por !p2, p0  }
0x20: {  	[sflag:s8] =	ssyncset.s32 @!p0 $0xFFFFF086;
	s6 =	sadd.s32 @!p0 s3, s7;
	s7 =	simm.s32 @!p0 $0x108  }
0x21: {  	s3 =	sadd.s32 s3, s9;
	s6 =	sadd.s32 @!p0 $0x88, s6;
	s7 =	simm.s32 @p2 $0x1082  }
0x22: {  	[simem:s7], [sflag:s8] =	dma.local @!p0 [hbm:s6], $0xF7A  }
0x23: {  	s9 =	sor.u32 $0xD0000000, s2;
	s6 =	simm.s32 $0x108;
	_ =	swait.ge @!p0 [sflag:s8], $0x0  }
0x24: {  	s3 =	sadd.s32 $0x88, s3;
	s6 =	simm.s32 @!p1 $0x1082;
	[sflag:s4] =	ssyncset.s32 $0xFFFFF086  }
0x25: {  	[simem:s6], [sflag:s4] =	dma.local [hbm:s3], $0xF7A  }
0x26: {  	[smem:$0x3FA0] =	sst s1;
	(tag) =	ssettag s2;
	_ =	strace s9  }
0x27: {  	s1 =	sld [smem:$0x3FB0]  }
0x28: {  	s2 =	sld [smem:$0x3FB1]  }
0x29: {  	s4 =	sld [smem:$0x3FB3]  }
0x2a: {  	p0 =	seq.s32 s5, $0x0;
	s5 =	sld [smem:$0x3FB4]  }
0x2b: {  	s6 =	sld [smem:$0x3FB5]  }
0x2c: {  	s7 =	sld [smem:$0x3FB6]  }
0x2d: {  	s3 =	simm.s32 $0x108;
	s8 =	sld [smem:$0x3FB7]  }
0x2e: {  	s3 =	simm.s32 @!p0 $0x1082;
	s9 =	sld [smem:$0x3FB8]  }
0x2f: {  	lr =	sadd.s32 s0, s3;
	s0 =	sld [smem:$0x3FAF]  }
0x30: {  	s3 =	sld [smem:$0x3FB2]  }
0x31: {  	[smem:$0x3FBB] =	sst s10  }
0x32: {  	s10 =	sld [smem:$0x3FB9];
	_ =	sdelay $0x3  }
0x33: {  	p0 =	seq.s32 s10, $0x1;
	s10 =	sld [smem:$0x3FBB];
	_ =	sdelay $0x3  }
0x34: {  	[smem:$0x3FBB] =	sst s10  }
0x35: {  	s10 =	sld [smem:$0x3FBA];
	_ =	sdelay $0x3  }
0x36: {  	p1 =	seq.s32 s10, $0x1;
	s10 =	sld [smem:$0x3FBB];
	_ =	sdelay $0x3  }
0x37: {  	[smem:$0x3FBB] =	sst s10  }
0x38: {  	s10 =	sld [smem:$0x3FBC]  }
0x39: {  	_ = 	snop;
	(pc) =	sbr.ind lr, $3  }
0x3a: {  	_ = 	snop  }
0x3b: {  	_ = 	snop  }
0x3c: {  	p2 =	seq.s32 s10, $0x1;
	s10 =	sld [smem:$0x3FBB]  }
0x3d: {  	_ =	shalt  }
0x3e: {  	_ =	shalt  }
0x3f: {  	_ =	shalt  }
0x40: {  	_ =	shalt  }
0x41: {  	_ =	shalt  }
0x42: {  	_ =	shalt  }
0x43: {  	_ =	shalt  }
0x44: {  	_ =	shalt  }
0x45: {  	_ =	shalt  }
0x46: {  	_ =	shalt  }
0x47: {  	_ =	shalt  }
0x48: {  	_ =	shalt  }
0x49: {  	_ =	shalt  }
0x4a: {  	_ =	shalt  }
0x4b: {  	_ =	shalt  }
0x4c: {  	_ =	shalt  }
0x4d: {  	_ =	shalt  }
0x4e: {  	_ =	shalt  }
0x4f: {  	_ =	shalt  }
0x50: {  	_ =	shalt  }
0x51: {  	_ =	shalt  }
0x52: {  	_ =	shalt  }
0x53: {  	_ =	shalt  }
0x54: {  	_ =	shalt  }
0x55: {  	_ =	shalt  }
0x56: {  	_ =	shalt  }
0x57: {  	_ =	shalt  }
0x58: {  	_ =	shalt  }
0x59: {  	_ =	shalt  }
0x5a: {  	_ =	shalt  }
0x5b: {  	_ =	shalt  }
0x5c: {  	_ =	shalt  }
0x5d: {  	_ =	shalt  }
0x5e: {  	_ =	shalt  }
0x5f: {  	_ =	shalt  }
0x60: {  	_ =	shalt  }
0x61: {  	_ =	shalt  }
0x62: {  	_ =	shalt  }
0x63: {  	_ =	shalt  }
0x64: {  	_ =	shalt  }
0x65: {  	_ =	shalt  }
0x66: {  	_ =	shalt  }
0x67: {  	_ =	shalt  }
0x68: {  	_ =	shalt  }
0x69: {  	_ =	shalt  }
0x6a: {  	_ =	shalt  }
0x6b: {  	_ =	shalt  }
0x6c: {  	_ =	shalt  }
0x6d: {  	_ =	shalt  }
0x6e: {  	_ =	shalt  }
0x6f: {  	_ =	shalt  }
0x70: {  	_ =	shalt  }
0x71: {  	_ =	shalt  }
0x72: {  	_ =	shalt  }
0x73: {  	_ =	shalt  }
0x74: {  	_ =	shalt  }
0x75: {  	_ =	shalt  }
0x76: {  	_ =	shalt  }
0x77: {  	_ =	shalt  }
0x78: {  	_ =	shalt  }
0x79: {  	_ =	shalt  }
0x7a: {  	_ =	shalt  }
0x7b: {  	_ =	shalt  }
0x7c: {  	_ =	shalt  }
0x7d: {  	_ =	shalt  }
0x7e: {  	_ =	shalt  }
0x7f: {  	_ =	shalt  }
0x80: {  	_ =	shalt  }
0x81: {  	_ =	shalt  }
0x82: {  	_ =	shalt  }
0x83: {  	_ =	shalt  }
0x84: {  	_ =	shalt  }
0x85: {  	_ =	shalt  }
0x86: {  	_ =	shalt  }
0x87: {  	_ =	shalt  }
.Lfunc_end0:
.L_simem_size_0:
called_computation_lowered:
.L_overlay_start_0:
0x88: {  	s2 =	sld [smem:$0x3FD9]  }
0x89: {  	s3 =	sld [smem:$0x3FFE];
	_ =	sdelay $0x1  }
0x8a: {  	s1 =	srdreg.scid  }
0x8b: {  	s0 =	sand.u32 $0x1, s1  }
0x8c: {  	s17 =	sshll.u32 s0, $0xA;
	s2 =	sadd.s32 s3, s2  }
0x8d: {  	s2 =	sadd.s32 s2, s17  }
0x8e: {  	[smem:$0x3FC7] =	sst s2  }
0x8f: {  	_ = 	snop  }
0x90: {  	s2 =	sld [smem:$0x3FD0];
	(tm) =	ssettm $0x1  }
0x91: {  	s18 =	sld [smem:$0x3FFB];
	_ =	sdelay $0x3  }
0x92: {  	_ =	strace s18  }
0x93: {  	s3 =	sld [smem:$0x3FFC];
	_ =	sdelay $0x3  }
0x94: {  	_ =	strace s3  }
0x95: {  	s3 =	sld [smem:$0x3FFD];
	_ =	sdelay $0x3  }
0x96: {  	_ =	strace s3  }
0x97: {  	_ =	strace $0x8FFFFFFF  }
0x98: {  	s19 =	sld [smem:$0x3FDB];
	_ =	sdelay $0x1  }
0x99: {  	s4 =	simm.s32 $_scs_section_size  }
0x9a: {  	s5 =	simm.s32 $_size__tile_overlayer_lowered;
	s6 =	simm.s32 $_tile_overlayer_lowered  }
0x9b: {  	s22 =	simm.s32 $0x1BFF;
	s21 =	sshll.u32 s6, $0x1;
	s3 =	sadd.s32 s4, s19  }
0x9c: {  	s7 =	simm.s32 $0x0;
	s20 =	sshll.u32 s5, $0x1;
	s5 =	sadd.s32 s21, s3  }
0x9d: {  	[timem:s7], [sflag:s22] =	dma.local [hbm:s5], s20  }
0x9e: {  	_ =	swait.ge [sflag:s22], s20  }
0x9f: {  	s4 =	ssub.s32 $0x0, s20;
	[sflag:s22] =	ssyncset.done $0x0  }
0xa0: {  	[sflag:s22] =	ssyncadd.s32 s4;
	_ =	sdelay $0x1  }
0xa1: {  	s23 =	simm.s32 $0x1B8B  }
0xa2: {  	_ =	swait.ge [sflag:s23], $0x1  }
0xa3: {  	[sflag:s23] =	ssyncset.done $0x0  }
0xa4: {  	s25 =	simm.s32 $0x1B8E;
	s24 =	sld [smem:$0x3FFE];
	[sflag:s23] =	ssyncadd.s32 $0xFFFFFFFF  }
0xa5: {  	s26 =	simm.s32 $execute0_lowered;
	[smem:$0x3FD2] =	sst s25  }
0xa6: {  	s5 =	sshll.u32 s26, $0x1;
	_ =	strace $0x80000046;
	[dreg:$0x1] =	wrdreg $0xFFFFFFFF  }
0xa7: {  	s28 =	simm.s32 $_size_execute0_lowered;
	s3 =	sadd.s32 s3, s5;
	[dreg:$0x0] =	wrdreg $0x0  }
0xa8: {  	s5 =	sshll.u32 s28, $0x1;
	[dreg:$0x2] =	wrdreg s3  }
0xa9: {  	[dreg:$0x3] =	wrdreg s5  }
0xaa: {  	[dreg:$0x4] =	wrdreg $0xC0  }
0xab: {  	_ =	task [dreg:s7], $0x5FFFF  }
0xac: {  	[dreg:$0x1] =	wrdreg $0xFFFFFFFF  }
0xad: {  	[dreg:$0x0] =	wrdreg $0x60  }
0xae: {  	[dreg:$0x2] =	wrdreg s24  }
0xaf: {  	[dreg:$0x3] =	wrdreg s2  }
0xb0: {  	[dreg:$0x4] =	wrdreg $0x9  }
0xb1: {  	_ =	task.clear_ibuf [dreg:s7], $0x5FFFF;
	_ =	strace $0x90000046  }
0xb2: {  	s29 =	simm.s32 $0x9;
	_ =	strace $0x80000048  }
0xb3: {  	_ =	swait.ge [sflag:s29], $0x1  }
0xb4: {  	[sflag:s29] =	ssyncadd.s32 $0xFFFFFFFF  }
0xb5: {  	_ =	strace $0x90000048  }
0xb6: {  	_ =	sfence  }
0xb7: {  	s30 =	sld [smem:$0x0];
	_ =	sdelay $0x2  }
0xb8: {  	s31 =	sshll.u32 s1, $0xD;
	s1 =	sshrl.u32 s1, $0x2  }
0xb9: {  	s3 =	sand.u32 $0x4000, s31;
	s1 =	sadd.s32 s1, s30  }
0xba: {  	s0 =	sor.u32 s3, s0;
	s1 =	sshll.u32 s1, $0x11  }
0xbb: {  	s0 =	sor.u32 s1, s0  }
0xbc: {  	s0 =	sadd.s32 $0x8F2B, s0  }
0xbd: {  	[sflag:s0] =	ssyncadd.remote.s32 $0x1  }
0xbe: {  	_ =	sfence.sel $0xFFFF  }
0xbf: {  	[dreg:$0x0] =	wrdreg $0xFFFFFFFF;
	(pc) =	sbr.abs _section_cstart, $3  }
0xc0: {  	[dreg:$0x1] =	wrdreg $0xFFFFFFFF  }
0xc1: {  	_ =	task.clear_ibuf [dreg:s7], $0x2FFFF;
	_ =	strace $0x9FFFFFFF  }
0xc2: {  	(tm) =	ssettm $0x7FFFFFFF  }
0xc3: {  	_ =	shalt  }
tec
execute0_lowered:
.L_overlay_start_1:
0x0: {  	(tag) =	ssettag $0x1  }
0x1: {  	s1 =	srdreg.scid;
	s3 =	rddreg [dreg:$0x0]  }
0x2: {  	s0 =	stileid.u32;
	s9 =	rddreg [dreg:$0x1];
	s6 =	sand.u32 $0x1, s1  }
0x3: {  	s2 =	simm.s32 $0x0;
	s18 =	simm.s32 $0x7800;
	s1 =	sor.u32 s6, s0  }
0x4: {  	s19 =	simm.s32 $0xA000;
	p1 =	seq.s32 s6, $0x1;
	p0 =	seq.s32 s1, $0x0  }
0x5: {  	[smem:$0x7FF] =	sst s2;
	s10 =	sadd.s32 $0x400, s3;
	p0 =	por !p0, !p1  }
0x6: {  	s8 =	ssub.s32 $0x2, s6;
	s1 =	simm.s32 $0x1;
	p0 =	por !p0, !p0  }
0x7: {  	s14 =	sadd.s32 $0x32400, s3;
	s11 =	sshrl.u32 s8, $0x1;
	s1 =	simm.s32 @!p0 $0x0  }
0x8: {  	s7 =	smul.u32 $0x2800, s6;
	s15 =	ssub.s32 s8, s11;
	s5 =	ssub.s32 s0, s1  }
0x9: {  	s3 =	simm.s32 $0x1;
	s15 =	smax.u32 s15, $0x1;
	s4 =	smul.u32 $0x19000, s5  }
0xa: {  	s1 =	rddreg [dreg:$0x2];
	_ =	strace $0x80000047;
	s12 =	sshll.u32 s5, $0x1  }
0xb: {  	s6 =	sor.u32 s6, s12;
	s28 =	sand.u32 $0x1FFFFFFE, s12;
	s7 =	sadd.s32 s7, s4  }
0xc: {  	s13 =	smul.u32 $0xA00, s6;
	s9 =	sadd.s32 s9, s28;
	s4 =	sshrl.u32 s7, $0x3  }
0xd: {  	s20 =	sadd.s32 $0x5000, s7;
	s21 =	sadd.s32 $0xA000, s7;
	s23 =	sadd.s32 $0xF000, s7  }
0xe: {  	s7 =	sadd.s32 $0x14000, s7;
	s4 =	sadd.s32 s10, s4;
	s8 =	sshrl.u32 s20, $0x3  }
0xf: {  	s22 =	sshrl.u32 s21, $0x3;
	s24 =	sshrl.u32 s23, $0x3;
	s25 =	sshrl.u32 s7, $0x3  }
0x10: {  	s26 =	sadd.s32 $0x200, s13;
	s29 =	sshrl.u32 s13, $0x3;
	s30 =	sadd.s32 $0x400, s13  }
0x11: {  	s31 =	sadd.s32 $0x600, s13;
	s13 =	sadd.s32 $0x800, s13;
	s20 =	simm.s32 $0xC800  }
0x12: {  	s21 =	simm.s32 $0xC880;
	s23 =	simm.s32 $0xCC80;
	s5 =	sadd.s32 s10, s8  }
0x13: {  	s6 =	sadd.s32 s10, s22;
	s7 =	sadd.s32 s10, s24;
	s8 =	sadd.s32 s10, s25  }
0x14: {  	s16 =	sshrl.u32 s26, $0x3;
	s10 =	sadd.s32 s14, s29;
	s12 =	sshrl.u32 s30, $0x3  }
0x15: {  	s17 =	sshrl.u32 s13, $0x3;
	s22 =	simm.s32 $0xCA80;
	s24 =	simm.s32 $0xCE80  }
0x16: {  	s25 =	simm.s32 $0xD080;
	s11 =	sadd.s32 s14, s16;
	s16 =	sshrl.u32 s31, $0x3  }
0x17: {  	s26 =	simm.s32 $0x0;
	s12 =	sadd.s32 s14, s12;
	s13 =	sadd.s32 s14, s16  }
0x18: {  	v0 =	vimm.f32 $-Inf;
	v1 =	vimm.f32 $0.0e+00;
	v2 =	vimm.s32 $0x0;
	s14 =	sadd.s32 s14, s17;
	s16 =	simm.s32 $0x2800;
	s17 =	simm.s32 $0x5000  }
.LBB2_1:
0x19: {  	[tilespmem:s2], [sflag:$0x1] =	stream.linear.gather [hbm4b:s4+s2], $0x2800, $0x38;
	[tilespmem:$0xD280] =	vst v63  }
0x1a: {  	_ =	swait.ge [sflag:s3], $0x2800  }
0x1b: {  	[sflag:s3] =	ssyncset.done $0x0  }
0x1c: {  	[sflag:s3] =	ssyncadd.s32 $0xFFFFD800  }
0x1d: {  	[tilespmem:s16], [sflag:$0x1] =	stream.linear.gather [hbm4b:s5+s2], $0x2800, $0x38;
	[tilespmem:$0xD280] =	vst v63  }
0x1e: {  	_ =	swait.ge [sflag:s3], $0x2800  }
0x1f: {  	[sflag:s3] =	ssyncset.done $0x0  }
0x20: {  	[sflag:s3] =	ssyncadd.s32 $0xFFFFD800  }
0x21: {  	[tilespmem:s17], [sflag:$0x1] =	stream.linear.gather [hbm4b:s6+s2], $0x2800, $0x38;
	[tilespmem:$0xD280] =	vst v63  }
0x22: {  	_ =	swait.ge [sflag:s3], $0x2800  }
0x23: {  	[sflag:s3] =	ssyncset.done $0x0  }
0x24: {  	[sflag:s3] =	ssyncadd.s32 $0xFFFFD800  }
0x25: {  	[tilespmem:s18], [sflag:$0x1] =	stream.linear.gather [hbm4b:s7+s2], $0x2800, $0x38;
	[tilespmem:$0xD280] =	vst v63  }
0x26: {  	_ =	swait.ge [sflag:s3], $0x2800  }
0x27: {  	[sflag:s3] =	ssyncset.done $0x0  }
0x28: {  	[sflag:s3] =	ssyncadd.s32 $0xFFFFD800  }
0x29: {  	[tilespmem:s19], [sflag:$0x1] =	stream.linear.gather [hbm4b:s8+s2], $0x2800, $0x38;
	[tilespmem:$0xD280] =	vst v63  }
0x2a: {  	_ =	swait.ge [sflag:s3], $0x2800  }
0x2b: {  	[sflag:s3] =	ssyncset.done $0x0  }
0x2c: {  	[sflag:s3] =	ssyncadd.s32 $0xFFFFD800  }
0x2d: {  	[tilespmem:s20], [sflag:$0x1] =	stream.linear.gather [hbm4b:s9+s2], $0x10, $0x38;
	[tilespmem:$0xD280] =	vst v63  }
0x2e: {  	_ =	swait.ge [sflag:s3], $0x10  }
0x2f: {  	[sflag:s3] =	ssyncset.done $0x0  }
0x30: {  	[sflag:s3] =	ssyncadd.s32 $0xFFFFFFF0  }
0x31: {  	[tilespmem:$0xC880] =	vst v0  }
0x32: {  	[tilespmem:$0xCA80] =	vst v1  }
0x33: {  	[tilespmem:$0xCC80] =	vst v1  }
0x34: {  	[tilespmem:$0xCE80] =	vst v1  }
0x35: {  	[tilespmem:$0xD080] =	vst v1  }
0x36: {  	[tilespmem:$0xC890] =	vst v0  }
0x37: {  	[tilespmem:$0xCA90] =	vst v1  }
0x38: {  	[tilespmem:$0xCC90] =	vst v1  }
0x39: {  	[tilespmem:$0xCE90] =	vst v1  }
0x3a: {  	[tilespmem:$0xD090] =	vst v1  }
0x3b: {  	[tilespmem:$0xC8A0] =	vst v0  }
0x3c: {  	[tilespmem:$0xCAA0] =	vst v1  }
0x3d: {  	[tilespmem:$0xCCA0] =	vst v1  }
0x3e: {  	[tilespmem:$0xCEA0] =	vst v1  }
0x3f: {  	[tilespmem:$0xD0A0] =	vst v1  }
0x40: {  	[tilespmem:$0xC8B0] =	vst v0  }
0x41: {  	[tilespmem:$0xCAB0] =	vst v1  }
0x42: {  	[tilespmem:$0xCCB0] =	vst v1  }
0x43: {  	[tilespmem:$0xCEB0] =	vst v1  }
0x44: {  	[tilespmem:$0xD0B0] =	vst v1  }
0x45: {  	[tilespmem:$0xC8C0] =	vst v0  }
0x46: {  	[tilespmem:$0xCAC0] =	vst v1  }
0x47: {  	[tilespmem:$0xCCC0] =	vst v1  }
0x48: {  	[tilespmem:$0xCEC0] =	vst v1  }
0x49: {  	[tilespmem:$0xD0C0] =	vst v1  }
0x4a: {  	[tilespmem:$0xC8D0] =	vst v0  }
0x4b: {  	[tilespmem:$0xCAD0] =	vst v1  }
0x4c: {  	[tilespmem:$0xCCD0] =	vst v1  }
0x4d: {  	[tilespmem:$0xCED0] =	vst v1  }
0x4e: {  	[tilespmem:$0xD0D0] =	vst v1  }
0x4f: {  	[tilespmem:$0xC8E0] =	vst v0  }
0x50: {  	[tilespmem:$0xCAE0] =	vst v1  }
0x51: {  	[tilespmem:$0xCCE0] =	vst v1  }
0x52: {  	[tilespmem:$0xCEE0] =	vst v1  }
0x53: {  	[tilespmem:$0xD0E0] =	vst v1  }
0x54: {  	[tilespmem:$0xC8F0] =	vst v0  }
0x55: {  	[tilespmem:$0xCAF0] =	vst v1  }
0x56: {  	[tilespmem:$0xCCF0] =	vst v1  }
0x57: {  	[tilespmem:$0xCEF0] =	vst v1  }
0x58: {  	[tilespmem:$0xD0F0] =	vst v1  }
0x59: {  	[tilespmem:$0xC900] =	vst v0  }
0x5a: {  	[tilespmem:$0xCB00] =	vst v1  }
0x5b: {  	[tilespmem:$0xCD00] =	vst v1  }
0x5c: {  	[tilespmem:$0xCF00] =	vst v1  }
0x5d: {  	[tilespmem:$0xD100] =	vst v1  }
0x5e: {  	[tilespmem:$0xC910] =	vst v0  }
0x5f: {  	[tilespmem:$0xCB10] =	vst v1  }
0x60: {  	[tilespmem:$0xCD10] =	vst v1  }
0x61: {  	[tilespmem:$0xCF10] =	vst v1  }
0x62: {  	[tilespmem:$0xD110] =	vst v1  }
0x63: {  	[tilespmem:$0xC920] =	vst v0  }
0x64: {  	[tilespmem:$0xCB20] =	vst v1  }
0x65: {  	[tilespmem:$0xCD20] =	vst v1  }
0x66: {  	[tilespmem:$0xCF20] =	vst v1  }
0x67: {  	[tilespmem:$0xD120] =	vst v1  }
0x68: {  	[tilespmem:$0xC930] =	vst v0  }
0x69: {  	[tilespmem:$0xCB30] =	vst v1  }
0x6a: {  	[tilespmem:$0xCD30] =	vst v1  }
0x6b: {  	[tilespmem:$0xCF30] =	vst v1  }
0x6c: {  	[tilespmem:$0xD130] =	vst v1  }
0x6d: {  	[tilespmem:$0xC940] =	vst v0  }
0x6e: {  	[tilespmem:$0xCB40] =	vst v1  }
0x6f: {  	[tilespmem:$0xCD40] =	vst v1  }
0x70: {  	[tilespmem:$0xCF40] =	vst v1  }
0x71: {  	[tilespmem:$0xD140] =	vst v1  }
0x72: {  	[tilespmem:$0xC950] =	vst v0  }
0x73: {  	[tilespmem:$0xCB50] =	vst v1  }
0x74: {  	[tilespmem:$0xCD50] =	vst v1  }
0x75: {  	[tilespmem:$0xCF50] =	vst v1  }
0x76: {  	[tilespmem:$0xD150] =	vst v1  }
0x77: {  	[tilespmem:$0xC960] =	vst v0  }
0x78: {  	[tilespmem:$0xCB60] =	vst v1  }
0x79: {  	[tilespmem:$0xCD60] =	vst v1  }
0x7a: {  	[tilespmem:$0xCF60] =	vst v1  }
0x7b: {  	[tilespmem:$0xD160] =	vst v1  }
0x7c: {  	[tilespmem:$0xC970] =	vst v0  }
0x7d: {  	[tilespmem:$0xCB70] =	vst v1  }
0x7e: {  	[tilespmem:$0xCD70] =	vst v1  }
0x7f: {  	[tilespmem:$0xCF70] =	vst v1  }
0x80: {  	[tilespmem:$0xD170] =	vst v1  }
0x81: {  	[tilespmem:$0xC980] =	vst v0  }
0x82: {  	[tilespmem:$0xCB80] =	vst v1  }
0x83: {  	[tilespmem:$0xCD80] =	vst v1  }
0x84: {  	[tilespmem:$0xCF80] =	vst v1  }
0x85: {  	[tilespmem:$0xD180] =	vst v1  }
0x86: {  	[tilespmem:$0xC990] =	vst v0  }
0x87: {  	[tilespmem:$0xCB90] =	vst v1  }
0x88: {  	[tilespmem:$0xCD90] =	vst v1  }
0x89: {  	[tilespmem:$0xCF90] =	vst v1  }
0x8a: {  	[tilespmem:$0xD190] =	vst v1  }
0x8b: {  	[tilespmem:$0xC9A0] =	vst v0  }
0x8c: {  	[tilespmem:$0xCBA0] =	vst v1  }
0x8d: {  	[tilespmem:$0xCDA0] =	vst v1  }
0x8e: {  	[tilespmem:$0xCFA0] =	vst v1  }
0x8f: {  	[tilespmem:$0xD1A0] =	vst v1  }
0x90: {  	[tilespmem:$0xC9B0] =	vst v0  }
0x91: {  	[tilespmem:$0xCBB0] =	vst v1  }
0x92: {  	[tilespmem:$0xCDB0] =	vst v1  }
0x93: {  	[tilespmem:$0xCFB0] =	vst v1  }
0x94: {  	[tilespmem:$0xD1B0] =	vst v1  }
0x95: {  	[tilespmem:$0xC9C0] =	vst v0  }
0x96: {  	[tilespmem:$0xCBC0] =	vst v1  }
0x97: {  	[tilespmem:$0xCDC0] =	vst v1  }
0x98: {  	[tilespmem:$0xCFC0] =	vst v1  }
0x99: {  	[tilespmem:$0xD1C0] =	vst v1  }
0x9a: {  	[tilespmem:$0xC9D0] =	vst v0  }
0x9b: {  	[tilespmem:$0xCBD0] =	vst v1  }
0x9c: {  	[tilespmem:$0xCDD0] =	vst v1  }
0x9d: {  	[tilespmem:$0xCFD0] =	vst v1  }
0x9e: {  	[tilespmem:$0xD1D0] =	vst v1  }
0x9f: {  	[tilespmem:$0xC9E0] =	vst v0  }
0xa0: {  	[tilespmem:$0xCBE0] =	vst v1  }
0xa1: {  	[tilespmem:$0xCDE0] =	vst v1  }
0xa2: {  	[tilespmem:$0xCFE0] =	vst v1  }
0xa3: {  	[tilespmem:$0xD1E0] =	vst v1  }
0xa4: {  	[tilespmem:$0xC9F0] =	vst v0  }
0xa5: {  	[tilespmem:$0xCBF0] =	vst v1  }
0xa6: {  	[tilespmem:$0xCDF0] =	vst v1  }
0xa7: {  	[tilespmem:$0xCFF0] =	vst v1  }
0xa8: {  	[tilespmem:$0xD1F0] =	vst v1  }
0xa9: {  	[tilespmem:$0xCA00] =	vst v0  }
0xaa: {  	[tilespmem:$0xCC00] =	vst v1  }
0xab: {  	[tilespmem:$0xCE00] =	vst v1  }
0xac: {  	[tilespmem:$0xD000] =	vst v1  }
0xad: {  	[tilespmem:$0xD200] =	vst v1  }
0xae: {  	[tilespmem:$0xCA10] =	vst v0  }
0xaf: {  	[tilespmem:$0xCC10] =	vst v1  }
0xb0: {  	[tilespmem:$0xCE10] =	vst v1  }
0xb1: {  	[tilespmem:$0xD010] =	vst v1  }
0xb2: {  	[tilespmem:$0xD210] =	vst v1  }
0xb3: {  	[tilespmem:$0xCA20] =	vst v0  }
0xb4: {  	[tilespmem:$0xCC20] =	vst v1  }
0xb5: {  	[tilespmem:$0xCE20] =	vst v1  }
0xb6: {  	[tilespmem:$0xD020] =	vst v1  }
0xb7: {  	[tilespmem:$0xD220] =	vst v1  }
0xb8: {  	[tilespmem:$0xCA30] =	vst v0  }
0xb9: {  	[tilespmem:$0xCC30] =	vst v1  }
0xba: {  	[tilespmem:$0xCE30] =	vst v1  }
0xbb: {  	[tilespmem:$0xD030] =	vst v1  }
0xbc: {  	[tilespmem:$0xD230] =	vst v1  }
0xbd: {  	[tilespmem:$0xCA40] =	vst v0  }
0xbe: {  	[tilespmem:$0xCC40] =	vst v1  }
0xbf: {  	[tilespmem:$0xCE40] =	vst v1  }
0xc0: {  	[tilespmem:$0xD040] =	vst v1  }
0xc1: {  	[tilespmem:$0xD240] =	vst v1  }
0xc2: {  	[tilespmem:$0xCA50] =	vst v0  }
0xc3: {  	[tilespmem:$0xCC50] =	vst v1  }
0xc4: {  	[tilespmem:$0xCE50] =	vst v1  }
0xc5: {  	[tilespmem:$0xD050] =	vst v1  }
0xc6: {  	[tilespmem:$0xD250] =	vst v1  }
0xc7: {  	[tilespmem:$0xCA60] =	vst v0  }
0xc8: {  	[tilespmem:$0xCC60] =	vst v1  }
0xc9: {  	[tilespmem:$0xCE60] =	vst v1  }
0xca: {  	[tilespmem:$0xD060] =	vst v1  }
0xcb: {  	[tilespmem:$0xD260] =	vst v1  }
0xcc: {  	[tilespmem:$0xCA70] =	vst v0  }
0xcd: {  	[tilespmem:$0xCC70] =	vst v1  }
0xce: {  	[tilespmem:$0xCE70] =	vst v1  }
0xcf: {  	[tilespmem:$0xD070] =	vst v1  }
0xd0: {  	s28 =	simm.s32 $0x0;
	s30 =	simm.s32 $0x40;
	s29 =	simm.s32 $0x0;
	v3 =	vld [tilespmem:$0xC800];
	[tilespmem:$0xD270] =	vst v1  }
.LBB2_2:
0xd1: {  	p0 =	sne.s32 s30, $0x9FC0;
	v4 =	vld [tilespmem:s28+$0x0];
	_ =	sdelay $0x4  }
0xd2: {  	vm0 =	vgt.f32 v4, v3  }
0xd3: {  	v5 =	vsel vm0, $0x1, v2  }
0xd4: {  	(xrf0) =	vadd.scan.msk.s32 $0xffff, v5;
	_ =	sdelay $0x2  }
0xd5: {  	v5 =	vmov s29  }
0xd6: {  	v5 =	vadd.s32 $0xFFFFFFFF, v5  }
0xd7: {  	v5 =	vbroadcast v5, $0x0  }
0xd8: {  	v6, _, _ =	vpop (xrf0)  }
0xd9: {  	v5 =	vadd.s32 v6, v5;
	(v2sf) =	vpush v6, $0xF;
	_ =	sdelay $0x4  }
0xda: {  	[tilespmem:v5+s21+$0x0] =	vst.idx.msk vm0, v4  }
0xdb: {  	v4 =	vld [tilespmem:s28+$0x2800];
	_ =	sdelay $0x4  }
0xdc: {  	[tilespmem:v5+s22+$0x0] =	vst.idx.msk vm0, v4  }
0xdd: {  	v4 =	vld [tilespmem:s28+$0x5000];
	_ =	sdelay $0x2  }
0xde: {  	s31 =	spop (v2sf)  }
0xdf: {  	s29 =	sadd.s32 s29, s31  }
0xe0: {  	[tilespmem:v5+s23+$0x0] =	vst.idx.msk vm0, v4  }
0xe1: {  	v4 =	vld [tilespmem:s28+$0x7800];
	_ =	sdelay $0x4  }
0xe2: {  	[tilespmem:v5+s24+$0x0] =	vst.idx.msk vm0, v4  }
0xe3: {  	v4 =	vld [tilespmem:s28+$0xA000]  }
.Ltmp0:
0xe4: {  	(pc) =	sbr.rel @p0 .LBB2_2-.Ltmp0, $2  }
0xe5: {  	_ =	sdelay $0x2  }
0xe6: {  	s28 =	sshra.s32 s30, $0x2;
	s30 =	sadd.s32 $0x40, s30;
	[tilespmem:v5+s25+$0x0] =	vst.idx.msk vm0, v4  }
0xe7: {  	v4 =	vld [tilespmem:s28+$0x0];
	_ =	sdelay $0x4  }
0xe8: {  	vm0 =	vgt.f32 v4, v3  }
0xe9: {  	v3 =	vsel vm0, $0x1, v2  }
0xea: {  	(xrf0) =	vadd.scan.msk.s32 $0xffff, v3;
	_ =	sdelay $0x2  }
0xeb: {  	v3 =	vmov s29  }
0xec: {  	v3 =	vadd.s32 $0xFFFFFFFF, v3  }
0xed: {  	v3 =	vbroadcast v3, $0x0  }
0xee: {  	v5, _, _ =	vpop (xrf0)  }
0xef: {  	v3 =	vadd.s32 v5, v3;
	_ =	sdelay $0x4  }
0xf0: {  	[tilespmem:v3+s21+$0x0] =	vst.idx.msk vm0, v4  }
0xf1: {  	v4 =	vld [tilespmem:s28+$0x2800];
	_ =	sdelay $0x4  }
0xf2: {  	[tilespmem:v3+s22+$0x0] =	vst.idx.msk vm0, v4  }
0xf3: {  	v4 =	vld [tilespmem:s28+$0x5000];
	_ =	sdelay $0x1  }
0xf4: {  	(v2sf) =	vpush v5, $0xF;
	_ =	sdelay $0x2  }
0xf5: {  	[tilespmem:v3+s23+$0x0] =	vst.idx.msk vm0, v4  }
0xf6: {  	v4 =	vld [tilespmem:s28+$0x7800];
	_ =	sdelay $0x4  }
0xf7: {  	[tilespmem:v3+s24+$0x0] =	vst.idx.msk vm0, v4  }
0xf8: {  	v4 =	vld [tilespmem:s28+$0xA000];
	_ =	sdelay $0x4  }
0xf9: {  	s31 =	spop (v2sf);
	[tilespmem:v3+s25+$0x0] =	vst.idx.msk vm0, v4  }
0xfa: {  	[hbm4b:s10+s2] =	stream.linear.scatter [tilespmem:s21], [sflag:$0x1], $0x200, $0x38;
	[tilespmem:$0xD280] =	vst v63  }
0xfb: {  	_ =	swait.ge [sflag:s3], $0x200  }
0xfc: {  	[sflag:s3] =	ssyncset.done $0x0  }
0xfd: {  	[sflag:s3] =	ssyncadd.s32 $0xFFFFFE00  }
0xfe: {  	[hbm4b:s11+s2] =	stream.linear.scatter [tilespmem:s22], [sflag:$0x1], $0x200, $0x38;
	[tilespmem:$0xD280] =	vst v63  }
0xff: {  	_ =	swait.ge [sflag:s3], $0x200  }
0x100: {  	[sflag:s3] =	ssyncset.done $0x0  }
0x101: {  	[sflag:s3] =	ssyncadd.s32 $0xFFFFFE00  }
0x102: {  	[hbm4b:s12+s2] =	stream.linear.scatter [tilespmem:s23], [sflag:$0x1], $0x200, $0x38;
	[tilespmem:$0xD280] =	vst v63  }
0x103: {  	_ =	swait.ge [sflag:s3], $0x200  }
0x104: {  	[sflag:s3] =	ssyncset.done $0x0  }
0x105: {  	[sflag:s3] =	ssyncadd.s32 $0xFFFFFE00  }
0x106: {  	[hbm4b:s13+s2] =	stream.linear.scatter [tilespmem:s24], [sflag:$0x1], $0x200, $0x38;
	[tilespmem:$0xD280] =	vst v63  }
0x107: {  	s26 =	sadd.s32 $0x1, s26;
	_ =	swait.ge [sflag:s3], $0x200  }
0x108: {  	p0 =	sne.s32 s26, s15;
	[sflag:s3] =	ssyncset.done $0x0  }
.Ltmp1:
0x109: {  	[sflag:s3] =	ssyncadd.s32 $0xFFFFFE00;
	(pc) =	sbr.rel @p0 .LBB2_1-.Ltmp1, $4  }
0x10a: {  	[hbm4b:s14+s2] =	stream.linear.scatter [tilespmem:s25], [sflag:$0x1], $0x200, $0x38;
	[tilespmem:$0xD280] =	vst v63  }
0x10b: {  	_ =	swait.ge [sflag:s3], $0x200  }
0x10c: {  	[sflag:s3] =	ssyncset.done $0x0  }
0x10d: {  	[sflag:s3] =	ssyncadd.s32 $0xFFFFFE00  }
0x10e: {  	_ =	sfence.sel $0x180000  }
0x10f: {  	[bflag:$0x0] =	sbarrier.arrive $0xFFFF  }
0x110: {  	p0 =	sne.s32 s0, $0x0;
	_ =	strace $0x90000047  }
0x111: {  	s0 =	sadd.s32 @!p0 $0x100000, s1;
	[bflag:$0x2] =	sbarrier.arrive $0xFFFF  }
0x112: {  	[sflag:s0] =	ssyncadd.tile.s32 @!p0 $0x1;
	_ =	shalt  }
.Lfunc_end2:
_tile_overlayer_lowered:
.L_overlay_start_2:
0x113: {  	(tag) =	ssettag $0x2  }
0x114: {  	s0 =	rddreg [dreg:$0x0];
	s2 =	stileid.u32  }
0x115: {  	s1 =	rddreg [dreg:$0x1];
	p0 =	sne.s32 s2, $0x0  }
0x116: {  	s3 =	rddreg [dreg:$0x2];
	[bflag:$0x3] =	sbarrier.arrive $0xFFFF;
	s2 =	simm.s32 @!p0 $0x1C01  }
0x117: {  	[timem:s3], [sflag:s2] =	dma.local @!p0 [hbm:s0], s1  }
0x118: {  	s0 =	simm.s32 @!p0 $0x1  }
0x119: {  	_ =	swait.ge @!p0 [sflag:s0], s1  }
0x11a: {  	s1 =	ssub.s32 @!p0 $0x0, s1;
	[sflag:s0] =	ssyncset.done @!p0 $0x0  }
0x11b: {  	[sflag:s0] =	ssyncadd.s32 @!p0 s1  }
0x11c: {  	[bflag:$0x3] =	sbarrier.arrive $0xFFFF  }
0x11d: {  	_ =	shalt  }

</sc_bundles>
